<compile_context>
chip_gen: v7x
topology: tpu7x:2x2x1
jax: 0.10.2.dev20260603
libtpu: 0.0.44.dev20260713+nightly
codegen_flags: <defaults>
</compile_context>

<pallas_src>
import functools

import jax
import jax.numpy as jnp
from jax import lax
from jax.experimental import pallas as pl
from jax.experimental.pallas import tpu as pltpu
from jax.experimental.pallas import tpu_sc as plsc

_VOCAB = 1000000
_D = 64
_B = 4096
_L = 200
_NUM_LABELS = 20
_MAX_NORM = 5.0

_NC = 2
_NS = 16
_NW = _NC * _NS
_SEQ_PER_W = _B // _NW
_CHUNK0 = 128
_CHUNK1 = _L - _CHUNK0

_DH = _D // 2
_NP = 128
_BLK = 512


_TCOLS = 16384
_THALF = _TCOLS // 2
_TGRID = -(-_VOCAB // _TCOLS)
_TROWS = _TGRID * _THALF


def _transpose_body(x_ref, o_ref):
    x = x_ref[...]
    ii = lax.broadcasted_iota(jnp.int32, (_D, _D), 0)
    jj = lax.broadcasted_iota(jnp.int32, (_D, _D), 1)
    eyem = jnp.where(ii == jj, jnp.float32(1.0), jnp.float32(0.0))
    xt = lax.dot_general(x, eyem, (((0,), (0,)), ((), ())),
                         preferred_element_type=jnp.float32)
    o_ref[...] = jnp.concatenate([xt[:_THALF], xt[_THALF:]], axis=1)


_transpose_table = pl.pallas_call(
    _transpose_body,
    grid=(_TGRID,),
    in_specs=[pl.BlockSpec((_D, _TCOLS), lambda i: (0, i))],
    out_specs=pl.BlockSpec((_THALF, 2 * _D), lambda i: (i, 0)),
    out_shape=jax.ShapeDtypeStruct((_TROWS, 2 * _D), jnp.float32),
    compiler_params=pltpu.CompilerParams(fuse_transposed_lhs_in_matmul=True),
)


_mesh = plsc.VectorSubcoreMesh(core_axis_name="c", subcore_axis_name="s")


@functools.partial(
    pl.kernel,
    out_type=jax.ShapeDtypeStruct((_B, _D), jnp.float32),
    mesh=_mesh,
    compiler_params=pltpu.CompilerParams(
        needs_layout_passes=False, use_tc_tiling_on_sc=False),
    scratch_types=[
        pltpu.VMEM((_SEQ_PER_W, _L), jnp.int32),
        pltpu.VMEM((2, _L), jnp.int32),
        pltpu.VMEM((2, _L, _D), jnp.float32),
        pltpu.VMEM((_SEQ_PER_W, _D), jnp.float32),
        pltpu.SemaphoreType.DMA,
        pltpu.SemaphoreType.DMA,
    ],
)
def _pooled_embed(ids_hbm, table_hbm, out_hbm,
                  ids_v, idx_v, rows_v, out_v, sem0, sem1):
    wid = lax.axis_index("c") * _NS + lax.axis_index("s")
    base = wid * _SEQ_PER_W
    pltpu.sync_copy(ids_hbm.at[pl.ds(base, _SEQ_PER_W)], ids_v)

    sems = (sem0, sem1)

    def _map_ids(v):
        return ((v >> 14) << 14) | ((v & (_THALF - 1)) << 1) | ((v >> 13) & 1)

    def _prep(s, b):
        for k in range(12):
            idx_v[b, pl.ds(k * 16, 16)] = _map_ids(ids_v[s, pl.ds(k * 16, 16)])
        idx_v[b, pl.ds(_L - 16, 16)] = _map_ids(ids_v[s, pl.ds(_L - 16, 16)])

    def _copies(b):
        sem = sems[b]
        c0 = pltpu.make_async_copy(
            table_hbm.at[idx_v.at[b, pl.ds(0, _CHUNK0)]],
            rows_v.at[b, pl.ds(0, _CHUNK0)], sem)
        c1 = pltpu.make_async_copy(
            table_hbm.at[idx_v.at[b, pl.ds(_CHUNK0, _CHUNK1)]],
            rows_v.at[b, pl.ds(_CHUNK0, _CHUNK1)], sem)
        return c0, c1

    def _issue(b):
        c0, c1 = _copies(b)
        c0.start()
        c1.start()

    def _wait(b):
        c0, c1 = _copies(b)
        c0.wait()
        c1.wait()

    def _compute(s, b):
        def row(r, acc):
            a0, a1, a2, a3 = acc
            v0 = rows_v[b, r, pl.ds(0, 16)]
            v1 = rows_v[b, r, pl.ds(16, 16)]
            v2 = rows_v[b, r, pl.ds(32, 16)]
            v3 = rows_v[b, r, pl.ds(48, 16)]
            p = v0 * v0 + v1 * v1 + v2 * v2 + v3 * v3
            nsq = jnp.sum(p)
            bits = lax.bitcast_convert_type(nsq, jnp.int32)
            y = lax.bitcast_convert_type(
                jnp.int32(0x5F3759DF) - (bits >> 1), jnp.float32)
            h = 0.5 * nsq
            y = y * (1.5 - h * y * y)
            scale = jnp.where(nsq > _MAX_NORM * _MAX_NORM, _MAX_NORM * y,
                              jnp.float32(1.0))
            sv = jnp.broadcast_to(scale, (16,))
            return (a0 + sv * v0, a1 + sv * v1, a2 + sv * v2, a3 + sv * v3)

        z = jnp.zeros((16,), jnp.float32)
        a0, a1, a2, a3 = lax.fori_loop(0, _L, row, (z, z, z, z), unroll=8)
        out_v[s, pl.ds(0, 16)] = a0
        out_v[s, pl.ds(16, 16)] = a1
        out_v[s, pl.ds(32, 16)] = a2
        out_v[s, pl.ds(48, 16)] = a3

    _prep(0, 0)
    _issue(0)

    def outer(i, carry):
        s0 = 2 * i
        _prep(s0 + 1, 1)
        _issue(1)
        _wait(0)
        _compute(s0, 0)

        @pl.when(s0 + 2 < _SEQ_PER_W)
        def _():
            _prep(s0 + 2, 0)
            _issue(0)

        _wait(1)
        _compute(s0 + 1, 1)
        return carry

    lax.fori_loop(0, _SEQ_PER_W // 2, outer, 0)
    pltpu.sync_copy(out_v, out_hbm.at[pl.ds(base, _SEQ_PER_W)])



def _mlp_body(x_ref, w1_ref, b1_ref, w2_ref, b2_ref, o_ref):
    x = jnp.maximum(x_ref[...], 0.0)
    y = jnp.dot(x, w1_ref[...], preferred_element_type=jnp.float32) + b1_ref[...]
    y = jnp.maximum(y, 0.0)
    o_ref[...] = jnp.dot(y, w2_ref[...], preferred_element_type=jnp.float32) + b2_ref[...]


_mlp = pl.pallas_call(
    _mlp_body,
    grid=(_B // _BLK,),
    in_specs=[
        pl.BlockSpec((_BLK, _D), lambda i: (i, 0)),
        pl.BlockSpec((_D, _NP), lambda i: (0, 0)),
        pl.BlockSpec((1, _NP), lambda i: (0, 0)),
        pl.BlockSpec((_NP, _NP), lambda i: (0, 0)),
        pl.BlockSpec((1, _NP), lambda i: (0, 0)),
    ],
    out_specs=pl.BlockSpec((_BLK, _NP), lambda i: (i, 0)),
    out_shape=jax.ShapeDtypeStruct((_B, _NP), jnp.float32),
)


def kernel(input_ids, table, W1, b1, W2, b2):
    ids = input_ids.astype(jnp.int32)
    table_rm = _transpose_table(table.T)
    table64 = jnp.reshape(table_rm, (2 * _TROWS, _D))
    sums = _pooled_embed(ids, table64)
    w1p = jnp.zeros((_D, _NP), jnp.float32).at[:, :_DH].set(W1.T / float(_L))
    b1p = jnp.zeros((1, _NP), jnp.float32).at[0, :_DH].set(b1)
    w2p = jnp.zeros((_NP, _NP), jnp.float32).at[:_DH, :_NUM_LABELS].set(W2.T)
    b2p = jnp.zeros((1, _NP), jnp.float32).at[0, :_NUM_LABELS].set(b2)
    out = _mlp(sums, w1p, b1p, w2p, b2p)
    return out[:, :_NUM_LABELS]

# --- scband reference (transcript-rebuilt; emitter-appended) ---
"""Pipeline reference for scband-text-classifier-30227979829376 (READ-ONLY COPY).

The authoritative reference and input builder live on the scoring server;
editing this copy changes nothing except your own understanding.
"""

import jax, jax.numpy as jnp
import numpy as np

VOCAB = 1000000
D = 64
B = 4096
L = 200
NUM_LABELS = 20
MAX_NORM = 5.0


def _renorm_rows(e, max_norm=MAX_NORM):
    # torch nn.Embedding(max_norm=...) renorms looked-up rows whose norm exceeds max_norm
    norm = jnp.linalg.norm(e, axis=-1, keepdims=True)
    scale = jnp.where(norm > max_norm, max_norm / (norm + 1e-7), 1.0)
    return e * scale


def setup_inputs(seed: int = 0) -> dict:
    key = jax.random.key(seed)
    ks = jax.random.split(key, 6)
    input_ids = jax.random.randint(ks[0], (B, L), 0, VOCAB)
    table = jax.random.normal(ks[1], (VOCAB, D), dtype=jnp.float32)
    W1 = jax.random.normal(ks[2], (D // 2, D), dtype=jnp.float32) * 0.05
    b1 = jnp.zeros((D // 2,), dtype=jnp.float32)
    W2 = jax.random.normal(ks[3], (NUM_LABELS, D // 2), dtype=jnp.float32) * 0.05
    b2 = jnp.zeros((NUM_LABELS,), dtype=jnp.float32)
    return {"input_ids": input_ids, "table": table, "W1": W1, "b1": b1, "W2": W2, "b2": b2}


def reference(input_ids, table, W1, b1, W2, b2):
    # embedding lookup with max_norm renorm, padding_idx = vocab handled implicitly
    e = jnp.take(table, input_ids, axis=0)          # [B, L, D] gather
    e = _renorm_rows(e).astype(jnp.float32)
    sent_embs = jnp.mean(e, axis=1)                  # [B, D]
    # pre_classifier: ReLU -> Dropout(eval: identity) -> Linear(D, D//2)
    x = jax.nn.relu(sent_embs)
    x = x @ W1.T + b1
    # head: ReLU -> Dropout(eval: identity) -> Linear(D//2, num_labels)
    x = jax.nn.relu(x)
    logits = x @ W2.T + b2
    return logits

if __name__ == "__main__":
    import jax
    _d = setup_inputs()
    print(jax.jit(kernel)(*tuple(_d.values())))

</pallas_src>

<mosaic_0001>
#map = affine_map<(d0, d1) -> (0, 0)>
module attributes {stable_mosaic.version = 14 : i64} {
  func.func @_pooled_embed(%arg0: i32, %arg1: i32, %arg2: memref<4096x200xi32, #tpu.memory_space<hbm>>, %arg3: memref<1015808x64xf32, #tpu.memory_space<hbm>>, %arg4: memref<4096x64xf32, #tpu.memory_space<hbm>>, %arg5: memref<128x200xi32, #tpu.memory_space<vmem>>, %arg6: memref<2x200xi32, #tpu.memory_space<vmem>>, %arg7: memref<2x200x64xf32, #tpu.memory_space<vmem>>, %arg8: memref<128x64xf32, #tpu.memory_space<vmem>>, %arg9: memref<!tpu.dma_semaphore, #tpu.memory_space<semaphore_mem>>, %arg10: memref<!tpu.dma_semaphore, #tpu.memory_space<semaphore_mem>>) attributes {dimension_semantics = [#tpu.dimension_semantics<core_parallel>, #tpu.dimension_semantics<subcore_parallel>], iteration_bounds = array<i64: 2, 16>, scalar_prefetch = 0 : i64, scratch_operands = 6 : i64, tpu.core_type = #tpu.core_type<sc_vector_subcore>, window_params = [{transform_indices = #map}, {transform_indices = #map}, {transform_indices = #map}]} {
    %mul3A = arith.constant 16 : i32
    %mul3A_0 = arith.muli %arg0, %mul3A : i32
    %add3A = arith.addi %mul3A_0, %arg1 : i32
    %mul3A_1 = arith.constant 128 : i32
    %mul3A_2 = arith.muli %add3A, %mul3A_1 : i32
    "tpu.region"() ({
      %run_scoped3A = tpu.sem_alloc : memref<!tpu.dma_semaphore, #tpu.memory_space<semaphore_mem>>
      %dma_start3A_389 = arith.constant 0 : i32
      %dma_start3A_390 = tpu.memref_slice %arg2[%mul3A_2, %dma_start3A_389] : memref<4096x200xi32, #tpu.memory_space<hbm>> -> memref<128x200xi32, #tpu.memory_space<hbm>>
      %dma_start3A_391 = arith.constant 0 : i32
      %dma_start3A_392 = tpu.memref_slice %arg2[%mul3A_2, %dma_start3A_391] : memref<4096x200xi32, #tpu.memory_space<hbm>> -> memref<128x200xi32, #tpu.memory_space<hbm>>
      tpu.enqueue_dma source(%dma_start3A_392 : memref<128x200xi32, #tpu.memory_space<hbm>>) target(%arg5 : memref<128x200xi32, #tpu.memory_space<vmem>>) target_semaphore(%run_scoped3A : memref<!tpu.dma_semaphore, #tpu.memory_space<semaphore_mem>>)
      %dma_wait3A = arith.constant 0 : i32
      %dma_wait3A_393 = tpu.memref_slice %arg2[%mul3A_2, %dma_wait3A] : memref<4096x200xi32, #tpu.memory_space<hbm>> -> memref<128x200xi32, #tpu.memory_space<hbm>>
      %dma_wait3A_394 = arith.constant 0 : i32
      %dma_wait3A_395 = tpu.memref_slice %arg2[%mul3A_2, %dma_wait3A_394] : memref<4096x200xi32, #tpu.memory_space<hbm>> -> memref<128x200xi32, #tpu.memory_space<hbm>>
      tpu.wait_dma2 semaphore(%run_scoped3A : memref<!tpu.dma_semaphore, #tpu.memory_space<semaphore_mem>>) src(%dma_wait3A_395 : memref<128x200xi32, #tpu.memory_space<hbm>>) dst(%arg5 : memref<128x200xi32, #tpu.memory_space<vmem>>)
      tpu.yield
    }) : () -> ()
    %get3A = arith.constant 0 : i32
    %get3A_3 = arith.index_cast %get3A : i32 to index
    %get3A_4 = arith.constant 0 : index
    %get3A_5 = tpu.vector_load %arg5[%get3A_3, %get3A_4] {strides = array<i32>} : memref<128x200xi32, #tpu.memory_space<vmem>>, vector<16xi32>,
    %shift_right_arithmetic3A = arith.constant 14 : i32
    %shift_right_arithmetic3A_6 = vector.broadcast %shift_right_arithmetic3A : i32 to vector<16xi32>
    %shift_right_arithmetic3A_7 = arith.shrsi %get3A_5, %shift_right_arithmetic3A_6 : vector<16xi32>
    %shift_left3A = arith.constant 14 : i32
    %shift_left3A_8 = vector.broadcast %shift_left3A : i32 to vector<16xi32>
    %shift_left3A_9 = arith.shli %shift_right_arithmetic3A_7, %shift_left3A_8 : vector<16xi32>
    %and3A = arith.constant 8191 : i32
    %and3A_10 = vector.broadcast %and3A : i32 to vector<16xi32>
    %and3A_11 = arith.andi %get3A_5, %and3A_10 : vector<16xi32>
    %shift_left3A_12 = arith.constant 1 : i32
    %shift_left3A_13 = vector.broadcast %shift_left3A_12 : i32 to vector<16xi32>
    %shift_left3A_14 = arith.shli %and3A_11, %shift_left3A_13 : vector<16xi32>
    %or3A = arith.ori %shift_left3A_9, %shift_left3A_14 : vector<16xi32>
    %shift_right_arithmetic3A_15 = arith.constant 13 : i32
    %shift_right_arithmetic3A_16 = vector.broadcast %shift_right_arithmetic3A_15 : i32 to vector<16xi32>
    %shift_right_arithmetic3A_17 = arith.shrsi %get3A_5, %shift_right_arithmetic3A_16 : vector<16xi32>
    %and3A_18 = arith.constant 1 : i32
    %and3A_19 = vector.broadcast %and3A_18 : i32 to vector<16xi32>
    %and3A_20 = arith.andi %shift_right_arithmetic3A_17, %and3A_19 : vector<16xi32>
    %or3A_21 = arith.ori %or3A, %and3A_20 : vector<16xi32>
    %swap3A = arith.constant 0 : i32
    %swap3A_22 = arith.index_cast %swap3A : i32 to index
    %swap3A_23 = arith.constant 0 : index
    %swap3A_24 = tpu.vector_load %arg6[%swap3A_22, %swap3A_23] {strides = array<i32>} : memref<2x200xi32, #tpu.memory_space<vmem>>, vector<16xi32>,
    tpu.vector_store %arg6[%swap3A_22, %swap3A_23], %or3A_21 {strides = array<i32>} : memref<2x200xi32, #tpu.memory_space<vmem>>, vector<16xi32>,
    %get3A_25 = arith.constant 0 : i32
    %get3A_26 = arith.index_cast %get3A_25 : i32 to index
    %get3A_27 = arith.constant 16 : index
    %get3A_28 = tpu.vector_load %arg5[%get3A_26, %get3A_27] {strides = array<i32>} : memref<128x200xi32, #tpu.memory_space<vmem>>, vector<16xi32>,
    %shift_right_arithmetic3A_29 = arith.constant 14 : i32
    %shift_right_arithmetic3A_30 = vector.broadcast %shift_right_arithmetic3A_29 : i32 to vector<16xi32>
    %shift_right_arithmetic3A_31 = arith.shrsi %get3A_28, %shift_right_arithmetic3A_30 : vector<16xi32>
    %shift_left3A_32 = arith.constant 14 : i32
    %shift_left3A_33 = vector.broadcast %shift_left3A_32 : i32 to vector<16xi32>
    %shift_left3A_34 = arith.shli %shift_right_arithmetic3A_31, %shift_left3A_33 : vector<16xi32>
    %and3A_35 = arith.constant 8191 : i32
    %and3A_36 = vector.broadcast %and3A_35 : i32 to vector<16xi32>
    %and3A_37 = arith.andi %get3A_28, %and3A_36 : vector<16xi32>
    %shift_left3A_38 = arith.constant 1 : i32
    %shift_left3A_39 = vector.broadcast %shift_left3A_38 : i32 to vector<16xi32>
    %shift_left3A_40 = arith.shli %and3A_37, %shift_left3A_39 : vector<16xi32>
    %or3A_41 = arith.ori %shift_left3A_34, %shift_left3A_40 : vector<16xi32>
    %shift_right_arithmetic3A_42 = arith.constant 13 : i32
    %shift_right_arithmetic3A_43 = vector.broadcast %shift_right_arithmetic3A_42 : i32 to vector<16xi32>
    %shift_right_arithmetic3A_44 = arith.shrsi %get3A_28, %shift_right_arithmetic3A_43 : vector<16xi32>
    %and3A_45 = arith.constant 1 : i32
    %and3A_46 = vector.broadcast %and3A_45 : i32 to vector<16xi32>
    %and3A_47 = arith.andi %shift_right_arithmetic3A_44, %and3A_46 : vector<16xi32>
    %or3A_48 = arith.ori %or3A_41, %and3A_47 : vector<16xi32>
    %swap3A_49 = arith.constant 0 : i32
    %swap3A_50 = arith.index_cast %swap3A_49 : i32 to index
    %swap3A_51 = arith.constant 16 : index
    %swap3A_52 = tpu.vector_load %arg6[%swap3A_50, %swap3A_51] {strides = array<i32>} : memref<2x200xi32, #tpu.memory_space<vmem>>, vector<16xi32>,
    tpu.vector_store %arg6[%swap3A_50, %swap3A_51], %or3A_48 {strides = array<i32>} : memref<2x200xi32, #tpu.memory_space<vmem>>, vector<16xi32>,
    %get3A_53 = arith.constant 0 : i32
    %get3A_54 = arith.index_cast %get3A_53 : i32 to index
    %get3A_55 = arith.constant 32 : index
    %get3A_56 = tpu.vector_load %arg5[%get3A_54, %get3A_55] {strides = array<i32>} : memref<128x200xi32, #tpu.memory_space<vmem>>, vector<16xi32>,
    %shift_right_arithmetic3A_57 = arith.constant 14 : i32
    %shift_right_arithmetic3A_58 = vector.broadcast %shift_right_arithmetic3A_57 : i32 to vector<16xi32>
    %shift_right_arithmetic3A_59 = arith.shrsi %get3A_56, %shift_right_arithmetic3A_58 : vector<16xi32>
    %shift_left3A_60 = arith.constant 14 : i32
    %shift_left3A_61 = vector.broadcast %shift_left3A_60 : i32 to vector<16xi32>
    %shift_left3A_62 = arith.shli %shift_right_arithmetic3A_59, %shift_left3A_61 : vector<16xi32>
    %and3A_63 = arith.constant 8191 : i32
    %and3A_64 = vector.broadcast %and3A_63 : i32 to vector<16xi32>
    %and3A_65 = arith.andi %get3A_56, %and3A_64 : vector<16xi32>
    %shift_left3A_66 = arith.constant 1 : i32
    %shift_left3A_67 = vector.broadcast %shift_left3A_66 : i32 to vector<16xi32>
    %shift_left3A_68 = arith.shli %and3A_65, %shift_left3A_67 : vector<16xi32>
    %or3A_69 = arith.ori %shift_left3A_62, %shift_left3A_68 : vector<16xi32>
    %shift_right_arithmetic3A_70 = arith.constant 13 : i32
    %shift_right_arithmetic3A_71 = vector.broadcast %shift_right_arithmetic3A_70 : i32 to vector<16xi32>
    %shift_right_arithmetic3A_72 = arith.shrsi %get3A_56, %shift_right_arithmetic3A_71 : vector<16xi32>
    %and3A_73 = arith.constant 1 : i32
    %and3A_74 = vector.broadcast %and3A_73 : i32 to vector<16xi32>
    %and3A_75 = arith.andi %shift_right_arithmetic3A_72, %and3A_74 : vector<16xi32>
    %or3A_76 = arith.ori %or3A_69, %and3A_75 : vector<16xi32>
    %swap3A_77 = arith.constant 0 : i32
    %swap3A_78 = arith.index_cast %swap3A_77 : i32 to index
    %swap3A_79 = arith.constant 32 : index
    %swap3A_80 = tpu.vector_load %arg6[%swap3A_78, %swap3A_79] {strides = array<i32>} : memref<2x200xi32, #tpu.memory_space<vmem>>, vector<16xi32>,
    tpu.vector_store %arg6[%swap3A_78, %swap3A_79], %or3A_76 {strides = array<i32>} : memref<2x200xi32, #tpu.memory_space<vmem>>, vector<16xi32>,
    %get3A_81 = arith.constant 0 : i32
    %get3A_82 = arith.index_cast %get3A_81 : i32 to index
    %get3A_83 = arith.constant 48 : index
    %get3A_84 = tpu.vector_load %arg5[%get3A_82, %get3A_83] {strides = array<i32>} : memref<128x200xi32, #tpu.memory_space<vmem>>, vector<16xi32>,
    %shift_right_arithmetic3A_85 = arith.constant 14 : i32
    %shift_right_arithmetic3A_86 = vector.broadcast %shift_right_arithmetic3A_85 : i32 to vector<16xi32>
    %shift_right_arithmetic3A_87 = arith.shrsi %get3A_84, %shift_right_arithmetic3A_86 : vector<16xi32>
    %shift_left3A_88 = arith.constant 14 : i32
    %shift_left3A_89 = vector.broadcast %shift_left3A_88 : i32 to vector<16xi32>
    %shift_left3A_90 = arith.shli %shift_right_arithmetic3A_87, %shift_left3A_89 : vector<16xi32>
    %and3A_91 = arith.constant 8191 : i32
    %and3A_92 = vector.broadcast %and3A_91 : i32 to vector<16xi32>
    %and3A_93 = arith.andi %get3A_84, %and3A_92 : vector<16xi32>
    %shift_left3A_94 = arith.constant 1 : i32
    %shift_left3A_95 = vector.broadcast %shift_left3A_94 : i32 to vector<16xi32>
    %shift_left3A_96 = arith.shli %and3A_93, %shift_left3A_95 : vector<16xi32>
    %or3A_97 = arith.ori %shift_left3A_90, %shift_left3A_96 : vector<16xi32>
    %shift_right_arithmetic3A_98 = arith.constant 13 : i32
    %shift_right_arithmetic3A_99 = vector.broadcast %shift_right_arithmetic3A_98 : i32 to vector<16xi32>
    %shift_right_arithmetic3A_100 = arith.shrsi %get3A_84, %shift_right_arithmetic3A_99 : vector<16xi32>
    %and3A_101 = arith.constant 1 : i32
    %and3A_102 = vector.broadcast %and3A_101 : i32 to vector<16xi32>
    %and3A_103 = arith.andi %shift_right_arithmetic3A_100, %and3A_102 : vector<16xi32>
    %or3A_104 = arith.ori %or3A_97, %and3A_103 : vector<16xi32>
    %swap3A_105 = arith.constant 0 : i32
    %swap3A_106 = arith.index_cast %swap3A_105 : i32 to index
    %swap3A_107 = arith.constant 48 : index
    %swap3A_108 = tpu.vector_load %arg6[%swap3A_106, %swap3A_107] {strides = array<i32>} : memref<2x200xi32, #tpu.memory_space<vmem>>, vector<16xi32>,
    tpu.vector_store %arg6[%swap3A_106, %swap3A_107], %or3A_104 {strides = array<i32>} : memref<2x200xi32, #tpu.memory_space<vmem>>, vector<16xi32>,
    %get3A_109 = arith.constant 0 : i32
    %get3A_110 = arith.index_cast %get3A_109 : i32 to index
    %get3A_111 = arith.constant 64 : index
    %get3A_112 = tpu.vector_load %arg5[%get3A_110, %get3A_111] {strides = array<i32>} : memref<128x200xi32, #tpu.memory_space<vmem>>, vector<16xi32>,
    %shift_right_arithmetic3A_113 = arith.constant 14 : i32
    %shift_right_arithmetic3A_114 = vector.broadcast %shift_right_arithmetic3A_113 : i32 to vector<16xi32>
    %shift_right_arithmetic3A_115 = arith.shrsi %get3A_112, %shift_right_arithmetic3A_114 : vector<16xi32>
    %shift_left3A_116 = arith.constant 14 : i32
    %shift_left3A_117 = vector.broadcast %shift_left3A_116 : i32 to vector<16xi32>
    %shift_left3A_118 = arith.shli %shift_right_arithmetic3A_115, %shift_left3A_117 : vector<16xi32>
    %and3A_119 = arith.constant 8191 : i32
    %and3A_120 = vector.broadcast %and3A_119 : i32 to vector<16xi32>
    %and3A_121 = arith.andi %get3A_112, %and3A_120 : vector<16xi32>
    %shift_left3A_122 = arith.constant 1 : i32
    %shift_left3A_123 = vector.broadcast %shift_left3A_122 : i32 to vector<16xi32>
    %shift_left3A_124 = arith.shli %and3A_121, %shift_left3A_123 : vector<16xi32>
    %or3A_125 = arith.ori %shift_left3A_118, %shift_left3A_124 : vector<16xi32>
    %shift_right_arithmetic3A_126 = arith.constant 13 : i32
    %shift_right_arithmetic3A_127 = vector.broadcast %shift_right_arithmetic3A_126 : i32 to vector<16xi32>
    %shift_right_arithmetic3A_128 = arith.shrsi %get3A_112, %shift_right_arithmetic3A_127 : vector<16xi32>
    %and3A_129 = arith.constant 1 : i32
    %and3A_130 = vector.broadcast %and3A_129 : i32 to vector<16xi32>
    %and3A_131 = arith.andi %shift_right_arithmetic3A_128, %and3A_130 : vector<16xi32>
    %or3A_132 = arith.ori %or3A_125, %and3A_131 : vector<16xi32>
    %swap3A_133 = arith.constant 0 : i32
    %swap3A_134 = arith.index_cast %swap3A_133 : i32 to index
    %swap3A_135 = arith.constant 64 : index
    %swap3A_136 = tpu.vector_load %arg6[%swap3A_134, %swap3A_135] {strides = array<i32>} : memref<2x200xi32, #tpu.memory_space<vmem>>, vector<16xi32>,
    tpu.vector_store %arg6[%swap3A_134, %swap3A_135], %or3A_132 {strides = array<i32>} : memref<2x200xi32, #tpu.memory_space<vmem>>, vector<16xi32>,
    %get3A_137 = arith.constant 0 : i32
    %get3A_138 = arith.index_cast %get3A_137 : i32 to index
    %get3A_139 = arith.constant 80 : index
    %get3A_140 = tpu.vector_load %arg5[%get3A_138, %get3A_139] {strides = array<i32>} : memref<128x200xi32, #tpu.memory_space<vmem>>, vector<16xi32>,
    %shift_right_arithmetic3A_141 = arith.constant 14 : i32
    %shift_right_arithmetic3A_142 = vector.broadcast %shift_right_arithmetic3A_141 : i32 to vector<16xi32>
    %shift_right_arithmetic3A_143 = arith.shrsi %get3A_140, %shift_right_arithmetic3A_142 : vector<16xi32>
    %shift_left3A_144 = arith.constant 14 : i32
    %shift_left3A_145 = vector.broadcast %shift_left3A_144 : i32 to vector<16xi32>
    %shift_left3A_146 = arith.shli %shift_right_arithmetic3A_143, %shift_left3A_145 : vector<16xi32>
    %and3A_147 = arith.constant 8191 : i32
    %and3A_148 = vector.broadcast %and3A_147 : i32 to vector<16xi32>
    %and3A_149 = arith.andi %get3A_140, %and3A_148 : vector<16xi32>
    %shift_left3A_150 = arith.constant 1 : i32
    %shift_left3A_151 = vector.broadcast %shift_left3A_150 : i32 to vector<16xi32>
    %shift_left3A_152 = arith.shli %and3A_149, %shift_left3A_151 : vector<16xi32>
    %or3A_153 = arith.ori %shift_left3A_146, %shift_left3A_152 : vector<16xi32>
    %shift_right_arithmetic3A_154 = arith.constant 13 : i32
    %shift_right_arithmetic3A_155 = vector.broadcast %shift_right_arithmetic3A_154 : i32 to vector<16xi32>
    %shift_right_arithmetic3A_156 = arith.shrsi %get3A_140, %shift_right_arithmetic3A_155 : vector<16xi32>
    %and3A_157 = arith.constant 1 : i32
    %and3A_158 = vector.broadcast %and3A_157 : i32 to vector<16xi32>
    %and3A_159 = arith.andi %shift_right_arithmetic3A_156, %and3A_158 : vector<16xi32>
    %or3A_160 = arith.ori %or3A_153, %and3A_159 : vector<16xi32>
    %swap3A_161 = arith.constant 0 : i32
    %swap3A_162 = arith.index_cast %swap3A_161 : i32 to index
    %swap3A_163 = arith.constant 80 : index
    %swap3A_164 = tpu.vector_load %arg6[%swap3A_162, %swap3A_163] {strides = array<i32>} : memref<2x200xi32, #tpu.memory_space<vmem>>, vector<16xi32>,
    tpu.vector_store %arg6[%swap3A_162, %swap3A_163], %or3A_160 {strides = array<i32>} : memref<2x200xi32, #tpu.memory_space<vmem>>, vector<16xi32>,
    %get3A_165 = arith.constant 0 : i32
    %get3A_166 = arith.index_cast %get3A_165 : i32 to index
    %get3A_167 = arith.constant 96 : index
    %get3A_168 = tpu.vector_load %arg5[%get3A_166, %get3A_167] {strides = array<i32>} : memref<128x200xi32, #tpu.memory_space<vmem>>, vector<16xi32>,
    %shift_right_arithmetic3A_169 = arith.constant 14 : i32
    %shift_right_arithmetic3A_170 = vector.broadcast %shift_right_arithmetic3A_169 : i32 to vector<16xi32>
    %shift_right_arithmetic3A_171 = arith.shrsi %get3A_168, %shift_right_arithmetic3A_170 : vector<16xi32>
    %shift_left3A_172 = arith.constant 14 : i32
    %shift_left3A_173 = vector.broadcast %shift_left3A_172 : i32 to vector<16xi32>
    %shift_left3A_174 = arith.shli %shift_right_arithmetic3A_171, %shift_left3A_173 : vector<16xi32>
    %and3A_175 = arith.constant 8191 : i32
    %and3A_176 = vector.broadcast %and3A_175 : i32 to vector<16xi32>
    %and3A_177 = arith.andi %get3A_168, %and3A_176 : vector<16xi32>
    %shift_left3A_178 = arith.constant 1 : i32
    %shift_left3A_179 = vector.broadcast %shift_left3A_178 : i32 to vector<16xi32>
    %shift_left3A_180 = arith.shli %and3A_177, %shift_left3A_179 : vector<16xi32>
    %or3A_181 = arith.ori %shift_left3A_174, %shift_left3A_180 : vector<16xi32>
    %shift_right_arithmetic3A_182 = arith.constant 13 : i32
    %shift_right_arithmetic3A_183 = vector.broadcast %shift_right_arithmetic3A_182 : i32 to vector<16xi32>
    %shift_right_arithmetic3A_184 = arith.shrsi %get3A_168, %shift_right_arithmetic3A_183 : vector<16xi32>
    %and3A_185 = arith.constant 1 : i32
    %and3A_186 = vector.broadcast %and3A_185 : i32 to vector<16xi32>
    %and3A_187 = arith.andi %shift_right_arithmetic3A_184, %and3A_186 : vector<16xi32>
    %or3A_188 = arith.ori %or3A_181, %and3A_187 : vector<16xi32>
    %swap3A_189 = arith.constant 0 : i32
    %swap3A_190 = arith.index_cast %swap3A_189 : i32 to index
    %swap3A_191 = arith.constant 96 : index
    %swap3A_192 = tpu.vector_load %arg6[%swap3A_190, %swap3A_191] {strides = array<i32>} : memref<2x200xi32, #tpu.memory_space<vmem>>, vector<16xi32>,
    tpu.vector_store %arg6[%swap3A_190, %swap3A_191], %or3A_188 {strides = array<i32>} : memref<2x200xi32, #tpu.memory_space<vmem>>, vector<16xi32>,
    %get3A_193 = arith.constant 0 : i32
    %get3A_194 = arith.index_cast %get3A_193 : i32 to index
    %get3A_195 = arith.constant 112 : index
    %get3A_196 = tpu.vector_load %arg5[%get3A_194, %get3A_195] {strides = array<i32>} : memref<128x200xi32, #tpu.memory_space<vmem>>, vector<16xi32>,
    %shift_right_arithmetic3A_197 = arith.constant 14 : i32
    %shift_right_arithmetic3A_198 = vector.broadcast %shift_right_arithmetic3A_197 : i32 to vector<16xi32>
    %shift_right_arithmetic3A_199 = arith.shrsi %get3A_196, %shift_right_arithmetic3A_198 : vector<16xi32>
    %shift_left3A_200 = arith.constant 14 : i32
    %shift_left3A_201 = vector.broadcast %shift_left3A_200 : i32 to vector<16xi32>
    %shift_left3A_202 = arith.shli %shift_right_arithmetic3A_199, %shift_left3A_201 : vector<16xi32>
    %and3A_203 = arith.constant 8191 : i32
    %and3A_204 = vector.broadcast %and3A_203 : i32 to vector<16xi32>
    %and3A_205 = arith.andi %get3A_196, %and3A_204 : vector<16xi32>
    %shift_left3A_206 = arith.constant 1 : i32
    %shift_left3A_207 = vector.broadcast %shift_left3A_206 : i32 to vector<16xi32>
    %shift_left3A_208 = arith.shli %and3A_205, %shift_left3A_207 : vector<16xi32>
    %or3A_209 = arith.ori %shift_left3A_202, %shift_left3A_208 : vector<16xi32>
    %shift_right_arithmetic3A_210 = arith.constant 13 : i32
    %shift_right_arithmetic3A_211 = vector.broadcast %shift_right_arithmetic3A_210 : i32 to vector<16xi32>
    %shift_right_arithmetic3A_212 = arith.shrsi %get3A_196, %shift_right_arithmetic3A_211 : vector<16xi32>
    %and3A_213 = arith.constant 1 : i32
    %and3A_214 = vector.broadcast %and3A_213 : i32 to vector<16xi32>
    %and3A_215 = arith.andi %shift_right_arithmetic3A_212, %and3A_214 : vector<16xi32>
    %or3A_216 = arith.ori %or3A_209, %and3A_215 : vector<16xi32>
    %swap3A_217 = arith.constant 0 : i32
    %swap3A_218 = arith.index_cast %swap3A_217 : i32 to index
    %swap3A_219 = arith.constant 112 : index
    %swap3A_220 = tpu.vector_load %arg6[%swap3A_218, %swap3A_219] {strides = array<i32>} : memref<2x200xi32, #tpu.memory_space<vmem>>, vector<16xi32>,
    tpu.vector_store %arg6[%swap3A_218, %swap3A_219], %or3A_216 {strides = array<i32>} : memref<2x200xi32, #tpu.memory_space<vmem>>, vector<16xi32>,
    %get3A_221 = arith.constant 0 : i32
    %get3A_222 = arith.index_cast %get3A_221 : i32 to index
    %get3A_223 = arith.constant 128 : index
    %get3A_224 = tpu.vector_load %arg5[%get3A_222, %get3A_223] {strides = array<i32>} : memref<128x200xi32, #tpu.memory_space<vmem>>, vector<16xi32>,
    %shift_right_arithmetic3A_225 = arith.constant 14 : i32
    %shift_right_arithmetic3A_226 = vector.broadcast %shift_right_arithmetic3A_225 : i32 to vector<16xi32>
    %shift_right_arithmetic3A_227 = arith.shrsi %get3A_224, %shift_right_arithmetic3A_226 : vector<16xi32>
    %shift_left3A_228 = arith.constant 14 : i32
    %shift_left3A_229 = vector.broadcast %shift_left3A_228 : i32 to vector<16xi32>
    %shift_left3A_230 = arith.shli %shift_right_arithmetic3A_227, %shift_left3A_229 : vector<16xi32>
    %and3A_231 = arith.constant 8191 : i32
    %and3A_232 = vector.broadcast %and3A_231 : i32 to vector<16xi32>
    %and3A_233 = arith.andi %get3A_224, %and3A_232 : vector<16xi32>
    %shift_left3A_234 = arith.constant 1 : i32
    %shift_left3A_235 = vector.broadcast %shift_left3A_234 : i32 to vector<16xi32>
    %shift_left3A_236 = arith.shli %and3A_233, %shift_left3A_235 : vector<16xi32>
    %or3A_237 = arith.ori %shift_left3A_230, %shift_left3A_236 : vector<16xi32>
    %shift_right_arithmetic3A_238 = arith.constant 13 : i32
    %shift_right_arithmetic3A_239 = vector.broadcast %shift_right_arithmetic3A_238 : i32 to vector<16xi32>
    %shift_right_arithmetic3A_240 = arith.shrsi %get3A_224, %shift_right_arithmetic3A_239 : vector<16xi32>
    %and3A_241 = arith.constant 1 : i32
    %and3A_242 = vector.broadcast %and3A_241 : i32 to vector<16xi32>
    %and3A_243 = arith.andi %shift_right_arithmetic3A_240, %and3A_242 : vector<16xi32>
    %or3A_244 = arith.ori %or3A_237, %and3A_243 : vector<16xi32>
    %swap3A_245 = arith.constant 0 : i32
    %swap3A_246 = arith.index_cast %swap3A_245 : i32 to index
    %swap3A_247 = arith.constant 128 : index
    %swap3A_248 = tpu.vector_load %arg6[%swap3A_246, %swap3A_247] {strides = array<i32>} : memref<2x200xi32, #tpu.memory_space<vmem>>, vector<16xi32>,
    tpu.vector_store %arg6[%swap3A_246, %swap3A_247], %or3A_244 {strides = array<i32>} : memref<2x200xi32, #tpu.memory_space<vmem>>, vector<16xi32>,
    %get3A_249 = arith.constant 0 : i32
    %get3A_250 = arith.index_cast %get3A_249 : i32 to index
    %get3A_251 = arith.constant 144 : index
    %get3A_252 = tpu.vector_load %arg5[%get3A_250, %get3A_251] {strides = array<i32>} : memref<128x200xi32, #tpu.memory_space<vmem>>, vector<16xi32>,
    %shift_right_arithmetic3A_253 = arith.constant 14 : i32
    %shift_right_arithmetic3A_254 = vector.broadcast %shift_right_arithmetic3A_253 : i32 to vector<16xi32>
    %shift_right_arithmetic3A_255 = arith.shrsi %get3A_252, %shift_right_arithmetic3A_254 : vector<16xi32>
    %shift_left3A_256 = arith.constant 14 : i32
    %shift_left3A_257 = vector.broadcast %shift_left3A_256 : i32 to vector<16xi32>
    %shift_left3A_258 = arith.shli %shift_right_arithmetic3A_255, %shift_left3A_257 : vector<16xi32>
    %and3A_259 = arith.constant 8191 : i32
    %and3A_260 = vector.broadcast %and3A_259 : i32 to vector<16xi32>
    %and3A_261 = arith.andi %get3A_252, %and3A_260 : vector<16xi32>
    %shift_left3A_262 = arith.constant 1 : i32
    %shift_left3A_263 = vector.broadcast %shift_left3A_262 : i32 to vector<16xi32>
    %shift_left3A_264 = arith.shli %and3A_261, %shift_left3A_263 : vector<16xi32>
    %or3A_265 = arith.ori %shift_left3A_258, %shift_left3A_264 : vector<16xi32>
    %shift_right_arithmetic3A_266 = arith.constant 13 : i32
    %shift_right_arithmetic3A_267 = vector.broadcast %shift_right_arithmetic3A_266 : i32 to vector<16xi32>
    %shift_right_arithmetic3A_268 = arith.shrsi %get3A_252, %shift_right_arithmetic3A_267 : vector<16xi32>
    %and3A_269 = arith.constant 1 : i32
    %and3A_270 = vector.broadcast %and3A_269 : i32 to vector<16xi32>
    %and3A_271 = arith.andi %shift_right_arithmetic3A_268, %and3A_270 : vector<16xi32>
    %or3A_272 = arith.ori %or3A_265, %and3A_271 : vector<16xi32>
    %swap3A_273 = arith.constant 0 : i32
    %swap3A_274 = arith.index_cast %swap3A_273 : i32 to index
    %swap3A_275 = arith.constant 144 : index
    %swap3A_276 = tpu.vector_load %arg6[%swap3A_274, %swap3A_275] {strides = array<i32>} : memref<2x200xi32, #tpu.memory_space<vmem>>, vector<16xi32>,
    tpu.vector_store %arg6[%swap3A_274, %swap3A_275], %or3A_272 {strides = array<i32>} : memref<2x200xi32, #tpu.memory_space<vmem>>, vector<16xi32>,
    %get3A_277 = arith.constant 0 : i32
    %get3A_278 = arith.index_cast %get3A_277 : i32 to index
    %get3A_279 = arith.constant 160 : index
    %get3A_280 = tpu.vector_load %arg5[%get3A_278, %get3A_279] {strides = array<i32>} : memref<128x200xi32, #tpu.memory_space<vmem>>, vector<16xi32>,
    %shift_right_arithmetic3A_281 = arith.constant 14 : i32
    %shift_right_arithmetic3A_282 = vector.broadcast %shift_right_arithmetic3A_281 : i32 to vector<16xi32>
    %shift_right_arithmetic3A_283 = arith.shrsi %get3A_280, %shift_right_arithmetic3A_282 : vector<16xi32>
    %shift_left3A_284 = arith.constant 14 : i32
    %shift_left3A_285 = vector.broadcast %shift_left3A_284 : i32 to vector<16xi32>
    %shift_left3A_286 = arith.shli %shift_right_arithmetic3A_283, %shift_left3A_285 : vector<16xi32>
    %and3A_287 = arith.constant 8191 : i32
    %and3A_288 = vector.broadcast %and3A_287 : i32 to vector<16xi32>
    %and3A_289 = arith.andi %get3A_280, %and3A_288 : vector<16xi32>
    %shift_left3A_290 = arith.constant 1 : i32
    %shift_left3A_291 = vector.broadcast %shift_left3A_290 : i32 to vector<16xi32>
    %shift_left3A_292 = arith.shli %and3A_289, %shift_left3A_291 : vector<16xi32>
    %or3A_293 = arith.ori %shift_left3A_286, %shift_left3A_292 : vector<16xi32>
    %shift_right_arithmetic3A_294 = arith.constant 13 : i32
    %shift_right_arithmetic3A_295 = vector.broadcast %shift_right_arithmetic3A_294 : i32 to vector<16xi32>
    %shift_right_arithmetic3A_296 = arith.shrsi %get3A_280, %shift_right_arithmetic3A_295 : vector<16xi32>
    %and3A_297 = arith.constant 1 : i32
    %and3A_298 = vector.broadcast %and3A_297 : i32 to vector<16xi32>
    %and3A_299 = arith.andi %shift_right_arithmetic3A_296, %and3A_298 : vector<16xi32>
    %or3A_300 = arith.ori %or3A_293, %and3A_299 : vector<16xi32>
    %swap3A_301 = arith.constant 0 : i32
    %swap3A_302 = arith.index_cast %swap3A_301 : i32 to index
    %swap3A_303 = arith.constant 160 : index
    %swap3A_304 = tpu.vector_load %arg6[%swap3A_302, %swap3A_303] {strides = array<i32>} : memref<2x200xi32, #tpu.memory_space<vmem>>, vector<16xi32>,
    tpu.vector_store %arg6[%swap3A_302, %swap3A_303], %or3A_300 {strides = array<i32>} : memref<2x200xi32, #tpu.memory_space<vmem>>, vector<16xi32>,
    %get3A_305 = arith.constant 0 : i32
    %get3A_306 = arith.index_cast %get3A_305 : i32 to index
    %get3A_307 = arith.constant 176 : index
    %get3A_308 = tpu.vector_load %arg5[%get3A_306, %get3A_307] {strides = array<i32>} : memref<128x200xi32, #tpu.memory_space<vmem>>, vector<16xi32>,
    %shift_right_arithmetic3A_309 = arith.constant 14 : i32
    %shift_right_arithmetic3A_310 = vector.broadcast %shift_right_arithmetic3A_309 : i32 to vector<16xi32>
    %shift_right_arithmetic3A_311 = arith.shrsi %get3A_308, %shift_right_arithmetic3A_310 : vector<16xi32>
    %shift_left3A_312 = arith.constant 14 : i32
    %shift_left3A_313 = vector.broadcast %shift_left3A_312 : i32 to vector<16xi32>
    %shift_left3A_314 = arith.shli %shift_right_arithmetic3A_311, %shift_left3A_313 : vector<16xi32>
    %and3A_315 = arith.constant 8191 : i32
    %and3A_316 = vector.broadcast %and3A_315 : i32 to vector<16xi32>
    %and3A_317 = arith.andi %get3A_308, %and3A_316 : vector<16xi32>
    %shift_left3A_318 = arith.constant 1 : i32
    %shift_left3A_319 = vector.broadcast %shift_left3A_318 : i32 to vector<16xi32>
    %shift_left3A_320 = arith.shli %and3A_317, %shift_left3A_319 : vector<16xi32>
    %or3A_321 = arith.ori %shift_left3A_314, %shift_left3A_320 : vector<16xi32>
    %shift_right_arithmetic3A_322 = arith.constant 13 : i32
    %shift_right_arithmetic3A_323 = vector.broadcast %shift_right_arithmetic3A_322 : i32 to vector<16xi32>
    %shift_right_arithmetic3A_324 = arith.shrsi %get3A_308, %shift_right_arithmetic3A_323 : vector<16xi32>
    %and3A_325 = arith.constant 1 : i32
    %and3A_326 = vector.broadcast %and3A_325 : i32 to vector<16xi32>
    %and3A_327 = arith.andi %shift_right_arithmetic3A_324, %and3A_326 : vector<16xi32>
    %or3A_328 = arith.ori %or3A_321, %and3A_327 : vector<16xi32>
    %swap3A_329 = arith.constant 0 : i32
    %swap3A_330 = arith.index_cast %swap3A_329 : i32 to index
    %swap3A_331 = arith.constant 176 : index
    %swap3A_332 = tpu.vector_load %arg6[%swap3A_330, %swap3A_331] {strides = array<i32>} : memref<2x200xi32, #tpu.memory_space<vmem>>, vector<16xi32>,
    tpu.vector_store %arg6[%swap3A_330, %swap3A_331], %or3A_328 {strides = array<i32>} : memref<2x200xi32, #tpu.memory_space<vmem>>, vector<16xi32>,
    %get3A_333 = arith.constant 0 : i32
    %get3A_334 = arith.index_cast %get3A_333 : i32 to index
    %get3A_335 = arith.constant 184 : index
    %get3A_336 = tpu.vector_load %arg5[%get3A_334, %get3A_335] {strides = array<i32>} : memref<128x200xi32, #tpu.memory_space<vmem>>, vector<16xi32>,
    %shift_right_arithmetic3A_337 = arith.constant 14 : i32
    %shift_right_arithmetic3A_338 = vector.broadcast %shift_right_arithmetic3A_337 : i32 to vector<16xi32>
    %shift_right_arithmetic3A_339 = arith.shrsi %get3A_336, %shift_right_arithmetic3A_338 : vector<16xi32>
    %shift_left3A_340 = arith.constant 14 : i32
    %shift_left3A_341 = vector.broadcast %shift_left3A_340 : i32 to vector<16xi32>
    %shift_left3A_342 = arith.shli %shift_right_arithmetic3A_339, %shift_left3A_341 : vector<16xi32>
    %and3A_343 = arith.constant 8191 : i32
    %and3A_344 = vector.broadcast %and3A_343 : i32 to vector<16xi32>
    %and3A_345 = arith.andi %get3A_336, %and3A_344 : vector<16xi32>
    %shift_left3A_346 = arith.constant 1 : i32
    %shift_left3A_347 = vector.broadcast %shift_left3A_346 : i32 to vector<16xi32>
    %shift_left3A_348 = arith.shli %and3A_345, %shift_left3A_347 : vector<16xi32>
    %or3A_349 = arith.ori %shift_left3A_342, %shift_left3A_348 : vector<16xi32>
    %shift_right_arithmetic3A_350 = arith.constant 13 : i32
    %shift_right_arithmetic3A_351 = vector.broadcast %shift_right_arithmetic3A_350 : i32 to vector<16xi32>
    %shift_right_arithmetic3A_352 = arith.shrsi %get3A_336, %shift_right_arithmetic3A_351 : vector<16xi32>
    %and3A_353 = arith.constant 1 : i32
    %and3A_354 = vector.broadcast %and3A_353 : i32 to vector<16xi32>
    %and3A_355 = arith.andi %shift_right_arithmetic3A_352, %and3A_354 : vector<16xi32>
    %or3A_356 = arith.ori %or3A_349, %and3A_355 : vector<16xi32>
    %swap3A_357 = arith.constant 0 : i32
    %swap3A_358 = arith.index_cast %swap3A_357 : i32 to index
    %swap3A_359 = arith.constant 184 : index
    %swap3A_360 = tpu.vector_load %arg6[%swap3A_358, %swap3A_359] {strides = array<i32>} : memref<2x200xi32, #tpu.memory_space<vmem>>, vector<16xi32>,
    tpu.vector_store %arg6[%swap3A_358, %swap3A_359], %or3A_356 {strides = array<i32>} : memref<2x200xi32, #tpu.memory_space<vmem>>, vector<16xi32>,
    %dma_start3A = arith.constant 0 : i32
    %dma_start3A_361 = arith.constant 0 : i32
    %dma_start3A_362 = arith.constant 0 : i32
    %dma_start3A_363 = arith.constant 0 : i32
    %dma_start3A_364 = tpu.memref_slice %arg7[%dma_start3A_361, %dma_start3A_362, %dma_start3A_363] : memref<2x200x64xf32, #tpu.memory_space<vmem>> -> memref<1x128x64xf32, #tpu.memory_space<vmem>>
    %dma_start3A_365 = tpu.memref_squeeze %dma_start3A_364 : memref<1x128x64xf32, #tpu.memory_space<vmem>> -> memref<128x64xf32, #tpu.memory_space<vmem>>
    %dma_start3A_366 = arith.constant 0 : i32
    %dma_start3A_367 = tpu.memref_slice %arg6[%dma_start3A, %dma_start3A_366] : memref<2x200xi32, #tpu.memory_space<vmem>> -> memref<1x128xi32, #tpu.memory_space<vmem>>
    %dma_start3A_368 = tpu.memref_squeeze %dma_start3A_367 : memref<1x128xi32, #tpu.memory_space<vmem>> -> memref<128xi32, #tpu.memory_space<vmem>>
    %dma_start3A_369 = arith.constant 0 : i32
    %dma_start3A_370 = arith.constant 0 : i32
    %dma_start3A_371 = tpu.memref_slice %arg3[%dma_start3A_369, %dma_start3A_370] : memref<1015808x64xf32, #tpu.memory_space<hbm>> -> memref<1015808x64xf32, #tpu.memory_space<hbm>>
    tpu.enqueue_indirect_dma source(%dma_start3A_371 : memref<1015808x64xf32, #tpu.memory_space<hbm>>) target(%dma_start3A_365 : memref<128x64xf32, #tpu.memory_space<vmem>>) offsets(%dma_start3A_368 : memref<128xi32, #tpu.memory_space<vmem>>) semaphore(%arg9 : memref<!tpu.dma_semaphore, #tpu.memory_space<semaphore_mem>>)
    %dma_start3A_372 = arith.constant 0 : i32
    %dma_start3A_373 = arith.constant 0 : i32
    %dma_start3A_374 = arith.constant 128 : i32
    %dma_start3A_375 = arith.constant 0 : i32
    %dma_start3A_376 = tpu.memref_slice %arg7[%dma_start3A_373, %dma_start3A_374, %dma_start3A_375] : memref<2x200x64xf32, #tpu.memory_space<vmem>> -> memref<1x72x64xf32, #tpu.memory_space<vmem>>
    %dma_start3A_377 = tpu.memref_squeeze %dma_start3A_376 : memref<1x72x64xf32, #tpu.memory_space<vmem>> -> memref<72x64xf32, #tpu.memory_space<vmem>>
    %dma_start3A_378 = arith.constant 128 : i32
    %dma_start3A_379 = tpu.memref_slice %arg6[%dma_start3A_372, %dma_start3A_378] : memref<2x200xi32, #tpu.memory_space<vmem>> -> memref<1x72xi32, #tpu.memory_space<vmem>>
    %dma_start3A_380 = tpu.memref_squeeze %dma_start3A_379 : memref<1x72xi32, #tpu.memory_space<vmem>> -> memref<72xi32, #tpu.memory_space<vmem>>
    %dma_start3A_381 = arith.constant 0 : i32
    %dma_start3A_382 = arith.constant 0 : i32
    %dma_start3A_383 = tpu.memref_slice %arg3[%dma_start3A_381, %dma_start3A_382] : memref<1015808x64xf32, #tpu.memory_space<hbm>> -> memref<1015808x64xf32, #tpu.memory_space<hbm>>
    tpu.enqueue_indirect_dma source(%dma_start3A_383 : memref<1015808x64xf32, #tpu.memory_space<hbm>>) target(%dma_start3A_377 : memref<72x64xf32, #tpu.memory_space<vmem>>) offsets(%dma_start3A_380 : memref<72xi32, #tpu.memory_space<vmem>>) semaphore(%arg9 : memref<!tpu.dma_semaphore, #tpu.memory_space<semaphore_mem>>)
    %scan3A = arith.constant 0 : i32
    %scan3A_384 = arith.constant 0 : i32
    %scan3A_385 = arith.constant 64 : i32
    %scan3A_386 = arith.addi %scan3A_384, %scan3A_385 : i32
    %scan3A_387 = arith.constant 1 : i32
    scf.for %scan3A_389 = %scan3A_384 to %scan3A_386 step %scan3A_387  : i32 {
      %mul3A_390 = arith.constant 2 : i32
      %mul3A_391 = arith.muli %mul3A_390, %scan3A_389 : i32
      %add3A_392 = arith.constant 1 : i32
      %add3A_393 = arith.addi %mul3A_391, %add3A_392 : i32
      %get3A_394 = arith.index_cast %add3A_393 : i32 to index
      %get3A_395 = arith.constant 0 : index
      %get3A_396 = tpu.vector_load %arg5[%get3A_394, %get3A_395] {strides = array<i32>} : memref<128x200xi32, #tpu.memory_space<vmem>>, vector<16xi32>,
      %shift_right_arithmetic3A_397 = arith.constant 14 : i32
      %shift_right_arithmetic3A_398 = vector.broadcast %shift_right_arithmetic3A_397 : i32 to vector<16xi32>
      %shift_right_arithmetic3A_399 = arith.shrsi %get3A_396, %shift_right_arithmetic3A_398 : vector<16xi32>
      %shift_left3A_400 = arith.constant 14 : i32
      %shift_left3A_401 = vector.broadcast %shift_left3A_400 : i32 to vector<16xi32>
      %shift_left3A_402 = arith.shli %shift_right_arithmetic3A_399, %shift_left3A_401 : vector<16xi32>
      %and3A_403 = arith.constant 8191 : i32
      %and3A_404 = vector.broadcast %and3A_403 : i32 to vector<16xi32>
      %and3A_405 = arith.andi %get3A_396, %and3A_404 : vector<16xi32>
      %shift_left3A_406 = arith.constant 1 : i32
      %shift_left3A_407 = vector.broadcast %shift_left3A_406 : i32 to vector<16xi32>
      %shift_left3A_408 = arith.shli %and3A_405, %shift_left3A_407 : vector<16xi32>
      %or3A_409 = arith.ori %shift_left3A_402, %shift_left3A_408 : vector<16xi32>
      %shift_right_arithmetic3A_410 = arith.constant 13 : i32
      %shift_right_arithmetic3A_411 = vector.broadcast %shift_right_arithmetic3A_410 : i32 to vector<16xi32>
      %shift_right_arithmetic3A_412 = arith.shrsi %get3A_396, %shift_right_arithmetic3A_411 : vector<16xi32>
      %and3A_413 = arith.constant 1 : i32
      %and3A_414 = vector.broadcast %and3A_413 : i32 to vector<16xi32>
      %and3A_415 = arith.andi %shift_right_arithmetic3A_412, %and3A_414 : vector<16xi32>
      %or3A_416 = arith.ori %or3A_409, %and3A_415 : vector<16xi32>
      %swap3A_417 = arith.constant 1 : i32
      %swap3A_418 = arith.index_cast %swap3A_417 : i32 to index
      %swap3A_419 = arith.constant 0 : index
      %swap3A_420 = tpu.vector_load %arg6[%swap3A_418, %swap3A_419] {strides = array<i32>} : memref<2x200xi32, #tpu.memory_space<vmem>>, vector<16xi32>,
      tpu.vector_store %arg6[%swap3A_418, %swap3A_419], %or3A_416 {strides = array<i32>} : memref<2x200xi32, #tpu.memory_space<vmem>>, vector<16xi32>,
      %get3A_421 = arith.index_cast %add3A_393 : i32 to index
      %get3A_422 = arith.constant 16 : index
      %get3A_423 = tpu.vector_load %arg5[%get3A_421, %get3A_422] {strides = array<i32>} : memref<128x200xi32, #tpu.memory_space<vmem>>, vector<16xi32>,
      %shift_right_arithmetic3A_424 = arith.constant 14 : i32
      %shift_right_arithmetic3A_425 = vector.broadcast %shift_right_arithmetic3A_424 : i32 to vector<16xi32>
      %shift_right_arithmetic3A_426 = arith.shrsi %get3A_423, %shift_right_arithmetic3A_425 : vector<16xi32>
      %shift_left3A_427 = arith.constant 14 : i32
      %shift_left3A_428 = vector.broadcast %shift_left3A_427 : i32 to vector<16xi32>
      %shift_left3A_429 = arith.shli %shift_right_arithmetic3A_426, %shift_left3A_428 : vector<16xi32>
      %and3A_430 = arith.constant 8191 : i32
      %and3A_431 = vector.broadcast %and3A_430 : i32 to vector<16xi32>
      %and3A_432 = arith.andi %get3A_423, %and3A_431 : vector<16xi32>
      %shift_left3A_433 = arith.constant 1 : i32
      %shift_left3A_434 = vector.broadcast %shift_left3A_433 : i32 to vector<16xi32>
      %shift_left3A_435 = arith.shli %and3A_432, %shift_left3A_434 : vector<16xi32>
      %or3A_436 = arith.ori %shift_left3A_429, %shift_left3A_435 : vector<16xi32>
      %shift_right_arithmetic3A_437 = arith.constant 13 : i32
      %shift_right_arithmetic3A_438 = vector.broadcast %shift_right_arithmetic3A_437 : i32 to vector<16xi32>
      %shift_right_arithmetic3A_439 = arith.shrsi %get3A_423, %shift_right_arithmetic3A_438 : vector<16xi32>
      %and3A_440 = arith.constant 1 : i32
      %and3A_441 = vector.broadcast %and3A_440 : i32 to vector<16xi32>
      %and3A_442 = arith.andi %shift_right_arithmetic3A_439, %and3A_441 : vector<16xi32>
      %or3A_443 = arith.ori %or3A_436, %and3A_442 : vector<16xi32>
      %swap3A_444 = arith.constant 1 : i32
      %swap3A_445 = arith.index_cast %swap3A_444 : i32 to index
      %swap3A_446 = arith.constant 16 : index
      %swap3A_447 = tpu.vector_load %arg6[%swap3A_445, %swap3A_446] {strides = array<i32>} : memref<2x200xi32, #tpu.memory_space<vmem>>, vector<16xi32>,
      tpu.vector_store %arg6[%swap3A_445, %swap3A_446], %or3A_443 {strides = array<i32>} : memref<2x200xi32, #tpu.memory_space<vmem>>, vector<16xi32>,
      %get3A_448 = arith.index_cast %add3A_393 : i32 to index
      %get3A_449 = arith.constant 32 : index
      %get3A_450 = tpu.vector_load %arg5[%get3A_448, %get3A_449] {strides = array<i32>} : memref<128x200xi32, #tpu.memory_space<vmem>>, vector<16xi32>,
      %shift_right_arithmetic3A_451 = arith.constant 14 : i32
      %shift_right_arithmetic3A_452 = vector.broadcast %shift_right_arithmetic3A_451 : i32 to vector<16xi32>
      %shift_right_arithmetic3A_453 = arith.shrsi %get3A_450, %shift_right_arithmetic3A_452 : vector<16xi32>
      %shift_left3A_454 = arith.constant 14 : i32
      %shift_left3A_455 = vector.broadcast %shift_left3A_454 : i32 to vector<16xi32>
      %shift_left3A_456 = arith.shli %shift_right_arithmetic3A_453, %shift_left3A_455 : vector<16xi32>
      %and3A_457 = arith.constant 8191 : i32
      %and3A_458 = vector.broadcast %and3A_457 : i32 to vector<16xi32>
      %and3A_459 = arith.andi %get3A_450, %and3A_458 : vector<16xi32>
      %shift_left3A_460 = arith.constant 1 : i32
      %shift_left3A_461 = vector.broadcast %shift_left3A_460 : i32 to vector<16xi32>
      %shift_left3A_462 = arith.shli %and3A_459, %shift_left3A_461 : vector<16xi32>
      %or3A_463 = arith.ori %shift_left3A_456, %shift_left3A_462 : vector<16xi32>
      %shift_right_arithmetic3A_464 = arith.constant 13 : i32
      %shift_right_arithmetic3A_465 = vector.broadcast %shift_right_arithmetic3A_464 : i32 to vector<16xi32>
      %shift_right_arithmetic3A_466 = arith.shrsi %get3A_450, %shift_right_arithmetic3A_465 : vector<16xi32>
      %and3A_467 = arith.constant 1 : i32
      %and3A_468 = vector.broadcast %and3A_467 : i32 to vector<16xi32>
      %and3A_469 = arith.andi %shift_right_arithmetic3A_466, %and3A_468 : vector<16xi32>
      %or3A_470 = arith.ori %or3A_463, %and3A_469 : vector<16xi32>
      %swap3A_471 = arith.constant 1 : i32
      %swap3A_472 = arith.index_cast %swap3A_471 : i32 to index
      %swap3A_473 = arith.constant 32 : index
      %swap3A_474 = tpu.vector_load %arg6[%swap3A_472, %swap3A_473] {strides = array<i32>} : memref<2x200xi32, #tpu.memory_space<vmem>>, vector<16xi32>,
      tpu.vector_store %arg6[%swap3A_472, %swap3A_473], %or3A_470 {strides = array<i32>} : memref<2x200xi32, #tpu.memory_space<vmem>>, vector<16xi32>,
      %get3A_475 = arith.index_cast %add3A_393 : i32 to index
      %get3A_476 = arith.constant 48 : index
      %get3A_477 = tpu.vector_load %arg5[%get3A_475, %get3A_476] {strides = array<i32>} : memref<128x200xi32, #tpu.memory_space<vmem>>, vector<16xi32>,
      %shift_right_arithmetic3A_478 = arith.constant 14 : i32
      %shift_right_arithmetic3A_479 = vector.broadcast %shift_right_arithmetic3A_478 : i32 to vector<16xi32>
      %shift_right_arithmetic3A_480 = arith.shrsi %get3A_477, %shift_right_arithmetic3A_479 : vector<16xi32>
      %shift_left3A_481 = arith.constant 14 : i32
      %shift_left3A_482 = vector.broadcast %shift_left3A_481 : i32 to vector<16xi32>
      %shift_left3A_483 = arith.shli %shift_right_arithmetic3A_480, %shift_left3A_482 : vector<16xi32>
      %and3A_484 = arith.constant 8191 : i32
      %and3A_485 = vector.broadcast %and3A_484 : i32 to vector<16xi32>
      %and3A_486 = arith.andi %get3A_477, %and3A_485 : vector<16xi32>
      %shift_left3A_487 = arith.constant 1 : i32
      %shift_left3A_488 = vector.broadcast %shift_left3A_487 : i32 to vector<16xi32>
      %shift_left3A_489 = arith.shli %and3A_486, %shift_left3A_488 : vector<16xi32>
      %or3A_490 = arith.ori %shift_left3A_483, %shift_left3A_489 : vector<16xi32>
      %shift_right_arithmetic3A_491 = arith.constant 13 : i32
      %shift_right_arithmetic3A_492 = vector.broadcast %shift_right_arithmetic3A_491 : i32 to vector<16xi32>
      %shift_right_arithmetic3A_493 = arith.shrsi %get3A_477, %shift_right_arithmetic3A_492 : vector<16xi32>
      %and3A_494 = arith.constant 1 : i32
      %and3A_495 = vector.broadcast %and3A_494 : i32 to vector<16xi32>
      %and3A_496 = arith.andi %shift_right_arithmetic3A_493, %and3A_495 : vector<16xi32>
      %or3A_497 = arith.ori %or3A_490, %and3A_496 : vector<16xi32>
      %swap3A_498 = arith.constant 1 : i32
      %swap3A_499 = arith.index_cast %swap3A_498 : i32 to index
      %swap3A_500 = arith.constant 48 : index
      %swap3A_501 = tpu.vector_load %arg6[%swap3A_499, %swap3A_500] {strides = array<i32>} : memref<2x200xi32, #tpu.memory_space<vmem>>, vector<16xi32>,
      tpu.vector_store %arg6[%swap3A_499, %swap3A_500], %or3A_497 {strides = array<i32>} : memref<2x200xi32, #tpu.memory_space<vmem>>, vector<16xi32>,
      %get3A_502 = arith.index_cast %add3A_393 : i32 to index
      %get3A_503 = arith.constant 64 : index
      %get3A_504 = tpu.vector_load %arg5[%get3A_502, %get3A_503] {strides = array<i32>} : memref<128x200xi32, #tpu.memory_space<vmem>>, vector<16xi32>,
      %shift_right_arithmetic3A_505 = arith.constant 14 : i32
      %shift_right_arithmetic3A_506 = vector.broadcast %shift_right_arithmetic3A_505 : i32 to vector<16xi32>
      %shift_right_arithmetic3A_507 = arith.shrsi %get3A_504, %shift_right_arithmetic3A_506 : vector<16xi32>
      %shift_left3A_508 = arith.constant 14 : i32
      %shift_left3A_509 = vector.broadcast %shift_left3A_508 : i32 to vector<16xi32>
      %shift_left3A_510 = arith.shli %shift_right_arithmetic3A_507, %shift_left3A_509 : vector<16xi32>
      %and3A_511 = arith.constant 8191 : i32
      %and3A_512 = vector.broadcast %and3A_511 : i32 to vector<16xi32>
      %and3A_513 = arith.andi %get3A_504, %and3A_512 : vector<16xi32>
      %shift_left3A_514 = arith.constant 1 : i32
      %shift_left3A_515 = vector.broadcast %shift_left3A_514 : i32 to vector<16xi32>
      %shift_left3A_516 = arith.shli %and3A_513, %shift_left3A_515 : vector<16xi32>
      %or3A_517 = arith.ori %shift_left3A_510, %shift_left3A_516 : vector<16xi32>
      %shift_right_arithmetic3A_518 = arith.constant 13 : i32
      %shift_right_arithmetic3A_519 = vector.broadcast %shift_right_arithmetic3A_518 : i32 to vector<16xi32>
      %shift_right_arithmetic3A_520 = arith.shrsi %get3A_504, %shift_right_arithmetic3A_519 : vector<16xi32>
      %and3A_521 = arith.constant 1 : i32
      %and3A_522 = vector.broadcast %and3A_521 : i32 to vector<16xi32>
      %and3A_523 = arith.andi %shift_right_arithmetic3A_520, %and3A_522 : vector<16xi32>
      %or3A_524 = arith.ori %or3A_517, %and3A_523 : vector<16xi32>
      %swap3A_525 = arith.constant 1 : i32
      %swap3A_526 = arith.index_cast %swap3A_525 : i32 to index
      %swap3A_527 = arith.constant 64 : index
      %swap3A_528 = tpu.vector_load %arg6[%swap3A_526, %swap3A_527] {strides = array<i32>} : memref<2x200xi32, #tpu.memory_space<vmem>>, vector<16xi32>,
      tpu.vector_store %arg6[%swap3A_526, %swap3A_527], %or3A_524 {strides = array<i32>} : memref<2x200xi32, #tpu.memory_space<vmem>>, vector<16xi32>,
      %get3A_529 = arith.index_cast %add3A_393 : i32 to index
      %get3A_530 = arith.constant 80 : index
      %get3A_531 = tpu.vector_load %arg5[%get3A_529, %get3A_530] {strides = array<i32>} : memref<128x200xi32, #tpu.memory_space<vmem>>, vector<16xi32>,
      %shift_right_arithmetic3A_532 = arith.constant 14 : i32
      %shift_right_arithmetic3A_533 = vector.broadcast %shift_right_arithmetic3A_532 : i32 to vector<16xi32>
      %shift_right_arithmetic3A_534 = arith.shrsi %get3A_531, %shift_right_arithmetic3A_533 : vector<16xi32>
      %shift_left3A_535 = arith.constant 14 : i32
      %shift_left3A_536 = vector.broadcast %shift_left3A_535 : i32 to vector<16xi32>
      %shift_left3A_537 = arith.shli %shift_right_arithmetic3A_534, %shift_left3A_536 : vector<16xi32>
      %and3A_538 = arith.constant 8191 : i32
      %and3A_539 = vector.broadcast %and3A_538 : i32 to vector<16xi32>
      %and3A_540 = arith.andi %get3A_531, %and3A_539 : vector<16xi32>
      %shift_left3A_541 = arith.constant 1 : i32
      %shift_left3A_542 = vector.broadcast %shift_left3A_541 : i32 to vector<16xi32>
      %shift_left3A_543 = arith.shli %and3A_540, %shift_left3A_542 : vector<16xi32>
      %or3A_544 = arith.ori %shift_left3A_537, %shift_left3A_543 : vector<16xi32>
      %shift_right_arithmetic3A_545 = arith.constant 13 : i32
      %shift_right_arithmetic3A_546 = vector.broadcast %shift_right_arithmetic3A_545 : i32 to vector<16xi32>
      %shift_right_arithmetic3A_547 = arith.shrsi %get3A_531, %shift_right_arithmetic3A_546 : vector<16xi32>
      %and3A_548 = arith.constant 1 : i32
      %and3A_549 = vector.broadcast %and3A_548 : i32 to vector<16xi32>
      %and3A_550 = arith.andi %shift_right_arithmetic3A_547, %and3A_549 : vector<16xi32>
      %or3A_551 = arith.ori %or3A_544, %and3A_550 : vector<16xi32>
      %swap3A_552 = arith.constant 1 : i32
      %swap3A_553 = arith.index_cast %swap3A_552 : i32 to index
      %swap3A_554 = arith.constant 80 : index
      %swap3A_555 = tpu.vector_load %arg6[%swap3A_553, %swap3A_554] {strides = array<i32>} : memref<2x200xi32, #tpu.memory_space<vmem>>, vector<16xi32>,
      tpu.vector_store %arg6[%swap3A_553, %swap3A_554], %or3A_551 {strides = array<i32>} : memref<2x200xi32, #tpu.memory_space<vmem>>, vector<16xi32>,
      %get3A_556 = arith.index_cast %add3A_393 : i32 to index
      %get3A_557 = arith.constant 96 : index
      %get3A_558 = tpu.vector_load %arg5[%get3A_556, %get3A_557] {strides = array<i32>} : memref<128x200xi32, #tpu.memory_space<vmem>>, vector<16xi32>,
      %shift_right_arithmetic3A_559 = arith.constant 14 : i32
      %shift_right_arithmetic3A_560 = vector.broadcast %shift_right_arithmetic3A_559 : i32 to vector<16xi32>
      %shift_right_arithmetic3A_561 = arith.shrsi %get3A_558, %shift_right_arithmetic3A_560 : vector<16xi32>
      %shift_left3A_562 = arith.constant 14 : i32
      %shift_left3A_563 = vector.broadcast %shift_left3A_562 : i32 to vector<16xi32>
      %shift_left3A_564 = arith.shli %shift_right_arithmetic3A_561, %shift_left3A_563 : vector<16xi32>
      %and3A_565 = arith.constant 8191 : i32
      %and3A_566 = vector.broadcast %and3A_565 : i32 to vector<16xi32>
      %and3A_567 = arith.andi %get3A_558, %and3A_566 : vector<16xi32>
      %shift_left3A_568 = arith.constant 1 : i32
      %shift_left3A_569 = vector.broadcast %shift_left3A_568 : i32 to vector<16xi32>
      %shift_left3A_570 = arith.shli %and3A_567, %shift_left3A_569 : vector<16xi32>
      %or3A_571 = arith.ori %shift_left3A_564, %shift_left3A_570 : vector<16xi32>
      %shift_right_arithmetic3A_572 = arith.constant 13 : i32
      %shift_right_arithmetic3A_573 = vector.broadcast %shift_right_arithmetic3A_572 : i32 to vector<16xi32>
      %shift_right_arithmetic3A_574 = arith.shrsi %get3A_558, %shift_right_arithmetic3A_573 : vector<16xi32>
      %and3A_575 = arith.constant 1 : i32
      %and3A_576 = vector.broadcast %and3A_575 : i32 to vector<16xi32>
      %and3A_577 = arith.andi %shift_right_arithmetic3A_574, %and3A_576 : vector<16xi32>
      %or3A_578 = arith.ori %or3A_571, %and3A_577 : vector<16xi32>
      %swap3A_579 = arith.constant 1 : i32
      %swap3A_580 = arith.index_cast %swap3A_579 : i32 to index
      %swap3A_581 = arith.constant 96 : index
      %swap3A_582 = tpu.vector_load %arg6[%swap3A_580, %swap3A_581] {strides = array<i32>} : memref<2x200xi32, #tpu.memory_space<vmem>>, vector<16xi32>,
      tpu.vector_store %arg6[%swap3A_580, %swap3A_581], %or3A_578 {strides = array<i32>} : memref<2x200xi32, #tpu.memory_space<vmem>>, vector<16xi32>,
      %get3A_583 = arith.index_cast %add3A_393 : i32 to index
      %get3A_584 = arith.constant 112 : index
      %get3A_585 = tpu.vector_load %arg5[%get3A_583, %get3A_584] {strides = array<i32>} : memref<128x200xi32, #tpu.memory_space<vmem>>, vector<16xi32>,
      %shift_right_arithmetic3A_586 = arith.constant 14 : i32
      %shift_right_arithmetic3A_587 = vector.broadcast %shift_right_arithmetic3A_586 : i32 to vector<16xi32>
      %shift_right_arithmetic3A_588 = arith.shrsi %get3A_585, %shift_right_arithmetic3A_587 : vector<16xi32>
      %shift_left3A_589 = arith.constant 14 : i32
      %shift_left3A_590 = vector.broadcast %shift_left3A_589 : i32 to vector<16xi32>
      %shift_left3A_591 = arith.shli %shift_right_arithmetic3A_588, %shift_left3A_590 : vector<16xi32>
      %and3A_592 = arith.constant 8191 : i32
      %and3A_593 = vector.broadcast %and3A_592 : i32 to vector<16xi32>
      %and3A_594 = arith.andi %get3A_585, %and3A_593 : vector<16xi32>
      %shift_left3A_595 = arith.constant 1 : i32
      %shift_left3A_596 = vector.broadcast %shift_left3A_595 : i32 to vector<16xi32>
      %shift_left3A_597 = arith.shli %and3A_594, %shift_left3A_596 : vector<16xi32>
      %or3A_598 = arith.ori %shift_left3A_591, %shift_left3A_597 : vector<16xi32>
      %shift_right_arithmetic3A_599 = arith.constant 13 : i32
      %shift_right_arithmetic3A_600 = vector.broadcast %shift_right_arithmetic3A_599 : i32 to vector<16xi32>
      %shift_right_arithmetic3A_601 = arith.shrsi %get3A_585, %shift_right_arithmetic3A_600 : vector<16xi32>
      %and3A_602 = arith.constant 1 : i32
      %and3A_603 = vector.broadcast %and3A_602 : i32 to vector<16xi32>
      %and3A_604 = arith.andi %shift_right_arithmetic3A_601, %and3A_603 : vector<16xi32>
      %or3A_605 = arith.ori %or3A_598, %and3A_604 : vector<16xi32>
      %swap3A_606 = arith.constant 1 : i32
      %swap3A_607 = arith.index_cast %swap3A_606 : i32 to index
      %swap3A_608 = arith.constant 112 : index
      %swap3A_609 = tpu.vector_load %arg6[%swap3A_607, %swap3A_608] {strides = array<i32>} : memref<2x200xi32, #tpu.memory_space<vmem>>, vector<16xi32>,
      tpu.vector_store %arg6[%swap3A_607, %swap3A_608], %or3A_605 {strides = array<i32>} : memref<2x200xi32, #tpu.memory_space<vmem>>, vector<16xi32>,
      %get3A_610 = arith.index_cast %add3A_393 : i32 to index
      %get3A_611 = arith.constant 128 : index
      %get3A_612 = tpu.vector_load %arg5[%get3A_610, %get3A_611] {strides = array<i32>} : memref<128x200xi32, #tpu.memory_space<vmem>>, vector<16xi32>,
      %shift_right_arithmetic3A_613 = arith.constant 14 : i32
      %shift_right_arithmetic3A_614 = vector.broadcast %shift_right_arithmetic3A_613 : i32 to vector<16xi32>
      %shift_right_arithmetic3A_615 = arith.shrsi %get3A_612, %shift_right_arithmetic3A_614 : vector<16xi32>
      %shift_left3A_616 = arith.constant 14 : i32
      %shift_left3A_617 = vector.broadcast %shift_left3A_616 : i32 to vector<16xi32>
      %shift_left3A_618 = arith.shli %shift_right_arithmetic3A_615, %shift_left3A_617 : vector<16xi32>
      %and3A_619 = arith.constant 8191 : i32
      %and3A_620 = vector.broadcast %and3A_619 : i32 to vector<16xi32>
      %and3A_621 = arith.andi %get3A_612, %and3A_620 : vector<16xi32>
      %shift_left3A_622 = arith.constant 1 : i32
      %shift_left3A_623 = vector.broadcast %shift_left3A_622 : i32 to vector<16xi32>
      %shift_left3A_624 = arith.shli %and3A_621, %shift_left3A_623 : vector<16xi32>
      %or3A_625 = arith.ori %shift_left3A_618, %shift_left3A_624 : vector<16xi32>
      %shift_right_arithmetic3A_626 = arith.constant 13 : i32
      %shift_right_arithmetic3A_627 = vector.broadcast %shift_right_arithmetic3A_626 : i32 to vector<16xi32>
      %shift_right_arithmetic3A_628 = arith.shrsi %get3A_612, %shift_right_arithmetic3A_627 : vector<16xi32>
      %and3A_629 = arith.constant 1 : i32
      %and3A_630 = vector.broadcast %and3A_629 : i32 to vector<16xi32>
      %and3A_631 = arith.andi %shift_right_arithmetic3A_628, %and3A_630 : vector<16xi32>
      %or3A_632 = arith.ori %or3A_625, %and3A_631 : vector<16xi32>
      %swap3A_633 = arith.constant 1 : i32
      %swap3A_634 = arith.index_cast %swap3A_633 : i32 to index
      %swap3A_635 = arith.constant 128 : index
      %swap3A_636 = tpu.vector_load %arg6[%swap3A_634, %swap3A_635] {strides = array<i32>} : memref<2x200xi32, #tpu.memory_space<vmem>>, vector<16xi32>,
      tpu.vector_store %arg6[%swap3A_634, %swap3A_635], %or3A_632 {strides = array<i32>} : memref<2x200xi32, #tpu.memory_space<vmem>>, vector<16xi32>,
      %get3A_637 = arith.index_cast %add3A_393 : i32 to index
      %get3A_638 = arith.constant 144 : index
      %get3A_639 = tpu.vector_load %arg5[%get3A_637, %get3A_638] {strides = array<i32>} : memref<128x200xi32, #tpu.memory_space<vmem>>, vector<16xi32>,
      %shift_right_arithmetic3A_640 = arith.constant 14 : i32
      %shift_right_arithmetic3A_641 = vector.broadcast %shift_right_arithmetic3A_640 : i32 to vector<16xi32>
      %shift_right_arithmetic3A_642 = arith.shrsi %get3A_639, %shift_right_arithmetic3A_641 : vector<16xi32>
      %shift_left3A_643 = arith.constant 14 : i32
      %shift_left3A_644 = vector.broadcast %shift_left3A_643 : i32 to vector<16xi32>
      %shift_left3A_645 = arith.shli %shift_right_arithmetic3A_642, %shift_left3A_644 : vector<16xi32>
      %and3A_646 = arith.constant 8191 : i32
      %and3A_647 = vector.broadcast %and3A_646 : i32 to vector<16xi32>
      %and3A_648 = arith.andi %get3A_639, %and3A_647 : vector<16xi32>
      %shift_left3A_649 = arith.constant 1 : i32
      %shift_left3A_650 = vector.broadcast %shift_left3A_649 : i32 to vector<16xi32>
      %shift_left3A_651 = arith.shli %and3A_648, %shift_left3A_650 : vector<16xi32>
      %or3A_652 = arith.ori %shift_left3A_645, %shift_left3A_651 : vector<16xi32>
      %shift_right_arithmetic3A_653 = arith.constant 13 : i32
      %shift_right_arithmetic3A_654 = vector.broadcast %shift_right_arithmetic3A_653 : i32 to vector<16xi32>
      %shift_right_arithmetic3A_655 = arith.shrsi %get3A_639, %shift_right_arithmetic3A_654 : vector<16xi32>
      %and3A_656 = arith.constant 1 : i32
      %and3A_657 = vector.broadcast %and3A_656 : i32 to vector<16xi32>
      %and3A_658 = arith.andi %shift_right_arithmetic3A_655, %and3A_657 : vector<16xi32>
      %or3A_659 = arith.ori %or3A_652, %and3A_658 : vector<16xi32>
      %swap3A_660 = arith.constant 1 : i32
      %swap3A_661 = arith.index_cast %swap3A_660 : i32 to index
      %swap3A_662 = arith.constant 144 : index
      %swap3A_663 = tpu.vector_load %arg6[%swap3A_661, %swap3A_662] {strides = array<i32>} : memref<2x200xi32, #tpu.memory_space<vmem>>, vector<16xi32>,
      tpu.vector_store %arg6[%swap3A_661, %swap3A_662], %or3A_659 {strides = array<i32>} : memref<2x200xi32, #tpu.memory_space<vmem>>, vector<16xi32>,
      %get3A_664 = arith.index_cast %add3A_393 : i32 to index
      %get3A_665 = arith.constant 160 : index
      %get3A_666 = tpu.vector_load %arg5[%get3A_664, %get3A_665] {strides = array<i32>} : memref<128x200xi32, #tpu.memory_space<vmem>>, vector<16xi32>,
      %shift_right_arithmetic3A_667 = arith.constant 14 : i32
      %shift_right_arithmetic3A_668 = vector.broadcast %shift_right_arithmetic3A_667 : i32 to vector<16xi32>
      %shift_right_arithmetic3A_669 = arith.shrsi %get3A_666, %shift_right_arithmetic3A_668 : vector<16xi32>
      %shift_left3A_670 = arith.constant 14 : i32
      %shift_left3A_671 = vector.broadcast %shift_left3A_670 : i32 to vector<16xi32>
      %shift_left3A_672 = arith.shli %shift_right_arithmetic3A_669, %shift_left3A_671 : vector<16xi32>
      %and3A_673 = arith.constant 8191 : i32
      %and3A_674 = vector.broadcast %and3A_673 : i32 to vector<16xi32>
      %and3A_675 = arith.andi %get3A_666, %and3A_674 : vector<16xi32>
      %shift_left3A_676 = arith.constant 1 : i32
      %shift_left3A_677 = vector.broadcast %shift_left3A_676 : i32 to vector<16xi32>
      %shift_left3A_678 = arith.shli %and3A_675, %shift_left3A_677 : vector<16xi32>
      %or3A_679 = arith.ori %shift_left3A_672, %shift_left3A_678 : vector<16xi32>
      %shift_right_arithmetic3A_680 = arith.constant 13 : i32
      %shift_right_arithmetic3A_681 = vector.broadcast %shift_right_arithmetic3A_680 : i32 to vector<16xi32>
      %shift_right_arithmetic3A_682 = arith.shrsi %get3A_666, %shift_right_arithmetic3A_681 : vector<16xi32>
      %and3A_683 = arith.constant 1 : i32
      %and3A_684 = vector.broadcast %and3A_683 : i32 to vector<16xi32>
      %and3A_685 = arith.andi %shift_right_arithmetic3A_682, %and3A_684 : vector<16xi32>
      %or3A_686 = arith.ori %or3A_679, %and3A_685 : vector<16xi32>
      %swap3A_687 = arith.constant 1 : i32
      %swap3A_688 = arith.index_cast %swap3A_687 : i32 to index
      %swap3A_689 = arith.constant 160 : index
      %swap3A_690 = tpu.vector_load %arg6[%swap3A_688, %swap3A_689] {strides = array<i32>} : memref<2x200xi32, #tpu.memory_space<vmem>>, vector<16xi32>,
      tpu.vector_store %arg6[%swap3A_688, %swap3A_689], %or3A_686 {strides = array<i32>} : memref<2x200xi32, #tpu.memory_space<vmem>>, vector<16xi32>,
      %get3A_691 = arith.index_cast %add3A_393 : i32 to index
      %get3A_692 = arith.constant 176 : index
      %get3A_693 = tpu.vector_load %arg5[%get3A_691, %get3A_692] {strides = array<i32>} : memref<128x200xi32, #tpu.memory_space<vmem>>, vector<16xi32>,
      %shift_right_arithmetic3A_694 = arith.constant 14 : i32
      %shift_right_arithmetic3A_695 = vector.broadcast %shift_right_arithmetic3A_694 : i32 to vector<16xi32>
      %shift_right_arithmetic3A_696 = arith.shrsi %get3A_693, %shift_right_arithmetic3A_695 : vector<16xi32>
      %shift_left3A_697 = arith.constant 14 : i32
      %shift_left3A_698 = vector.broadcast %shift_left3A_697 : i32 to vector<16xi32>
      %shift_left3A_699 = arith.shli %shift_right_arithmetic3A_696, %shift_left3A_698 : vector<16xi32>
      %and3A_700 = arith.constant 8191 : i32
      %and3A_701 = vector.broadcast %and3A_700 : i32 to vector<16xi32>
      %and3A_702 = arith.andi %get3A_693, %and3A_701 : vector<16xi32>
      %shift_left3A_703 = arith.constant 1 : i32
      %shift_left3A_704 = vector.broadcast %shift_left3A_703 : i32 to vector<16xi32>
      %shift_left3A_705 = arith.shli %and3A_702, %shift_left3A_704 : vector<16xi32>
      %or3A_706 = arith.ori %shift_left3A_699, %shift_left3A_705 : vector<16xi32>
      %shift_right_arithmetic3A_707 = arith.constant 13 : i32
      %shift_right_arithmetic3A_708 = vector.broadcast %shift_right_arithmetic3A_707 : i32 to vector<16xi32>
      %shift_right_arithmetic3A_709 = arith.shrsi %get3A_693, %shift_right_arithmetic3A_708 : vector<16xi32>
      %and3A_710 = arith.constant 1 : i32
      %and3A_711 = vector.broadcast %and3A_710 : i32 to vector<16xi32>
      %and3A_712 = arith.andi %shift_right_arithmetic3A_709, %and3A_711 : vector<16xi32>
      %or3A_713 = arith.ori %or3A_706, %and3A_712 : vector<16xi32>
      %swap3A_714 = arith.constant 1 : i32
      %swap3A_715 = arith.index_cast %swap3A_714 : i32 to index
      %swap3A_716 = arith.constant 176 : index
      %swap3A_717 = tpu.vector_load %arg6[%swap3A_715, %swap3A_716] {strides = array<i32>} : memref<2x200xi32, #tpu.memory_space<vmem>>, vector<16xi32>,
      tpu.vector_store %arg6[%swap3A_715, %swap3A_716], %or3A_713 {strides = array<i32>} : memref<2x200xi32, #tpu.memory_space<vmem>>, vector<16xi32>,
      %get3A_718 = arith.index_cast %add3A_393 : i32 to index
      %get3A_719 = arith.constant 184 : index
      %get3A_720 = tpu.vector_load %arg5[%get3A_718, %get3A_719] {strides = array<i32>} : memref<128x200xi32, #tpu.memory_space<vmem>>, vector<16xi32>,
      %shift_right_arithmetic3A_721 = arith.constant 14 : i32
      %shift_right_arithmetic3A_722 = vector.broadcast %shift_right_arithmetic3A_721 : i32 to vector<16xi32>
      %shift_right_arithmetic3A_723 = arith.shrsi %get3A_720, %shift_right_arithmetic3A_722 : vector<16xi32>
      %shift_left3A_724 = arith.constant 14 : i32
      %shift_left3A_725 = vector.broadcast %shift_left3A_724 : i32 to vector<16xi32>
      %shift_left3A_726 = arith.shli %shift_right_arithmetic3A_723, %shift_left3A_725 : vector<16xi32>
      %and3A_727 = arith.constant 8191 : i32
      %and3A_728 = vector.broadcast %and3A_727 : i32 to vector<16xi32>
      %and3A_729 = arith.andi %get3A_720, %and3A_728 : vector<16xi32>
      %shift_left3A_730 = arith.constant 1 : i32
      %shift_left3A_731 = vector.broadcast %shift_left3A_730 : i32 to vector<16xi32>
      %shift_left3A_732 = arith.shli %and3A_729, %shift_left3A_731 : vector<16xi32>
      %or3A_733 = arith.ori %shift_left3A_726, %shift_left3A_732 : vector<16xi32>
      %shift_right_arithmetic3A_734 = arith.constant 13 : i32
      %shift_right_arithmetic3A_735 = vector.broadcast %shift_right_arithmetic3A_734 : i32 to vector<16xi32>
      %shift_right_arithmetic3A_736 = arith.shrsi %get3A_720, %shift_right_arithmetic3A_735 : vector<16xi32>
      %and3A_737 = arith.constant 1 : i32
      %and3A_738 = vector.broadcast %and3A_737 : i32 to vector<16xi32>
      %and3A_739 = arith.andi %shift_right_arithmetic3A_736, %and3A_738 : vector<16xi32>
      %or3A_740 = arith.ori %or3A_733, %and3A_739 : vector<16xi32>
      %swap3A_741 = arith.constant 1 : i32
      %swap3A_742 = arith.index_cast %swap3A_741 : i32 to index
      %swap3A_743 = arith.constant 184 : index
      %swap3A_744 = tpu.vector_load %arg6[%swap3A_742, %swap3A_743] {strides = array<i32>} : memref<2x200xi32, #tpu.memory_space<vmem>>, vector<16xi32>,
      tpu.vector_store %arg6[%swap3A_742, %swap3A_743], %or3A_740 {strides = array<i32>} : memref<2x200xi32, #tpu.memory_space<vmem>>, vector<16xi32>,
      %dma_start3A_745 = arith.constant 1 : i32
      %dma_start3A_746 = arith.constant 1 : i32
      %dma_start3A_747 = arith.constant 0 : i32
      %dma_start3A_748 = arith.constant 0 : i32
      %dma_start3A_749 = tpu.memref_slice %arg7[%dma_start3A_746, %dma_start3A_747, %dma_start3A_748] : memref<2x200x64xf32, #tpu.memory_space<vmem>> -> memref<1x128x64xf32, #tpu.memory_space<vmem>>
      %dma_start3A_750 = tpu.memref_squeeze %dma_start3A_749 : memref<1x128x64xf32, #tpu.memory_space<vmem>> -> memref<128x64xf32, #tpu.memory_space<vmem>>
      %dma_start3A_751 = arith.constant 0 : i32
      %dma_start3A_752 = tpu.memref_slice %arg6[%dma_start3A_745, %dma_start3A_751] : memref<2x200xi32, #tpu.memory_space<vmem>> -> memref<1x128xi32, #tpu.memory_space<vmem>>
      %dma_start3A_753 = tpu.memref_squeeze %dma_start3A_752 : memref<1x128xi32, #tpu.memory_space<vmem>> -> memref<128xi32, #tpu.memory_space<vmem>>
      %dma_start3A_754 = arith.constant 0 : i32
      %dma_start3A_755 = arith.constant 0 : i32
      %dma_start3A_756 = tpu.memref_slice %arg3[%dma_start3A_754, %dma_start3A_755] : memref<1015808x64xf32, #tpu.memory_space<hbm>> -> memref<1015808x64xf32, #tpu.memory_space<hbm>>
      tpu.enqueue_indirect_dma source(%dma_start3A_756 : memref<1015808x64xf32, #tpu.memory_space<hbm>>) target(%dma_start3A_750 : memref<128x64xf32, #tpu.memory_space<vmem>>) offsets(%dma_start3A_753 : memref<128xi32, #tpu.memory_space<vmem>>) semaphore(%arg10 : memref<!tpu.dma_semaphore, #tpu.memory_space<semaphore_mem>>)
      %dma_start3A_757 = arith.constant 1 : i32
      %dma_start3A_758 = arith.constant 1 : i32
      %dma_start3A_759 = arith.constant 128 : i32
      %dma_start3A_760 = arith.constant 0 : i32
      %dma_start3A_761 = tpu.memref_slice %arg7[%dma_start3A_758, %dma_start3A_759, %dma_start3A_760] : memref<2x200x64xf32, #tpu.memory_space<vmem>> -> memref<1x72x64xf32, #tpu.memory_space<vmem>>
      %dma_start3A_762 = tpu.memref_squeeze %dma_start3A_761 : memref<1x72x64xf32, #tpu.memory_space<vmem>> -> memref<72x64xf32, #tpu.memory_space<vmem>>
      %dma_start3A_763 = arith.constant 128 : i32
      %dma_start3A_764 = tpu.memref_slice %arg6[%dma_start3A_757, %dma_start3A_763] : memref<2x200xi32, #tpu.memory_space<vmem>> -> memref<1x72xi32, #tpu.memory_space<vmem>>
      %dma_start3A_765 = tpu.memref_squeeze %dma_start3A_764 : memref<1x72xi32, #tpu.memory_space<vmem>> -> memref<72xi32, #tpu.memory_space<vmem>>
      %dma_start3A_766 = arith.constant 0 : i32
      %dma_start3A_767 = arith.constant 0 : i32
      %dma_start3A_768 = tpu.memref_slice %arg3[%dma_start3A_766, %dma_start3A_767] : memref<1015808x64xf32, #tpu.memory_space<hbm>> -> memref<1015808x64xf32, #tpu.memory_space<hbm>>
      tpu.enqueue_indirect_dma source(%dma_start3A_768 : memref<1015808x64xf32, #tpu.memory_space<hbm>>) target(%dma_start3A_762 : memref<72x64xf32, #tpu.memory_space<vmem>>) offsets(%dma_start3A_765 : memref<72xi32, #tpu.memory_space<vmem>>) semaphore(%arg10 : memref<!tpu.dma_semaphore, #tpu.memory_space<semaphore_mem>>)
      %dma_wait3A = arith.constant 0 : i32
      %dma_wait3A_769 = arith.constant 0 : i32
      %dma_wait3A_770 = arith.constant 0 : i32
      %dma_wait3A_771 = arith.constant 0 : i32
      %dma_wait3A_772 = tpu.memref_slice %arg7[%dma_wait3A_769, %dma_wait3A_770, %dma_wait3A_771] : memref<2x200x64xf32, #tpu.memory_space<vmem>> -> memref<1x128x64xf32, #tpu.memory_space<vmem>>
      %dma_wait3A_773 = tpu.memref_squeeze %dma_wait3A_772 : memref<1x128x64xf32, #tpu.memory_space<vmem>> -> memref<128x64xf32, #tpu.memory_space<vmem>>
      %dma_wait3A_774 = arith.constant 0 : i32
      %dma_wait3A_775 = tpu.memref_slice %arg6[%dma_wait3A, %dma_wait3A_774] : memref<2x200xi32, #tpu.memory_space<vmem>> -> memref<1x128xi32, #tpu.memory_space<vmem>>
      %dma_wait3A_776 = tpu.memref_squeeze %dma_wait3A_775 : memref<1x128xi32, #tpu.memory_space<vmem>> -> memref<128xi32, #tpu.memory_space<vmem>>
      %dma_wait3A_777 = arith.constant 0 : i32
      %dma_wait3A_778 = arith.constant 0 : i32
      %dma_wait3A_779 = tpu.memref_slice %arg3[%dma_wait3A_777, %dma_wait3A_778] : memref<1015808x64xf32, #tpu.memory_space<hbm>> -> memref<1015808x64xf32, #tpu.memory_space<hbm>>
      tpu.wait_indirect_dma semaphore(%arg9 : memref<!tpu.dma_semaphore, #tpu.memory_space<semaphore_mem>>) src(%dma_wait3A_779 : memref<1015808x64xf32, #tpu.memory_space<hbm>>) dst(%dma_wait3A_773 : memref<128x64xf32, #tpu.memory_space<vmem>>)
      %dma_wait3A_780 = arith.constant 0 : i32
      %dma_wait3A_781 = arith.constant 0 : i32
      %dma_wait3A_782 = arith.constant 128 : i32
      %dma_wait3A_783 = arith.constant 0 : i32
      %dma_wait3A_784 = tpu.memref_slice %arg7[%dma_wait3A_781, %dma_wait3A_782, %dma_wait3A_783] : memref<2x200x64xf32, #tpu.memory_space<vmem>> -> memref<1x72x64xf32, #tpu.memory_space<vmem>>
      %dma_wait3A_785 = tpu.memref_squeeze %dma_wait3A_784 : memref<1x72x64xf32, #tpu.memory_space<vmem>> -> memref<72x64xf32, #tpu.memory_space<vmem>>
      %dma_wait3A_786 = arith.constant 128 : i32
      %dma_wait3A_787 = tpu.memref_slice %arg6[%dma_wait3A_780, %dma_wait3A_786] : memref<2x200xi32, #tpu.memory_space<vmem>> -> memref<1x72xi32, #tpu.memory_space<vmem>>
      %dma_wait3A_788 = tpu.memref_squeeze %dma_wait3A_787 : memref<1x72xi32, #tpu.memory_space<vmem>> -> memref<72xi32, #tpu.memory_space<vmem>>
      %dma_wait3A_789 = arith.constant 0 : i32
      %dma_wait3A_790 = arith.constant 0 : i32
      %dma_wait3A_791 = tpu.memref_slice %arg3[%dma_wait3A_789, %dma_wait3A_790] : memref<1015808x64xf32, #tpu.memory_space<hbm>> -> memref<1015808x64xf32, #tpu.memory_space<hbm>>
      tpu.wait_indirect_dma semaphore(%arg9 : memref<!tpu.dma_semaphore, #tpu.memory_space<semaphore_mem>>) src(%dma_wait3A_791 : memref<1015808x64xf32, #tpu.memory_space<hbm>>) dst(%dma_wait3A_785 : memref<72x64xf32, #tpu.memory_space<vmem>>)
      %broadcast_in_dim3A = arith.constant 0.000000e+00 : f32
      %broadcast_in_dim3A_792 = vector.broadcast %broadcast_in_dim3A : f32 to vector<16xf32>
      %scan3A_793 = arith.constant 0 : i32
      %scan3A_794 = arith.constant 200 : i32
      %scan3A_795 = arith.addi %scan3A_793, %scan3A_794 : i32
      %scan3A_796 = arith.constant 8 : i32
      %scan3A_797:4 = scf.for %scan3A_861 = %scan3A_793 to %scan3A_795 step %scan3A_796 iter_args(%scan3A_862 = %broadcast_in_dim3A_792, %scan3A_863 = %broadcast_in_dim3A_792, %scan3A_864 = %broadcast_in_dim3A_792, %scan3A_865 = %broadcast_in_dim3A_792) -> (vector<16xf32>, vector<16xf32>, vector<16xf32>, vector<16xf32>)  : i32 {
        %get3A_866 = arith.constant 0 : i32
        %get3A_867 = arith.index_cast %get3A_866 : i32 to index
        %get3A_868 = arith.index_cast %scan3A_861 : i32 to index
        %get3A_869 = arith.constant 0 : index
        %get3A_870 = tpu.vector_load %arg7[%get3A_867, %get3A_868, %get3A_869] {strides = array<i32>} : memref<2x200x64xf32, #tpu.memory_space<vmem>>, vector<16xf32>,
        %get3A_871 = arith.constant 0 : i32
        %get3A_872 = arith.index_cast %get3A_871 : i32 to index
        %get3A_873 = arith.index_cast %scan3A_861 : i32 to index
        %get3A_874 = arith.constant 16 : index
        %get3A_875 = tpu.vector_load %arg7[%get3A_872, %get3A_873, %get3A_874] {strides = array<i32>} : memref<2x200x64xf32, #tpu.memory_space<vmem>>, vector<16xf32>,
        %get3A_876 = arith.constant 0 : i32
        %get3A_877 = arith.index_cast %get3A_876 : i32 to index
        %get3A_878 = arith.index_cast %scan3A_861 : i32 to index
        %get3A_879 = arith.constant 32 : index
        %get3A_880 = tpu.vector_load %arg7[%get3A_877, %get3A_878, %get3A_879] {strides = array<i32>} : memref<2x200x64xf32, #tpu.memory_space<vmem>>, vector<16xf32>,
        %get3A_881 = arith.constant 0 : i32
        %get3A_882 = arith.index_cast %get3A_881 : i32 to index
        %get3A_883 = arith.index_cast %scan3A_861 : i32 to index
        %get3A_884 = arith.constant 48 : index
        %get3A_885 = tpu.vector_load %arg7[%get3A_882, %get3A_883, %get3A_884] {strides = array<i32>} : memref<2x200x64xf32, #tpu.memory_space<vmem>>, vector<16xf32>,
        %mul3A_886 = arith.mulf %get3A_870, %get3A_870 : vector<16xf32>
        %mul3A_887 = arith.mulf %get3A_875, %get3A_875 : vector<16xf32>
        %add3A_888 = arith.addf %mul3A_886, %mul3A_887 : vector<16xf32>
        %mul3A_889 = arith.mulf %get3A_880, %get3A_880 : vector<16xf32>
        %add3A_890 = arith.addf %add3A_888, %mul3A_889 : vector<16xf32>
        %mul3A_891 = arith.mulf %get3A_885, %get3A_885 : vector<16xf32>
        %add3A_892 = arith.addf %add3A_890, %mul3A_891 : vector<16xf32>
        %reduce_sum3A = arith.constant true
        %reduce_sum3A_893 = vector.broadcast %reduce_sum3A : i1 to vector<16xi1>
        %reduce_sum3A_894 = tpu.scan <sum>, %add3A_892 masked %reduce_sum3A_893 : vector<16xf32>, vector<16xi1> -> vector<16xf32>
        %reduce_sum3A_895 = vector.extract %reduce_sum3A_894[15] : f32 from vector<16xf32>
        %bitcast_convert_type3A = arith.bitcast %reduce_sum3A_895 : f32 to i32
        %shift_right_arithmetic3A_896 = arith.constant 1 : i32
        %shift_right_arithmetic3A_897 = arith.shrsi %bitcast_convert_type3A, %shift_right_arithmetic3A_896 : i32
        %sub3A = arith.constant 1597463007 : i32
        %sub3A_898 = arith.subi %sub3A, %shift_right_arithmetic3A_897 : i32
        %bitcast_convert_type3A_899 = arith.bitcast %sub3A_898 : i32 to f32
        %mul3A_900 = arith.constant 5.000000e-01 : f32
        %mul3A_901 = arith.mulf %mul3A_900, %reduce_sum3A_895 : f32
        %mul3A_902 = arith.mulf %mul3A_901, %bitcast_convert_type3A_899 : f32
        %mul3A_903 = arith.mulf %mul3A_902, %bitcast_convert_type3A_899 : f32
        %sub3A_904 = arith.constant 1.500000e+00 : f32
        %sub3A_905 = arith.subf %sub3A_904, %mul3A_903 : f32
        %mul3A_906 = arith.mulf %bitcast_convert_type3A_899, %sub3A_905 : f32
        %gt3A = arith.constant 2.500000e+01 : f32
        %gt3A_907 = arith.cmpf ogt, %reduce_sum3A_895, %gt3A : f32
        %mul3A_908 = arith.constant 5.000000e+00 : f32
        %mul3A_909 = arith.mulf %mul3A_908, %mul3A_906 : f32
        %jit3A = arith.constant 1.000000e+00 : f32
        %select_n3A = arith.select %gt3A_907, %mul3A_909, %jit3A : f32
        %broadcast_in_dim3A_910 = vector.broadcast %select_n3A : f32 to vector<16xf32>
        %mul3A_911 = arith.mulf %broadcast_in_dim3A_910, %get3A_870 : vector<16xf32>
        %add3A_912 = arith.addf %scan3A_862, %mul3A_911 : vector<16xf32>
        %mul3A_913 = arith.mulf %broadcast_in_dim3A_910, %get3A_875 : vector<16xf32>
        %add3A_914 = arith.addf %scan3A_863, %mul3A_913 : vector<16xf32>
        %mul3A_915 = arith.mulf %broadcast_in_dim3A_910, %get3A_880 : vector<16xf32>
        %add3A_916 = arith.addf %scan3A_864, %mul3A_915 : vector<16xf32>
        %mul3A_917 = arith.mulf %broadcast_in_dim3A_910, %get3A_885 : vector<16xf32>
        %add3A_918 = arith.addf %scan3A_865, %mul3A_917 : vector<16xf32>
        %scan3A_919 = arith.constant 1 : i32
        %scan3A_920 = arith.addi %scan3A_861, %scan3A_919 : i32
        %get3A_921 = arith.constant 0 : i32
        %get3A_922 = arith.index_cast %get3A_921 : i32 to index
        %get3A_923 = arith.index_cast %scan3A_920 : i32 to index
        %get3A_924 = arith.constant 0 : index
        %get3A_925 = tpu.vector_load %arg7[%get3A_922, %get3A_923, %get3A_924] {strides = array<i32>} : memref<2x200x64xf32, #tpu.memory_space<vmem>>, vector<16xf32>,
        %get3A_926 = arith.constant 0 : i32
        %get3A_927 = arith.index_cast %get3A_926 : i32 to index
        %get3A_928 = arith.index_cast %scan3A_920 : i32 to index
        %get3A_929 = arith.constant 16 : index
        %get3A_930 = tpu.vector_load %arg7[%get3A_927, %get3A_928, %get3A_929] {strides = array<i32>} : memref<2x200x64xf32, #tpu.memory_space<vmem>>, vector<16xf32>,
        %get3A_931 = arith.constant 0 : i32
        %get3A_932 = arith.index_cast %get3A_931 : i32 to index
        %get3A_933 = arith.index_cast %scan3A_920 : i32 to index
        %get3A_934 = arith.constant 32 : index
        %get3A_935 = tpu.vector_load %arg7[%get3A_932, %get3A_933, %get3A_934] {strides = array<i32>} : memref<2x200x64xf32, #tpu.memory_space<vmem>>, vector<16xf32>,
        %get3A_936 = arith.constant 0 : i32
        %get3A_937 = arith.index_cast %get3A_936 : i32 to index
        %get3A_938 = arith.index_cast %scan3A_920 : i32 to index
        %get3A_939 = arith.constant 48 : index
        %get3A_940 = tpu.vector_load %arg7[%get3A_937, %get3A_938, %get3A_939] {strides = array<i32>} : memref<2x200x64xf32, #tpu.memory_space<vmem>>, vector<16xf32>,
        %mul3A_941 = arith.mulf %get3A_925, %get3A_925 : vector<16xf32>
        %mul3A_942 = arith.mulf %get3A_930, %get3A_930 : vector<16xf32>
        %add3A_943 = arith.addf %mul3A_941, %mul3A_942 : vector<16xf32>
        %mul3A_944 = arith.mulf %get3A_935, %get3A_935 : vector<16xf32>
        %add3A_945 = arith.addf %add3A_943, %mul3A_944 : vector<16xf32>
        %mul3A_946 = arith.mulf %get3A_940, %get3A_940 : vector<16xf32>
        %add3A_947 = arith.addf %add3A_945, %mul3A_946 : vector<16xf32>
        %reduce_sum3A_948 = arith.constant true
        %reduce_sum3A_949 = vector.broadcast %reduce_sum3A_948 : i1 to vector<16xi1>
        %reduce_sum3A_950 = tpu.scan <sum>, %add3A_947 masked %reduce_sum3A_949 : vector<16xf32>, vector<16xi1> -> vector<16xf32>
        %reduce_sum3A_951 = vector.extract %reduce_sum3A_950[15] : f32 from vector<16xf32>
        %bitcast_convert_type3A_952 = arith.bitcast %reduce_sum3A_951 : f32 to i32
        %shift_right_arithmetic3A_953 = arith.constant 1 : i32
        %shift_right_arithmetic3A_954 = arith.shrsi %bitcast_convert_type3A_952, %shift_right_arithmetic3A_953 : i32
        %sub3A_955 = arith.constant 1597463007 : i32
        %sub3A_956 = arith.subi %sub3A_955, %shift_right_arithmetic3A_954 : i32
        %bitcast_convert_type3A_957 = arith.bitcast %sub3A_956 : i32 to f32
        %mul3A_958 = arith.constant 5.000000e-01 : f32
        %mul3A_959 = arith.mulf %mul3A_958, %reduce_sum3A_951 : f32
        %mul3A_960 = arith.mulf %mul3A_959, %bitcast_convert_type3A_957 : f32
        %mul3A_961 = arith.mulf %mul3A_960, %bitcast_convert_type3A_957 : f32
        %sub3A_962 = arith.constant 1.500000e+00 : f32
        %sub3A_963 = arith.subf %sub3A_962, %mul3A_961 : f32
        %mul3A_964 = arith.mulf %bitcast_convert_type3A_957, %sub3A_963 : f32
        %gt3A_965 = arith.constant 2.500000e+01 : f32
        %gt3A_966 = arith.cmpf ogt, %reduce_sum3A_951, %gt3A_965 : f32
        %mul3A_967 = arith.constant 5.000000e+00 : f32
        %mul3A_968 = arith.mulf %mul3A_967, %mul3A_964 : f32
        %jit3A_969 = arith.constant 1.000000e+00 : f32
        %select_n3A_970 = arith.select %gt3A_966, %mul3A_968, %jit3A_969 : f32
        %broadcast_in_dim3A_971 = vector.broadcast %select_n3A_970 : f32 to vector<16xf32>
        %mul3A_972 = arith.mulf %broadcast_in_dim3A_971, %get3A_925 : vector<16xf32>
        %add3A_973 = arith.addf %add3A_912, %mul3A_972 : vector<16xf32>
        %mul3A_974 = arith.mulf %broadcast_in_dim3A_971, %get3A_930 : vector<16xf32>
        %add3A_975 = arith.addf %add3A_914, %mul3A_974 : vector<16xf32>
        %mul3A_976 = arith.mulf %broadcast_in_dim3A_971, %get3A_935 : vector<16xf32>
        %add3A_977 = arith.addf %add3A_916, %mul3A_976 : vector<16xf32>
        %mul3A_978 = arith.mulf %broadcast_in_dim3A_971, %get3A_940 : vector<16xf32>
        %add3A_979 = arith.addf %add3A_918, %mul3A_978 : vector<16xf32>
        %scan3A_980 = arith.constant 2 : i32
        %scan3A_981 = arith.addi %scan3A_861, %scan3A_980 : i32
        %get3A_982 = arith.constant 0 : i32
        %get3A_983 = arith.index_cast %get3A_982 : i32 to index
        %get3A_984 = arith.index_cast %scan3A_981 : i32 to index
        %get3A_985 = arith.constant 0 : index
        %get3A_986 = tpu.vector_load %arg7[%get3A_983, %get3A_984, %get3A_985] {strides = array<i32>} : memref<2x200x64xf32, #tpu.memory_space<vmem>>, vector<16xf32>,
        %get3A_987 = arith.constant 0 : i32
        %get3A_988 = arith.index_cast %get3A_987 : i32 to index
        %get3A_989 = arith.index_cast %scan3A_981 : i32 to index
        %get3A_990 = arith.constant 16 : index
        %get3A_991 = tpu.vector_load %arg7[%get3A_988, %get3A_989, %get3A_990] {strides = array<i32>} : memref<2x200x64xf32, #tpu.memory_space<vmem>>, vector<16xf32>,
        %get3A_992 = arith.constant 0 : i32
        %get3A_993 = arith.index_cast %get3A_992 : i32 to index
        %get3A_994 = arith.index_cast %scan3A_981 : i32 to index
        %get3A_995 = arith.constant 32 : index
        %get3A_996 = tpu.vector_load %arg7[%get3A_993, %get3A_994, %get3A_995] {strides = array<i32>} : memref<2x200x64xf32, #tpu.memory_space<vmem>>, vector<16xf32>,
        %get3A_997 = arith.constant 0 : i32
        %get3A_998 = arith.index_cast %get3A_997 : i32 to index
        %get3A_999 = arith.index_cast %scan3A_981 : i32 to index
        %get3A_1000 = arith.constant 48 : index
        %get3A_1001 = tpu.vector_load %arg7[%get3A_998, %get3A_999, %get3A_1000] {strides = array<i32>} : memref<2x200x64xf32, #tpu.memory_space<vmem>>, vector<16xf32>,
        %mul3A_1002 = arith.mulf %get3A_986, %get3A_986 : vector<16xf32>
        %mul3A_1003 = arith.mulf %get3A_991, %get3A_991 : vector<16xf32>
        %add3A_1004 = arith.addf %mul3A_1002, %mul3A_1003 : vector<16xf32>
        %mul3A_1005 = arith.mulf %get3A_996, %get3A_996 : vector<16xf32>
        %add3A_1006 = arith.addf %add3A_1004, %mul3A_1005 : vector<16xf32>
        %mul3A_1007 = arith.mulf %get3A_1001, %get3A_1001 : vector<16xf32>
        %add3A_1008 = arith.addf %add3A_1006, %mul3A_1007 : vector<16xf32>
        %reduce_sum3A_1009 = arith.constant true
        %reduce_sum3A_1010 = vector.broadcast %reduce_sum3A_1009 : i1 to vector<16xi1>
        %reduce_sum3A_1011 = tpu.scan <sum>, %add3A_1008 masked %reduce_sum3A_1010 : vector<16xf32>, vector<16xi1> -> vector<16xf32>
        %reduce_sum3A_1012 = vector.extract %reduce_sum3A_1011[15] : f32 from vector<16xf32>
        %bitcast_convert_type3A_1013 = arith.bitcast %reduce_sum3A_1012 : f32 to i32
        %shift_right_arithmetic3A_1014 = arith.constant 1 : i32
        %shift_right_arithmetic3A_1015 = arith.shrsi %bitcast_convert_type3A_1013, %shift_right_arithmetic3A_1014 : i32
        %sub3A_1016 = arith.constant 1597463007 : i32
        %sub3A_1017 = arith.subi %sub3A_1016, %shift_right_arithmetic3A_1015 : i32
        %bitcast_convert_type3A_1018 = arith.bitcast %sub3A_1017 : i32 to f32
        %mul3A_1019 = arith.constant 5.000000e-01 : f32
        %mul3A_1020 = arith.mulf %mul3A_1019, %reduce_sum3A_1012 : f32
        %mul3A_1021 = arith.mulf %mul3A_1020, %bitcast_convert_type3A_1018 : f32
        %mul3A_1022 = arith.mulf %mul3A_1021, %bitcast_convert_type3A_1018 : f32
        %sub3A_1023 = arith.constant 1.500000e+00 : f32
        %sub3A_1024 = arith.subf %sub3A_1023, %mul3A_1022 : f32
        %mul3A_1025 = arith.mulf %bitcast_convert_type3A_1018, %sub3A_1024 : f32
        %gt3A_1026 = arith.constant 2.500000e+01 : f32
        %gt3A_1027 = arith.cmpf ogt, %reduce_sum3A_1012, %gt3A_1026 : f32
        %mul3A_1028 = arith.constant 5.000000e+00 : f32
        %mul3A_1029 = arith.mulf %mul3A_1028, %mul3A_1025 : f32
        %jit3A_1030 = arith.constant 1.000000e+00 : f32
        %select_n3A_1031 = arith.select %gt3A_1027, %mul3A_1029, %jit3A_1030 : f32
        %broadcast_in_dim3A_1032 = vector.broadcast %select_n3A_1031 : f32 to vector<16xf32>
        %mul3A_1033 = arith.mulf %broadcast_in_dim3A_1032, %get3A_986 : vector<16xf32>
        %add3A_1034 = arith.addf %add3A_973, %mul3A_1033 : vector<16xf32>
        %mul3A_1035 = arith.mulf %broadcast_in_dim3A_1032, %get3A_991 : vector<16xf32>
        %add3A_1036 = arith.addf %add3A_975, %mul3A_1035 : vector<16xf32>
        %mul3A_1037 = arith.mulf %broadcast_in_dim3A_1032, %get3A_996 : vector<16xf32>
        %add3A_1038 = arith.addf %add3A_977, %mul3A_1037 : vector<16xf32>
        %mul3A_1039 = arith.mulf %broadcast_in_dim3A_1032, %get3A_1001 : vector<16xf32>
        %add3A_1040 = arith.addf %add3A_979, %mul3A_1039 : vector<16xf32>
        %scan3A_1041 = arith.constant 3 : i32
        %scan3A_1042 = arith.addi %scan3A_861, %scan3A_1041 : i32
        %get3A_1043 = arith.constant 0 : i32
        %get3A_1044 = arith.index_cast %get3A_1043 : i32 to index
        %get3A_1045 = arith.index_cast %scan3A_1042 : i32 to index
        %get3A_1046 = arith.constant 0 : index
        %get3A_1047 = tpu.vector_load %arg7[%get3A_1044, %get3A_1045, %get3A_1046] {strides = array<i32>} : memref<2x200x64xf32, #tpu.memory_space<vmem>>, vector<16xf32>,
        %get3A_1048 = arith.constant 0 : i32
        %get3A_1049 = arith.index_cast %get3A_1048 : i32 to index
        %get3A_1050 = arith.index_cast %scan3A_1042 : i32 to index
        %get3A_1051 = arith.constant 16 : index
        %get3A_1052 = tpu.vector_load %arg7[%get3A_1049, %get3A_1050, %get3A_1051] {strides = array<i32>} : memref<2x200x64xf32, #tpu.memory_space<vmem>>, vector<16xf32>,
        %get3A_1053 = arith.constant 0 : i32
        %get3A_1054 = arith.index_cast %get3A_1053 : i32 to index
        %get3A_1055 = arith.index_cast %scan3A_1042 : i32 to index
        %get3A_1056 = arith.constant 32 : index
        %get3A_1057 = tpu.vector_load %arg7[%get3A_1054, %get3A_1055, %get3A_1056] {strides = array<i32>} : memref<2x200x64xf32, #tpu.memory_space<vmem>>, vector<16xf32>,
        %get3A_1058 = arith.constant 0 : i32
        %get3A_1059 = arith.index_cast %get3A_1058 : i32 to index
        %get3A_1060 = arith.index_cast %scan3A_1042 : i32 to index
        %get3A_1061 = arith.constant 48 : index
        %get3A_1062 = tpu.vector_load %arg7[%get3A_1059, %get3A_1060, %get3A_1061] {strides = array<i32>} : memref<2x200x64xf32, #tpu.memory_space<vmem>>, vector<16xf32>,
        %mul3A_1063 = arith.mulf %get3A_1047, %get3A_1047 : vector<16xf32>
        %mul3A_1064 = arith.mulf %get3A_1052, %get3A_1052 : vector<16xf32>
        %add3A_1065 = arith.addf %mul3A_1063, %mul3A_1064 : vector<16xf32>
        %mul3A_1066 = arith.mulf %get3A_1057, %get3A_1057 : vector<16xf32>
        %add3A_1067 = arith.addf %add3A_1065, %mul3A_1066 : vector<16xf32>
        %mul3A_1068 = arith.mulf %get3A_1062, %get3A_1062 : vector<16xf32>
        %add3A_1069 = arith.addf %add3A_1067, %mul3A_1068 : vector<16xf32>
        %reduce_sum3A_1070 = arith.constant true
        %reduce_sum3A_1071 = vector.broadcast %reduce_sum3A_1070 : i1 to vector<16xi1>
        %reduce_sum3A_1072 = tpu.scan <sum>, %add3A_1069 masked %reduce_sum3A_1071 : vector<16xf32>, vector<16xi1> -> vector<16xf32>
        %reduce_sum3A_1073 = vector.extract %reduce_sum3A_1072[15] : f32 from vector<16xf32>
        %bitcast_convert_type3A_1074 = arith.bitcast %reduce_sum3A_1073 : f32 to i32
        %shift_right_arithmetic3A_1075 = arith.constant 1 : i32
        %shift_right_arithmetic3A_1076 = arith.shrsi %bitcast_convert_type3A_1074, %shift_right_arithmetic3A_1075 : i32
        %sub3A_1077 = arith.constant 1597463007 : i32
        %sub3A_1078 = arith.subi %sub3A_1077, %shift_right_arithmetic3A_1076 : i32
        %bitcast_convert_type3A_1079 = arith.bitcast %sub3A_1078 : i32 to f32
        %mul3A_1080 = arith.constant 5.000000e-01 : f32
        %mul3A_1081 = arith.mulf %mul3A_1080, %reduce_sum3A_1073 : f32
        %mul3A_1082 = arith.mulf %mul3A_1081, %bitcast_convert_type3A_1079 : f32
        %mul3A_1083 = arith.mulf %mul3A_1082, %bitcast_convert_type3A_1079 : f32
        %sub3A_1084 = arith.constant 1.500000e+00 : f32
        %sub3A_1085 = arith.subf %sub3A_1084, %mul3A_1083 : f32
        %mul3A_1086 = arith.mulf %bitcast_convert_type3A_1079, %sub3A_1085 : f32
        %gt3A_1087 = arith.constant 2.500000e+01 : f32
        %gt3A_1088 = arith.cmpf ogt, %reduce_sum3A_1073, %gt3A_1087 : f32
        %mul3A_1089 = arith.constant 5.000000e+00 : f32
        %mul3A_1090 = arith.mulf %mul3A_1089, %mul3A_1086 : f32
        %jit3A_1091 = arith.constant 1.000000e+00 : f32
        %select_n3A_1092 = arith.select %gt3A_1088, %mul3A_1090, %jit3A_1091 : f32
        %broadcast_in_dim3A_1093 = vector.broadcast %select_n3A_1092 : f32 to vector<16xf32>
        %mul3A_1094 = arith.mulf %broadcast_in_dim3A_1093, %get3A_1047 : vector<16xf32>
        %add3A_1095 = arith.addf %add3A_1034, %mul3A_1094 : vector<16xf32>
        %mul3A_1096 = arith.mulf %broadcast_in_dim3A_1093, %get3A_1052 : vector<16xf32>
        %add3A_1097 = arith.addf %add3A_1036, %mul3A_1096 : vector<16xf32>
        %mul3A_1098 = arith.mulf %broadcast_in_dim3A_1093, %get3A_1057 : vector<16xf32>
        %add3A_1099 = arith.addf %add3A_1038, %mul3A_1098 : vector<16xf32>
        %mul3A_1100 = arith.mulf %broadcast_in_dim3A_1093, %get3A_1062 : vector<16xf32>
        %add3A_1101 = arith.addf %add3A_1040, %mul3A_1100 : vector<16xf32>
        %scan3A_1102 = arith.constant 4 : i32
        %scan3A_1103 = arith.addi %scan3A_861, %scan3A_1102 : i32
        %get3A_1104 = arith.constant 0 : i32
        %get3A_1105 = arith.index_cast %get3A_1104 : i32 to index
        %get3A_1106 = arith.index_cast %scan3A_1103 : i32 to index
        %get3A_1107 = arith.constant 0 : index
        %get3A_1108 = tpu.vector_load %arg7[%get3A_1105, %get3A_1106, %get3A_1107] {strides = array<i32>} : memref<2x200x64xf32, #tpu.memory_space<vmem>>, vector<16xf32>,
        %get3A_1109 = arith.constant 0 : i32
        %get3A_1110 = arith.index_cast %get3A_1109 : i32 to index
        %get3A_1111 = arith.index_cast %scan3A_1103 : i32 to index
        %get3A_1112 = arith.constant 16 : index
        %get3A_1113 = tpu.vector_load %arg7[%get3A_1110, %get3A_1111, %get3A_1112] {strides = array<i32>} : memref<2x200x64xf32, #tpu.memory_space<vmem>>, vector<16xf32>,
        %get3A_1114 = arith.constant 0 : i32
        %get3A_1115 = arith.index_cast %get3A_1114 : i32 to index
        %get3A_1116 = arith.index_cast %scan3A_1103 : i32 to index
        %get3A_1117 = arith.constant 32 : index
        %get3A_1118 = tpu.vector_load %arg7[%get3A_1115, %get3A_1116, %get3A_1117] {strides = array<i32>} : memref<2x200x64xf32, #tpu.memory_space<vmem>>, vector<16xf32>,
        %get3A_1119 = arith.constant 0 : i32
        %get3A_1120 = arith.index_cast %get3A_1119 : i32 to index
        %get3A_1121 = arith.index_cast %scan3A_1103 : i32 to index
        %get3A_1122 = arith.constant 48 : index
        %get3A_1123 = tpu.vector_load %arg7[%get3A_1120, %get3A_1121, %get3A_1122] {strides = array<i32>} : memref<2x200x64xf32, #tpu.memory_space<vmem>>, vector<16xf32>,
        %mul3A_1124 = arith.mulf %get3A_1108, %get3A_1108 : vector<16xf32>
        %mul3A_1125 = arith.mulf %get3A_1113, %get3A_1113 : vector<16xf32>
        %add3A_1126 = arith.addf %mul3A_1124, %mul3A_1125 : vector<16xf32>
        %mul3A_1127 = arith.mulf %get3A_1118, %get3A_1118 : vector<16xf32>
        %add3A_1128 = arith.addf %add3A_1126, %mul3A_1127 : vector<16xf32>
        %mul3A_1129 = arith.mulf %get3A_1123, %get3A_1123 : vector<16xf32>
        %add3A_1130 = arith.addf %add3A_1128, %mul3A_1129 : vector<16xf32>
        %reduce_sum3A_1131 = arith.constant true
        %reduce_sum3A_1132 = vector.broadcast %reduce_sum3A_1131 : i1 to vector<16xi1>
        %reduce_sum3A_1133 = tpu.scan <sum>, %add3A_1130 masked %reduce_sum3A_1132 : vector<16xf32>, vector<16xi1> -> vector<16xf32>
        %reduce_sum3A_1134 = vector.extract %reduce_sum3A_1133[15] : f32 from vector<16xf32>
        %bitcast_convert_type3A_1135 = arith.bitcast %reduce_sum3A_1134 : f32 to i32
        %shift_right_arithmetic3A_1136 = arith.constant 1 : i32
        %shift_right_arithmetic3A_1137 = arith.shrsi %bitcast_convert_type3A_1135, %shift_right_arithmetic3A_1136 : i32
        %sub3A_1138 = arith.constant 1597463007 : i32
        %sub3A_1139 = arith.subi %sub3A_1138, %shift_right_arithmetic3A_1137 : i32
        %bitcast_convert_type3A_1140 = arith.bitcast %sub3A_1139 : i32 to f32
        %mul3A_1141 = arith.constant 5.000000e-01 : f32
        %mul3A_1142 = arith.mulf %mul3A_1141, %reduce_sum3A_1134 : f32
        %mul3A_1143 = arith.mulf %mul3A_1142, %bitcast_convert_type3A_1140 : f32
        %mul3A_1144 = arith.mulf %mul3A_1143, %bitcast_convert_type3A_1140 : f32
        %sub3A_1145 = arith.constant 1.500000e+00 : f32
        %sub3A_1146 = arith.subf %sub3A_1145, %mul3A_1144 : f32
        %mul3A_1147 = arith.mulf %bitcast_convert_type3A_1140, %sub3A_1146 : f32
        %gt3A_1148 = arith.constant 2.500000e+01 : f32
        %gt3A_1149 = arith.cmpf ogt, %reduce_sum3A_1134, %gt3A_1148 : f32
        %mul3A_1150 = arith.constant 5.000000e+00 : f32
        %mul3A_1151 = arith.mulf %mul3A_1150, %mul3A_1147 : f32
        %jit3A_1152 = arith.constant 1.000000e+00 : f32
        %select_n3A_1153 = arith.select %gt3A_1149, %mul3A_1151, %jit3A_1152 : f32
        %broadcast_in_dim3A_1154 = vector.broadcast %select_n3A_1153 : f32 to vector<16xf32>
        %mul3A_1155 = arith.mulf %broadcast_in_dim3A_1154, %get3A_1108 : vector<16xf32>
        %add3A_1156 = arith.addf %add3A_1095, %mul3A_1155 : vector<16xf32>
        %mul3A_1157 = arith.mulf %broadcast_in_dim3A_1154, %get3A_1113 : vector<16xf32>
        %add3A_1158 = arith.addf %add3A_1097, %mul3A_1157 : vector<16xf32>
        %mul3A_1159 = arith.mulf %broadcast_in_dim3A_1154, %get3A_1118 : vector<16xf32>
        %add3A_1160 = arith.addf %add3A_1099, %mul3A_1159 : vector<16xf32>
        %mul3A_1161 = arith.mulf %broadcast_in_dim3A_1154, %get3A_1123 : vector<16xf32>
        %add3A_1162 = arith.addf %add3A_1101, %mul3A_1161 : vector<16xf32>
        %scan3A_1163 = arith.constant 5 : i32
        %scan3A_1164 = arith.addi %scan3A_861, %scan3A_1163 : i32
        %get3A_1165 = arith.constant 0 : i32
        %get3A_1166 = arith.index_cast %get3A_1165 : i32 to index
        %get3A_1167 = arith.index_cast %scan3A_1164 : i32 to index
        %get3A_1168 = arith.constant 0 : index
        %get3A_1169 = tpu.vector_load %arg7[%get3A_1166, %get3A_1167, %get3A_1168] {strides = array<i32>} : memref<2x200x64xf32, #tpu.memory_space<vmem>>, vector<16xf32>,
        %get3A_1170 = arith.constant 0 : i32
        %get3A_1171 = arith.index_cast %get3A_1170 : i32 to index
        %get3A_1172 = arith.index_cast %scan3A_1164 : i32 to index
        %get3A_1173 = arith.constant 16 : index
        %get3A_1174 = tpu.vector_load %arg7[%get3A_1171, %get3A_1172, %get3A_1173] {strides = array<i32>} : memref<2x200x64xf32, #tpu.memory_space<vmem>>, vector<16xf32>,
        %get3A_1175 = arith.constant 0 : i32
        %get3A_1176 = arith.index_cast %get3A_1175 : i32 to index
        %get3A_1177 = arith.index_cast %scan3A_1164 : i32 to index
        %get3A_1178 = arith.constant 32 : index
        %get3A_1179 = tpu.vector_load %arg7[%get3A_1176, %get3A_1177, %get3A_1178] {strides = array<i32>} : memref<2x200x64xf32, #tpu.memory_space<vmem>>, vector<16xf32>,
        %get3A_1180 = arith.constant 0 : i32
        %get3A_1181 = arith.index_cast %get3A_1180 : i32 to index
        %get3A_1182 = arith.index_cast %scan3A_1164 : i32 to index
        %get3A_1183 = arith.constant 48 : index
        %get3A_1184 = tpu.vector_load %arg7[%get3A_1181, %get3A_1182, %get3A_1183] {strides = array<i32>} : memref<2x200x64xf32, #tpu.memory_space<vmem>>, vector<16xf32>,
        %mul3A_1185 = arith.mulf %get3A_1169, %get3A_1169 : vector<16xf32>
        %mul3A_1186 = arith.mulf %get3A_1174, %get3A_1174 : vector<16xf32>
        %add3A_1187 = arith.addf %mul3A_1185, %mul3A_1186 : vector<16xf32>
        %mul3A_1188 = arith.mulf %get3A_1179, %get3A_1179 : vector<16xf32>
        %add3A_1189 = arith.addf %add3A_1187, %mul3A_1188 : vector<16xf32>
        %mul3A_1190 = arith.mulf %get3A_1184, %get3A_1184 : vector<16xf32>
        %add3A_1191 = arith.addf %add3A_1189, %mul3A_1190 : vector<16xf32>
        %reduce_sum3A_1192 = arith.constant true
        %reduce_sum3A_1193 = vector.broadcast %reduce_sum3A_1192 : i1 to vector<16xi1>
        %reduce_sum3A_1194 = tpu.scan <sum>, %add3A_1191 masked %reduce_sum3A_1193 : vector<16xf32>, vector<16xi1> -> vector<16xf32>
        %reduce_sum3A_1195 = vector.extract %reduce_sum3A_1194[15] : f32 from vector<16xf32>
        %bitcast_convert_type3A_1196 = arith.bitcast %reduce_sum3A_1195 : f32 to i32
        %shift_right_arithmetic3A_1197 = arith.constant 1 : i32
        %shift_right_arithmetic3A_1198 = arith.shrsi %bitcast_convert_type3A_1196, %shift_right_arithmetic3A_1197 : i32
        %sub3A_1199 = arith.constant 1597463007 : i32
        %sub3A_1200 = arith.subi %sub3A_1199, %shift_right_arithmetic3A_1198 : i32
        %bitcast_convert_type3A_1201 = arith.bitcast %sub3A_1200 : i32 to f32
        %mul3A_1202 = arith.constant 5.000000e-01 : f32
        %mul3A_1203 = arith.mulf %mul3A_1202, %reduce_sum3A_1195 : f32
        %mul3A_1204 = arith.mulf %mul3A_1203, %bitcast_convert_type3A_1201 : f32
        %mul3A_1205 = arith.mulf %mul3A_1204, %bitcast_convert_type3A_1201 : f32
        %sub3A_1206 = arith.constant 1.500000e+00 : f32
        %sub3A_1207 = arith.subf %sub3A_1206, %mul3A_1205 : f32
        %mul3A_1208 = arith.mulf %bitcast_convert_type3A_1201, %sub3A_1207 : f32
        %gt3A_1209 = arith.constant 2.500000e+01 : f32
        %gt3A_1210 = arith.cmpf ogt, %reduce_sum3A_1195, %gt3A_1209 : f32
        %mul3A_1211 = arith.constant 5.000000e+00 : f32
        %mul3A_1212 = arith.mulf %mul3A_1211, %mul3A_1208 : f32
        %jit3A_1213 = arith.constant 1.000000e+00 : f32
        %select_n3A_1214 = arith.select %gt3A_1210, %mul3A_1212, %jit3A_1213 : f32
        %broadcast_in_dim3A_1215 = vector.broadcast %select_n3A_1214 : f32 to vector<16xf32>
        %mul3A_1216 = arith.mulf %broadcast_in_dim3A_1215, %get3A_1169 : vector<16xf32>
        %add3A_1217 = arith.addf %add3A_1156, %mul3A_1216 : vector<16xf32>
        %mul3A_1218 = arith.mulf %broadcast_in_dim3A_1215, %get3A_1174 : vector<16xf32>
        %add3A_1219 = arith.addf %add3A_1158, %mul3A_1218 : vector<16xf32>
        %mul3A_1220 = arith.mulf %broadcast_in_dim3A_1215, %get3A_1179 : vector<16xf32>
        %add3A_1221 = arith.addf %add3A_1160, %mul3A_1220 : vector<16xf32>
        %mul3A_1222 = arith.mulf %broadcast_in_dim3A_1215, %get3A_1184 : vector<16xf32>
        %add3A_1223 = arith.addf %add3A_1162, %mul3A_1222 : vector<16xf32>
        %scan3A_1224 = arith.constant 6 : i32
        %scan3A_1225 = arith.addi %scan3A_861, %scan3A_1224 : i32
        %get3A_1226 = arith.constant 0 : i32
        %get3A_1227 = arith.index_cast %get3A_1226 : i32 to index
        %get3A_1228 = arith.index_cast %scan3A_1225 : i32 to index
        %get3A_1229 = arith.constant 0 : index
        %get3A_1230 = tpu.vector_load %arg7[%get3A_1227, %get3A_1228, %get3A_1229] {strides = array<i32>} : memref<2x200x64xf32, #tpu.memory_space<vmem>>, vector<16xf32>,
        %get3A_1231 = arith.constant 0 : i32
        %get3A_1232 = arith.index_cast %get3A_1231 : i32 to index
        %get3A_1233 = arith.index_cast %scan3A_1225 : i32 to index
        %get3A_1234 = arith.constant 16 : index
        %get3A_1235 = tpu.vector_load %arg7[%get3A_1232, %get3A_1233, %get3A_1234] {strides = array<i32>} : memref<2x200x64xf32, #tpu.memory_space<vmem>>, vector<16xf32>,
        %get3A_1236 = arith.constant 0 : i32
        %get3A_1237 = arith.index_cast %get3A_1236 : i32 to index
        %get3A_1238 = arith.index_cast %scan3A_1225 : i32 to index
        %get3A_1239 = arith.constant 32 : index
        %get3A_1240 = tpu.vector_load %arg7[%get3A_1237, %get3A_1238, %get3A_1239] {strides = array<i32>} : memref<2x200x64xf32, #tpu.memory_space<vmem>>, vector<16xf32>,
        %get3A_1241 = arith.constant 0 : i32
        %get3A_1242 = arith.index_cast %get3A_1241 : i32 to index
        %get3A_1243 = arith.index_cast %scan3A_1225 : i32 to index
        %get3A_1244 = arith.constant 48 : index
        %get3A_1245 = tpu.vector_load %arg7[%get3A_1242, %get3A_1243, %get3A_1244] {strides = array<i32>} : memref<2x200x64xf32, #tpu.memory_space<vmem>>, vector<16xf32>,
        %mul3A_1246 = arith.mulf %get3A_1230, %get3A_1230 : vector<16xf32>
        %mul3A_1247 = arith.mulf %get3A_1235, %get3A_1235 : vector<16xf32>
        %add3A_1248 = arith.addf %mul3A_1246, %mul3A_1247 : vector<16xf32>
        %mul3A_1249 = arith.mulf %get3A_1240, %get3A_1240 : vector<16xf32>
        %add3A_1250 = arith.addf %add3A_1248, %mul3A_1249 : vector<16xf32>
        %mul3A_1251 = arith.mulf %get3A_1245, %get3A_1245 : vector<16xf32>
        %add3A_1252 = arith.addf %add3A_1250, %mul3A_1251 : vector<16xf32>
        %reduce_sum3A_1253 = arith.constant true
        %reduce_sum3A_1254 = vector.broadcast %reduce_sum3A_1253 : i1 to vector<16xi1>
        %reduce_sum3A_1255 = tpu.scan <sum>, %add3A_1252 masked %reduce_sum3A_1254 : vector<16xf32>, vector<16xi1> -> vector<16xf32>
        %reduce_sum3A_1256 = vector.extract %reduce_sum3A_1255[15] : f32 from vector<16xf32>
        %bitcast_convert_type3A_1257 = arith.bitcast %reduce_sum3A_1256 : f32 to i32
        %shift_right_arithmetic3A_1258 = arith.constant 1 : i32
        %shift_right_arithmetic3A_1259 = arith.shrsi %bitcast_convert_type3A_1257, %shift_right_arithmetic3A_1258 : i32
        %sub3A_1260 = arith.constant 1597463007 : i32
        %sub3A_1261 = arith.subi %sub3A_1260, %shift_right_arithmetic3A_1259 : i32
        %bitcast_convert_type3A_1262 = arith.bitcast %sub3A_1261 : i32 to f32
        %mul3A_1263 = arith.constant 5.000000e-01 : f32
        %mul3A_1264 = arith.mulf %mul3A_1263, %reduce_sum3A_1256 : f32
        %mul3A_1265 = arith.mulf %mul3A_1264, %bitcast_convert_type3A_1262 : f32
        %mul3A_1266 = arith.mulf %mul3A_1265, %bitcast_convert_type3A_1262 : f32
        %sub3A_1267 = arith.constant 1.500000e+00 : f32
        %sub3A_1268 = arith.subf %sub3A_1267, %mul3A_1266 : f32
        %mul3A_1269 = arith.mulf %bitcast_convert_type3A_1262, %sub3A_1268 : f32
        %gt3A_1270 = arith.constant 2.500000e+01 : f32
        %gt3A_1271 = arith.cmpf ogt, %reduce_sum3A_1256, %gt3A_1270 : f32
        %mul3A_1272 = arith.constant 5.000000e+00 : f32
        %mul3A_1273 = arith.mulf %mul3A_1272, %mul3A_1269 : f32
        %jit3A_1274 = arith.constant 1.000000e+00 : f32
        %select_n3A_1275 = arith.select %gt3A_1271, %mul3A_1273, %jit3A_1274 : f32
        %broadcast_in_dim3A_1276 = vector.broadcast %select_n3A_1275 : f32 to vector<16xf32>
        %mul3A_1277 = arith.mulf %broadcast_in_dim3A_1276, %get3A_1230 : vector<16xf32>
        %add3A_1278 = arith.addf %add3A_1217, %mul3A_1277 : vector<16xf32>
        %mul3A_1279 = arith.mulf %broadcast_in_dim3A_1276, %get3A_1235 : vector<16xf32>
        %add3A_1280 = arith.addf %add3A_1219, %mul3A_1279 : vector<16xf32>
        %mul3A_1281 = arith.mulf %broadcast_in_dim3A_1276, %get3A_1240 : vector<16xf32>
        %add3A_1282 = arith.addf %add3A_1221, %mul3A_1281 : vector<16xf32>
        %mul3A_1283 = arith.mulf %broadcast_in_dim3A_1276, %get3A_1245 : vector<16xf32>
        %add3A_1284 = arith.addf %add3A_1223, %mul3A_1283 : vector<16xf32>
        %scan3A_1285 = arith.constant 7 : i32
        %scan3A_1286 = arith.addi %scan3A_861, %scan3A_1285 : i32
        %get3A_1287 = arith.constant 0 : i32
        %get3A_1288 = arith.index_cast %get3A_1287 : i32 to index
        %get3A_1289 = arith.index_cast %scan3A_1286 : i32 to index
        %get3A_1290 = arith.constant 0 : index
        %get3A_1291 = tpu.vector_load %arg7[%get3A_1288, %get3A_1289, %get3A_1290] {strides = array<i32>} : memref<2x200x64xf32, #tpu.memory_space<vmem>>, vector<16xf32>,
        %get3A_1292 = arith.constant 0 : i32
        %get3A_1293 = arith.index_cast %get3A_1292 : i32 to index
        %get3A_1294 = arith.index_cast %scan3A_1286 : i32 to index
        %get3A_1295 = arith.constant 16 : index
        %get3A_1296 = tpu.vector_load %arg7[%get3A_1293, %get3A_1294, %get3A_1295] {strides = array<i32>} : memref<2x200x64xf32, #tpu.memory_space<vmem>>, vector<16xf32>,
        %get3A_1297 = arith.constant 0 : i32
        %get3A_1298 = arith.index_cast %get3A_1297 : i32 to index
        %get3A_1299 = arith.index_cast %scan3A_1286 : i32 to index
        %get3A_1300 = arith.constant 32 : index
        %get3A_1301 = tpu.vector_load %arg7[%get3A_1298, %get3A_1299, %get3A_1300] {strides = array<i32>} : memref<2x200x64xf32, #tpu.memory_space<vmem>>, vector<16xf32>,
        %get3A_1302 = arith.constant 0 : i32
        %get3A_1303 = arith.index_cast %get3A_1302 : i32 to index
        %get3A_1304 = arith.index_cast %scan3A_1286 : i32 to index
        %get3A_1305 = arith.constant 48 : index
        %get3A_1306 = tpu.vector_load %arg7[%get3A_1303, %get3A_1304, %get3A_1305] {strides = array<i32>} : memref<2x200x64xf32, #tpu.memory_space<vmem>>, vector<16xf32>,
        %mul3A_1307 = arith.mulf %get3A_1291, %get3A_1291 : vector<16xf32>
        %mul3A_1308 = arith.mulf %get3A_1296, %get3A_1296 : vector<16xf32>
        %add3A_1309 = arith.addf %mul3A_1307, %mul3A_1308 : vector<16xf32>
        %mul3A_1310 = arith.mulf %get3A_1301, %get3A_1301 : vector<16xf32>
        %add3A_1311 = arith.addf %add3A_1309, %mul3A_1310 : vector<16xf32>
        %mul3A_1312 = arith.mulf %get3A_1306, %get3A_1306 : vector<16xf32>
        %add3A_1313 = arith.addf %add3A_1311, %mul3A_1312 : vector<16xf32>
        %reduce_sum3A_1314 = arith.constant true
        %reduce_sum3A_1315 = vector.broadcast %reduce_sum3A_1314 : i1 to vector<16xi1>
        %reduce_sum3A_1316 = tpu.scan <sum>, %add3A_1313 masked %reduce_sum3A_1315 : vector<16xf32>, vector<16xi1> -> vector<16xf32>
        %reduce_sum3A_1317 = vector.extract %reduce_sum3A_1316[15] : f32 from vector<16xf32>
        %bitcast_convert_type3A_1318 = arith.bitcast %reduce_sum3A_1317 : f32 to i32
        %shift_right_arithmetic3A_1319 = arith.constant 1 : i32
        %shift_right_arithmetic3A_1320 = arith.shrsi %bitcast_convert_type3A_1318, %shift_right_arithmetic3A_1319 : i32
        %sub3A_1321 = arith.constant 1597463007 : i32
        %sub3A_1322 = arith.subi %sub3A_1321, %shift_right_arithmetic3A_1320 : i32
        %bitcast_convert_type3A_1323 = arith.bitcast %sub3A_1322 : i32 to f32
        %mul3A_1324 = arith.constant 5.000000e-01 : f32
        %mul3A_1325 = arith.mulf %mul3A_1324, %reduce_sum3A_1317 : f32
        %mul3A_1326 = arith.mulf %mul3A_1325, %bitcast_convert_type3A_1323 : f32
        %mul3A_1327 = arith.mulf %mul3A_1326, %bitcast_convert_type3A_1323 : f32
        %sub3A_1328 = arith.constant 1.500000e+00 : f32
        %sub3A_1329 = arith.subf %sub3A_1328, %mul3A_1327 : f32
        %mul3A_1330 = arith.mulf %bitcast_convert_type3A_1323, %sub3A_1329 : f32
        %gt3A_1331 = arith.constant 2.500000e+01 : f32
        %gt3A_1332 = arith.cmpf ogt, %reduce_sum3A_1317, %gt3A_1331 : f32
        %mul3A_1333 = arith.constant 5.000000e+00 : f32
        %mul3A_1334 = arith.mulf %mul3A_1333, %mul3A_1330 : f32
        %jit3A_1335 = arith.constant 1.000000e+00 : f32
        %select_n3A_1336 = arith.select %gt3A_1332, %mul3A_1334, %jit3A_1335 : f32
        %broadcast_in_dim3A_1337 = vector.broadcast %select_n3A_1336 : f32 to vector<16xf32>
        %mul3A_1338 = arith.mulf %broadcast_in_dim3A_1337, %get3A_1291 : vector<16xf32>
        %add3A_1339 = arith.addf %add3A_1278, %mul3A_1338 : vector<16xf32>
        %mul3A_1340 = arith.mulf %broadcast_in_dim3A_1337, %get3A_1296 : vector<16xf32>
        %add3A_1341 = arith.addf %add3A_1280, %mul3A_1340 : vector<16xf32>
        %mul3A_1342 = arith.mulf %broadcast_in_dim3A_1337, %get3A_1301 : vector<16xf32>
        %add3A_1343 = arith.addf %add3A_1282, %mul3A_1342 : vector<16xf32>
        %mul3A_1344 = arith.mulf %broadcast_in_dim3A_1337, %get3A_1306 : vector<16xf32>
        %add3A_1345 = arith.addf %add3A_1284, %mul3A_1344 : vector<16xf32>
        scf.yield %add3A_1339, %add3A_1341, %add3A_1343, %add3A_1345 : vector<16xf32>, vector<16xf32>, vector<16xf32>, vector<16xf32>
      }
      %scan3A_798 = arith.constant 200 : i32
      %swap3A_799 = arith.index_cast %mul3A_391 : i32 to index
      %swap3A_800 = arith.constant 0 : index
      %swap3A_801 = tpu.vector_load %arg8[%swap3A_799, %swap3A_800] {strides = array<i32>} : memref<128x64xf32, #tpu.memory_space<vmem>>, vector<16xf32>,
      tpu.vector_store %arg8[%swap3A_799, %swap3A_800], %scan3A_797#0 {strides = array<i32>} : memref<128x64xf32, #tpu.memory_space<vmem>>, vector<16xf32>,
      %swap3A_802 = arith.index_cast %mul3A_391 : i32 to index
      %swap3A_803 = arith.constant 16 : index
      %swap3A_804 = tpu.vector_load %arg8[%swap3A_802, %swap3A_803] {strides = array<i32>} : memref<128x64xf32, #tpu.memory_space<vmem>>, vector<16xf32>,
      tpu.vector_store %arg8[%swap3A_802, %swap3A_803], %scan3A_797#1 {strides = array<i32>} : memref<128x64xf32, #tpu.memory_space<vmem>>, vector<16xf32>,
      %swap3A_805 = arith.index_cast %mul3A_391 : i32 to index
      %swap3A_806 = arith.constant 32 : index
      %swap3A_807 = tpu.vector_load %arg8[%swap3A_805, %swap3A_806] {strides = array<i32>} : memref<128x64xf32, #tpu.memory_space<vmem>>, vector<16xf32>,
      tpu.vector_store %arg8[%swap3A_805, %swap3A_806], %scan3A_797#2 {strides = array<i32>} : memref<128x64xf32, #tpu.memory_space<vmem>>, vector<16xf32>,
      %swap3A_808 = arith.index_cast %mul3A_391 : i32 to index
      %swap3A_809 = arith.constant 48 : index
      %swap3A_810 = tpu.vector_load %arg8[%swap3A_808, %swap3A_809] {strides = array<i32>} : memref<128x64xf32, #tpu.memory_space<vmem>>, vector<16xf32>,
      tpu.vector_store %arg8[%swap3A_808, %swap3A_809], %scan3A_797#3 {strides = array<i32>} : memref<128x64xf32, #tpu.memory_space<vmem>>, vector<16xf32>,
      %add3A_811 = arith.constant 2 : i32
      %add3A_812 = arith.addi %mul3A_391, %add3A_811 : i32
      %lt3A = arith.constant 128 : i32
      %lt3A_813 = arith.cmpi slt, %add3A_812, %lt3A : i32
      %convert_element_type3A = arith.extui %lt3A_813 : i1 to i32
      %cond3A = arith.constant 0 : i32
      %cond3A_814 = arith.cmpi ne, %convert_element_type3A, %cond3A : i32
      scf.if %cond3A_814 {
        %add3A_861 = arith.constant 2 : i32
        %add3A_862 = arith.addi %mul3A_391, %add3A_861 : i32
        %get3A_863 = arith.index_cast %add3A_862 : i32 to index
        %get3A_864 = arith.constant 0 : index
        %get3A_865 = tpu.vector_load %arg5[%get3A_863, %get3A_864] {strides = array<i32>} : memref<128x200xi32, #tpu.memory_space<vmem>>, vector<16xi32>,
        %shift_right_arithmetic3A_866 = arith.constant 14 : i32
        %shift_right_arithmetic3A_867 = vector.broadcast %shift_right_arithmetic3A_866 : i32 to vector<16xi32>
        %shift_right_arithmetic3A_868 = arith.shrsi %get3A_865, %shift_right_arithmetic3A_867 : vector<16xi32>
        %shift_left3A_869 = arith.constant 14 : i32
        %shift_left3A_870 = vector.broadcast %shift_left3A_869 : i32 to vector<16xi32>
        %shift_left3A_871 = arith.shli %shift_right_arithmetic3A_868, %shift_left3A_870 : vector<16xi32>
        %and3A_872 = arith.constant 8191 : i32
        %and3A_873 = vector.broadcast %and3A_872 : i32 to vector<16xi32>
        %and3A_874 = arith.andi %get3A_865, %and3A_873 : vector<16xi32>
        %shift_left3A_875 = arith.constant 1 : i32
        %shift_left3A_876 = vector.broadcast %shift_left3A_875 : i32 to vector<16xi32>
        %shift_left3A_877 = arith.shli %and3A_874, %shift_left3A_876 : vector<16xi32>
        %or3A_878 = arith.ori %shift_left3A_871, %shift_left3A_877 : vector<16xi32>
        %shift_right_arithmetic3A_879 = arith.constant 13 : i32
        %shift_right_arithmetic3A_880 = vector.broadcast %shift_right_arithmetic3A_879 : i32 to vector<16xi32>
        %shift_right_arithmetic3A_881 = arith.shrsi %get3A_865, %shift_right_arithmetic3A_880 : vector<16xi32>
        %and3A_882 = arith.constant 1 : i32
        %and3A_883 = vector.broadcast %and3A_882 : i32 to vector<16xi32>
        %and3A_884 = arith.andi %shift_right_arithmetic3A_881, %and3A_883 : vector<16xi32>
        %or3A_885 = arith.ori %or3A_878, %and3A_884 : vector<16xi32>
        %swap3A_886 = arith.constant 0 : i32
        %swap3A_887 = arith.index_cast %swap3A_886 : i32 to index
        %swap3A_888 = arith.constant 0 : index
        %swap3A_889 = tpu.vector_load %arg6[%swap3A_887, %swap3A_888] {strides = array<i32>} : memref<2x200xi32, #tpu.memory_space<vmem>>, vector<16xi32>,
        tpu.vector_store %arg6[%swap3A_887, %swap3A_888], %or3A_885 {strides = array<i32>} : memref<2x200xi32, #tpu.memory_space<vmem>>, vector<16xi32>,
        %get3A_890 = arith.index_cast %add3A_862 : i32 to index
        %get3A_891 = arith.constant 16 : index
        %get3A_892 = tpu.vector_load %arg5[%get3A_890, %get3A_891] {strides = array<i32>} : memref<128x200xi32, #tpu.memory_space<vmem>>, vector<16xi32>,
        %shift_right_arithmetic3A_893 = arith.constant 14 : i32
        %shift_right_arithmetic3A_894 = vector.broadcast %shift_right_arithmetic3A_893 : i32 to vector<16xi32>
        %shift_right_arithmetic3A_895 = arith.shrsi %get3A_892, %shift_right_arithmetic3A_894 : vector<16xi32>
        %shift_left3A_896 = arith.constant 14 : i32
        %shift_left3A_897 = vector.broadcast %shift_left3A_896 : i32 to vector<16xi32>
        %shift_left3A_898 = arith.shli %shift_right_arithmetic3A_895, %shift_left3A_897 : vector<16xi32>
        %and3A_899 = arith.constant 8191 : i32
        %and3A_900 = vector.broadcast %and3A_899 : i32 to vector<16xi32>
        %and3A_901 = arith.andi %get3A_892, %and3A_900 : vector<16xi32>
        %shift_left3A_902 = arith.constant 1 : i32
        %shift_left3A_903 = vector.broadcast %shift_left3A_902 : i32 to vector<16xi32>
        %shift_left3A_904 = arith.shli %and3A_901, %shift_left3A_903 : vector<16xi32>
        %or3A_905 = arith.ori %shift_left3A_898, %shift_left3A_904 : vector<16xi32>
        %shift_right_arithmetic3A_906 = arith.constant 13 : i32
        %shift_right_arithmetic3A_907 = vector.broadcast %shift_right_arithmetic3A_906 : i32 to vector<16xi32>
        %shift_right_arithmetic3A_908 = arith.shrsi %get3A_892, %shift_right_arithmetic3A_907 : vector<16xi32>
        %and3A_909 = arith.constant 1 : i32
        %and3A_910 = vector.broadcast %and3A_909 : i32 to vector<16xi32>
        %and3A_911 = arith.andi %shift_right_arithmetic3A_908, %and3A_910 : vector<16xi32>
        %or3A_912 = arith.ori %or3A_905, %and3A_911 : vector<16xi32>
        %swap3A_913 = arith.constant 0 : i32
        %swap3A_914 = arith.index_cast %swap3A_913 : i32 to index
        %swap3A_915 = arith.constant 16 : index
        %swap3A_916 = tpu.vector_load %arg6[%swap3A_914, %swap3A_915] {strides = array<i32>} : memref<2x200xi32, #tpu.memory_space<vmem>>, vector<16xi32>,
        tpu.vector_store %arg6[%swap3A_914, %swap3A_915], %or3A_912 {strides = array<i32>} : memref<2x200xi32, #tpu.memory_space<vmem>>, vector<16xi32>,
        %get3A_917 = arith.index_cast %add3A_862 : i32 to index
        %get3A_918 = arith.constant 32 : index
        %get3A_919 = tpu.vector_load %arg5[%get3A_917, %get3A_918] {strides = array<i32>} : memref<128x200xi32, #tpu.memory_space<vmem>>, vector<16xi32>,
        %shift_right_arithmetic3A_920 = arith.constant 14 : i32
        %shift_right_arithmetic3A_921 = vector.broadcast %shift_right_arithmetic3A_920 : i32 to vector<16xi32>
        %shift_right_arithmetic3A_922 = arith.shrsi %get3A_919, %shift_right_arithmetic3A_921 : vector<16xi32>
        %shift_left3A_923 = arith.constant 14 : i32
        %shift_left3A_924 = vector.broadcast %shift_left3A_923 : i32 to vector<16xi32>
        %shift_left3A_925 = arith.shli %shift_right_arithmetic3A_922, %shift_left3A_924 : vector<16xi32>
        %and3A_926 = arith.constant 8191 : i32
        %and3A_927 = vector.broadcast %and3A_926 : i32 to vector<16xi32>
        %and3A_928 = arith.andi %get3A_919, %and3A_927 : vector<16xi32>
        %shift_left3A_929 = arith.constant 1 : i32
        %shift_left3A_930 = vector.broadcast %shift_left3A_929 : i32 to vector<16xi32>
        %shift_left3A_931 = arith.shli %and3A_928, %shift_left3A_930 : vector<16xi32>
        %or3A_932 = arith.ori %shift_left3A_925, %shift_left3A_931 : vector<16xi32>
        %shift_right_arithmetic3A_933 = arith.constant 13 : i32
        %shift_right_arithmetic3A_934 = vector.broadcast %shift_right_arithmetic3A_933 : i32 to vector<16xi32>
        %shift_right_arithmetic3A_935 = arith.shrsi %get3A_919, %shift_right_arithmetic3A_934 : vector<16xi32>
        %and3A_936 = arith.constant 1 : i32
        %and3A_937 = vector.broadcast %and3A_936 : i32 to vector<16xi32>
        %and3A_938 = arith.andi %shift_right_arithmetic3A_935, %and3A_937 : vector<16xi32>
        %or3A_939 = arith.ori %or3A_932, %and3A_938 : vector<16xi32>
        %swap3A_940 = arith.constant 0 : i32
        %swap3A_941 = arith.index_cast %swap3A_940 : i32 to index
        %swap3A_942 = arith.constant 32 : index
        %swap3A_943 = tpu.vector_load %arg6[%swap3A_941, %swap3A_942] {strides = array<i32>} : memref<2x200xi32, #tpu.memory_space<vmem>>, vector<16xi32>,
        tpu.vector_store %arg6[%swap3A_941, %swap3A_942], %or3A_939 {strides = array<i32>} : memref<2x200xi32, #tpu.memory_space<vmem>>, vector<16xi32>,
        %get3A_944 = arith.index_cast %add3A_862 : i32 to index
        %get3A_945 = arith.constant 48 : index
        %get3A_946 = tpu.vector_load %arg5[%get3A_944, %get3A_945] {strides = array<i32>} : memref<128x200xi32, #tpu.memory_space<vmem>>, vector<16xi32>,
        %shift_right_arithmetic3A_947 = arith.constant 14 : i32
        %shift_right_arithmetic3A_948 = vector.broadcast %shift_right_arithmetic3A_947 : i32 to vector<16xi32>
        %shift_right_arithmetic3A_949 = arith.shrsi %get3A_946, %shift_right_arithmetic3A_948 : vector<16xi32>
        %shift_left3A_950 = arith.constant 14 : i32
        %shift_left3A_951 = vector.broadcast %shift_left3A_950 : i32 to vector<16xi32>
        %shift_left3A_952 = arith.shli %shift_right_arithmetic3A_949, %shift_left3A_951 : vector<16xi32>
        %and3A_953 = arith.constant 8191 : i32
        %and3A_954 = vector.broadcast %and3A_953 : i32 to vector<16xi32>
        %and3A_955 = arith.andi %get3A_946, %and3A_954 : vector<16xi32>
        %shift_left3A_956 = arith.constant 1 : i32
        %shift_left3A_957 = vector.broadcast %shift_left3A_956 : i32 to vector<16xi32>
        %shift_left3A_958 = arith.shli %and3A_955, %shift_left3A_957 : vector<16xi32>
        %or3A_959 = arith.ori %shift_left3A_952, %shift_left3A_958 : vector<16xi32>
        %shift_right_arithmetic3A_960 = arith.constant 13 : i32
        %shift_right_arithmetic3A_961 = vector.broadcast %shift_right_arithmetic3A_960 : i32 to vector<16xi32>
        %shift_right_arithmetic3A_962 = arith.shrsi %get3A_946, %shift_right_arithmetic3A_961 : vector<16xi32>
        %and3A_963 = arith.constant 1 : i32
        %and3A_964 = vector.broadcast %and3A_963 : i32 to vector<16xi32>
        %and3A_965 = arith.andi %shift_right_arithmetic3A_962, %and3A_964 : vector<16xi32>
        %or3A_966 = arith.ori %or3A_959, %and3A_965 : vector<16xi32>
        %swap3A_967 = arith.constant 0 : i32
        %swap3A_968 = arith.index_cast %swap3A_967 : i32 to index
        %swap3A_969 = arith.constant 48 : index
        %swap3A_970 = tpu.vector_load %arg6[%swap3A_968, %swap3A_969] {strides = array<i32>} : memref<2x200xi32, #tpu.memory_space<vmem>>, vector<16xi32>,
        tpu.vector_store %arg6[%swap3A_968, %swap3A_969], %or3A_966 {strides = array<i32>} : memref<2x200xi32, #tpu.memory_space<vmem>>, vector<16xi32>,
        %get3A_971 = arith.index_cast %add3A_862 : i32 to index
        %get3A_972 = arith.constant 64 : index
        %get3A_973 = tpu.vector_load %arg5[%get3A_971, %get3A_972] {strides = array<i32>} : memref<128x200xi32, #tpu.memory_space<vmem>>, vector<16xi32>,
        %shift_right_arithmetic3A_974 = arith.constant 14 : i32
        %shift_right_arithmetic3A_975 = vector.broadcast %shift_right_arithmetic3A_974 : i32 to vector<16xi32>
        %shift_right_arithmetic3A_976 = arith.shrsi %get3A_973, %shift_right_arithmetic3A_975 : vector<16xi32>
        %shift_left3A_977 = arith.constant 14 : i32
        %shift_left3A_978 = vector.broadcast %shift_left3A_977 : i32 to vector<16xi32>
        %shift_left3A_979 = arith.shli %shift_right_arithmetic3A_976, %shift_left3A_978 : vector<16xi32>
        %and3A_980 = arith.constant 8191 : i32
        %and3A_981 = vector.broadcast %and3A_980 : i32 to vector<16xi32>
        %and3A_982 = arith.andi %get3A_973, %and3A_981 : vector<16xi32>
        %shift_left3A_983 = arith.constant 1 : i32
        %shift_left3A_984 = vector.broadcast %shift_left3A_983 : i32 to vector<16xi32>
        %shift_left3A_985 = arith.shli %and3A_982, %shift_left3A_984 : vector<16xi32>
        %or3A_986 = arith.ori %shift_left3A_979, %shift_left3A_985 : vector<16xi32>
        %shift_right_arithmetic3A_987 = arith.constant 13 : i32
        %shift_right_arithmetic3A_988 = vector.broadcast %shift_right_arithmetic3A_987 : i32 to vector<16xi32>
        %shift_right_arithmetic3A_989 = arith.shrsi %get3A_973, %shift_right_arithmetic3A_988 : vector<16xi32>
        %and3A_990 = arith.constant 1 : i32
        %and3A_991 = vector.broadcast %and3A_990 : i32 to vector<16xi32>
        %and3A_992 = arith.andi %shift_right_arithmetic3A_989, %and3A_991 : vector<16xi32>
        %or3A_993 = arith.ori %or3A_986, %and3A_992 : vector<16xi32>
        %swap3A_994 = arith.constant 0 : i32
        %swap3A_995 = arith.index_cast %swap3A_994 : i32 to index
        %swap3A_996 = arith.constant 64 : index
        %swap3A_997 = tpu.vector_load %arg6[%swap3A_995, %swap3A_996] {strides = array<i32>} : memref<2x200xi32, #tpu.memory_space<vmem>>, vector<16xi32>,
        tpu.vector_store %arg6[%swap3A_995, %swap3A_996], %or3A_993 {strides = array<i32>} : memref<2x200xi32, #tpu.memory_space<vmem>>, vector<16xi32>,
        %get3A_998 = arith.index_cast %add3A_862 : i32 to index
        %get3A_999 = arith.constant 80 : index
        %get3A_1000 = tpu.vector_load %arg5[%get3A_998, %get3A_999] {strides = array<i32>} : memref<128x200xi32, #tpu.memory_space<vmem>>, vector<16xi32>,
        %shift_right_arithmetic3A_1001 = arith.constant 14 : i32
        %shift_right_arithmetic3A_1002 = vector.broadcast %shift_right_arithmetic3A_1001 : i32 to vector<16xi32>
        %shift_right_arithmetic3A_1003 = arith.shrsi %get3A_1000, %shift_right_arithmetic3A_1002 : vector<16xi32>
        %shift_left3A_1004 = arith.constant 14 : i32
        %shift_left3A_1005 = vector.broadcast %shift_left3A_1004 : i32 to vector<16xi32>
        %shift_left3A_1006 = arith.shli %shift_right_arithmetic3A_1003, %shift_left3A_1005 : vector<16xi32>
        %and3A_1007 = arith.constant 8191 : i32
        %and3A_1008 = vector.broadcast %and3A_1007 : i32 to vector<16xi32>
        %and3A_1009 = arith.andi %get3A_1000, %and3A_1008 : vector<16xi32>
        %shift_left3A_1010 = arith.constant 1 : i32
        %shift_left3A_1011 = vector.broadcast %shift_left3A_1010 : i32 to vector<16xi32>
        %shift_left3A_1012 = arith.shli %and3A_1009, %shift_left3A_1011 : vector<16xi32>
        %or3A_1013 = arith.ori %shift_left3A_1006, %shift_left3A_1012 : vector<16xi32>
        %shift_right_arithmetic3A_1014 = arith.constant 13 : i32
        %shift_right_arithmetic3A_1015 = vector.broadcast %shift_right_arithmetic3A_1014 : i32 to vector<16xi32>
        %shift_right_arithmetic3A_1016 = arith.shrsi %get3A_1000, %shift_right_arithmetic3A_1015 : vector<16xi32>
        %and3A_1017 = arith.constant 1 : i32
        %and3A_1018 = vector.broadcast %and3A_1017 : i32 to vector<16xi32>
        %and3A_1019 = arith.andi %shift_right_arithmetic3A_1016, %and3A_1018 : vector<16xi32>
        %or3A_1020 = arith.ori %or3A_1013, %and3A_1019 : vector<16xi32>
        %swap3A_1021 = arith.constant 0 : i32
        %swap3A_1022 = arith.index_cast %swap3A_1021 : i32 to index
        %swap3A_1023 = arith.constant 80 : index
        %swap3A_1024 = tpu.vector_load %arg6[%swap3A_1022, %swap3A_1023] {strides = array<i32>} : memref<2x200xi32, #tpu.memory_space<vmem>>, vector<16xi32>,
        tpu.vector_store %arg6[%swap3A_1022, %swap3A_1023], %or3A_1020 {strides = array<i32>} : memref<2x200xi32, #tpu.memory_space<vmem>>, vector<16xi32>,
        %get3A_1025 = arith.index_cast %add3A_862 : i32 to index
        %get3A_1026 = arith.constant 96 : index
        %get3A_1027 = tpu.vector_load %arg5[%get3A_1025, %get3A_1026] {strides = array<i32>} : memref<128x200xi32, #tpu.memory_space<vmem>>, vector<16xi32>,
        %shift_right_arithmetic3A_1028 = arith.constant 14 : i32
        %shift_right_arithmetic3A_1029 = vector.broadcast %shift_right_arithmetic3A_1028 : i32 to vector<16xi32>
        %shift_right_arithmetic3A_1030 = arith.shrsi %get3A_1027, %shift_right_arithmetic3A_1029 : vector<16xi32>
        %shift_left3A_1031 = arith.constant 14 : i32
        %shift_left3A_1032 = vector.broadcast %shift_left3A_1031 : i32 to vector<16xi32>
        %shift_left3A_1033 = arith.shli %shift_right_arithmetic3A_1030, %shift_left3A_1032 : vector<16xi32>
        %and3A_1034 = arith.constant 8191 : i32
        %and3A_1035 = vector.broadcast %and3A_1034 : i32 to vector<16xi32>
        %and3A_1036 = arith.andi %get3A_1027, %and3A_1035 : vector<16xi32>
        %shift_left3A_1037 = arith.constant 1 : i32
        %shift_left3A_1038 = vector.broadcast %shift_left3A_1037 : i32 to vector<16xi32>
        %shift_left3A_1039 = arith.shli %and3A_1036, %shift_left3A_1038 : vector<16xi32>
        %or3A_1040 = arith.ori %shift_left3A_1033, %shift_left3A_1039 : vector<16xi32>
        %shift_right_arithmetic3A_1041 = arith.constant 13 : i32
        %shift_right_arithmetic3A_1042 = vector.broadcast %shift_right_arithmetic3A_1041 : i32 to vector<16xi32>
        %shift_right_arithmetic3A_1043 = arith.shrsi %get3A_1027, %shift_right_arithmetic3A_1042 : vector<16xi32>
        %and3A_1044 = arith.constant 1 : i32
        %and3A_1045 = vector.broadcast %and3A_1044 : i32 to vector<16xi32>
        %and3A_1046 = arith.andi %shift_right_arithmetic3A_1043, %and3A_1045 : vector<16xi32>
        %or3A_1047 = arith.ori %or3A_1040, %and3A_1046 : vector<16xi32>
        %swap3A_1048 = arith.constant 0 : i32
        %swap3A_1049 = arith.index_cast %swap3A_1048 : i32 to index
        %swap3A_1050 = arith.constant 96 : index
        %swap3A_1051 = tpu.vector_load %arg6[%swap3A_1049, %swap3A_1050] {strides = array<i32>} : memref<2x200xi32, #tpu.memory_space<vmem>>, vector<16xi32>,
        tpu.vector_store %arg6[%swap3A_1049, %swap3A_1050], %or3A_1047 {strides = array<i32>} : memref<2x200xi32, #tpu.memory_space<vmem>>, vector<16xi32>,
        %get3A_1052 = arith.index_cast %add3A_862 : i32 to index
        %get3A_1053 = arith.constant 112 : index
        %get3A_1054 = tpu.vector_load %arg5[%get3A_1052, %get3A_1053] {strides = array<i32>} : memref<128x200xi32, #tpu.memory_space<vmem>>, vector<16xi32>,
        %shift_right_arithmetic3A_1055 = arith.constant 14 : i32
        %shift_right_arithmetic3A_1056 = vector.broadcast %shift_right_arithmetic3A_1055 : i32 to vector<16xi32>
        %shift_right_arithmetic3A_1057 = arith.shrsi %get3A_1054, %shift_right_arithmetic3A_1056 : vector<16xi32>
        %shift_left3A_1058 = arith.constant 14 : i32
        %shift_left3A_1059 = vector.broadcast %shift_left3A_1058 : i32 to vector<16xi32>
        %shift_left3A_1060 = arith.shli %shift_right_arithmetic3A_1057, %shift_left3A_1059 : vector<16xi32>
        %and3A_1061 = arith.constant 8191 : i32
        %and3A_1062 = vector.broadcast %and3A_1061 : i32 to vector<16xi32>
        %and3A_1063 = arith.andi %get3A_1054, %and3A_1062 : vector<16xi32>
        %shift_left3A_1064 = arith.constant 1 : i32
        %shift_left3A_1065 = vector.broadcast %shift_left3A_1064 : i32 to vector<16xi32>
        %shift_left3A_1066 = arith.shli %and3A_1063, %shift_left3A_1065 : vector<16xi32>
        %or3A_1067 = arith.ori %shift_left3A_1060, %shift_left3A_1066 : vector<16xi32>
        %shift_right_arithmetic3A_1068 = arith.constant 13 : i32
        %shift_right_arithmetic3A_1069 = vector.broadcast %shift_right_arithmetic3A_1068 : i32 to vector<16xi32>
        %shift_right_arithmetic3A_1070 = arith.shrsi %get3A_1054, %shift_right_arithmetic3A_1069 : vector<16xi32>
        %and3A_1071 = arith.constant 1 : i32
        %and3A_1072 = vector.broadcast %and3A_1071 : i32 to vector<16xi32>
        %and3A_1073 = arith.andi %shift_right_arithmetic3A_1070, %and3A_1072 : vector<16xi32>
        %or3A_1074 = arith.ori %or3A_1067, %and3A_1073 : vector<16xi32>
        %swap3A_1075 = arith.constant 0 : i32
        %swap3A_1076 = arith.index_cast %swap3A_1075 : i32 to index
        %swap3A_1077 = arith.constant 112 : index
        %swap3A_1078 = tpu.vector_load %arg6[%swap3A_1076, %swap3A_1077] {strides = array<i32>} : memref<2x200xi32, #tpu.memory_space<vmem>>, vector<16xi32>,
        tpu.vector_store %arg6[%swap3A_1076, %swap3A_1077], %or3A_1074 {strides = array<i32>} : memref<2x200xi32, #tpu.memory_space<vmem>>, vector<16xi32>,
        %get3A_1079 = arith.index_cast %add3A_862 : i32 to index
        %get3A_1080 = arith.constant 128 : index
        %get3A_1081 = tpu.vector_load %arg5[%get3A_1079, %get3A_1080] {strides = array<i32>} : memref<128x200xi32, #tpu.memory_space<vmem>>, vector<16xi32>,
        %shift_right_arithmetic3A_1082 = arith.constant 14 : i32
        %shift_right_arithmetic3A_1083 = vector.broadcast %shift_right_arithmetic3A_1082 : i32 to vector<16xi32>
        %shift_right_arithmetic3A_1084 = arith.shrsi %get3A_1081, %shift_right_arithmetic3A_1083 : vector<16xi32>
        %shift_left3A_1085 = arith.constant 14 : i32
        %shift_left3A_1086 = vector.broadcast %shift_left3A_1085 : i32 to vector<16xi32>
        %shift_left3A_1087 = arith.shli %shift_right_arithmetic3A_1084, %shift_left3A_1086 : vector<16xi32>
        %and3A_1088 = arith.constant 8191 : i32
        %and3A_1089 = vector.broadcast %and3A_1088 : i32 to vector<16xi32>
        %and3A_1090 = arith.andi %get3A_1081, %and3A_1089 : vector<16xi32>
        %shift_left3A_1091 = arith.constant 1 : i32
        %shift_left3A_1092 = vector.broadcast %shift_left3A_1091 : i32 to vector<16xi32>
        %shift_left3A_1093 = arith.shli %and3A_1090, %shift_left3A_1092 : vector<16xi32>
        %or3A_1094 = arith.ori %shift_left3A_1087, %shift_left3A_1093 : vector<16xi32>
        %shift_right_arithmetic3A_1095 = arith.constant 13 : i32
        %shift_right_arithmetic3A_1096 = vector.broadcast %shift_right_arithmetic3A_1095 : i32 to vector<16xi32>
        %shift_right_arithmetic3A_1097 = arith.shrsi %get3A_1081, %shift_right_arithmetic3A_1096 : vector<16xi32>
        %and3A_1098 = arith.constant 1 : i32
        %and3A_1099 = vector.broadcast %and3A_1098 : i32 to vector<16xi32>
        %and3A_1100 = arith.andi %shift_right_arithmetic3A_1097, %and3A_1099 : vector<16xi32>
        %or3A_1101 = arith.ori %or3A_1094, %and3A_1100 : vector<16xi32>
        %swap3A_1102 = arith.constant 0 : i32
        %swap3A_1103 = arith.index_cast %swap3A_1102 : i32 to index
        %swap3A_1104 = arith.constant 128 : index
        %swap3A_1105 = tpu.vector_load %arg6[%swap3A_1103, %swap3A_1104] {strides = array<i32>} : memref<2x200xi32, #tpu.memory_space<vmem>>, vector<16xi32>,
        tpu.vector_store %arg6[%swap3A_1103, %swap3A_1104], %or3A_1101 {strides = array<i32>} : memref<2x200xi32, #tpu.memory_space<vmem>>, vector<16xi32>,
        %get3A_1106 = arith.index_cast %add3A_862 : i32 to index
        %get3A_1107 = arith.constant 144 : index
        %get3A_1108 = tpu.vector_load %arg5[%get3A_1106, %get3A_1107] {strides = array<i32>} : memref<128x200xi32, #tpu.memory_space<vmem>>, vector<16xi32>,
        %shift_right_arithmetic3A_1109 = arith.constant 14 : i32
        %shift_right_arithmetic3A_1110 = vector.broadcast %shift_right_arithmetic3A_1109 : i32 to vector<16xi32>
        %shift_right_arithmetic3A_1111 = arith.shrsi %get3A_1108, %shift_right_arithmetic3A_1110 : vector<16xi32>
        %shift_left3A_1112 = arith.constant 14 : i32
        %shift_left3A_1113 = vector.broadcast %shift_left3A_1112 : i32 to vector<16xi32>
        %shift_left3A_1114 = arith.shli %shift_right_arithmetic3A_1111, %shift_left3A_1113 : vector<16xi32>
        %and3A_1115 = arith.constant 8191 : i32
        %and3A_1116 = vector.broadcast %and3A_1115 : i32 to vector<16xi32>
        %and3A_1117 = arith.andi %get3A_1108, %and3A_1116 : vector<16xi32>
        %shift_left3A_1118 = arith.constant 1 : i32
        %shift_left3A_1119 = vector.broadcast %shift_left3A_1118 : i32 to vector<16xi32>
        %shift_left3A_1120 = arith.shli %and3A_1117, %shift_left3A_1119 : vector<16xi32>
        %or3A_1121 = arith.ori %shift_left3A_1114, %shift_left3A_1120 : vector<16xi32>
        %shift_right_arithmetic3A_1122 = arith.constant 13 : i32
        %shift_right_arithmetic3A_1123 = vector.broadcast %shift_right_arithmetic3A_1122 : i32 to vector<16xi32>
        %shift_right_arithmetic3A_1124 = arith.shrsi %get3A_1108, %shift_right_arithmetic3A_1123 : vector<16xi32>
        %and3A_1125 = arith.constant 1 : i32
        %and3A_1126 = vector.broadcast %and3A_1125 : i32 to vector<16xi32>
        %and3A_1127 = arith.andi %shift_right_arithmetic3A_1124, %and3A_1126 : vector<16xi32>
        %or3A_1128 = arith.ori %or3A_1121, %and3A_1127 : vector<16xi32>
        %swap3A_1129 = arith.constant 0 : i32
        %swap3A_1130 = arith.index_cast %swap3A_1129 : i32 to index
        %swap3A_1131 = arith.constant 144 : index
        %swap3A_1132 = tpu.vector_load %arg6[%swap3A_1130, %swap3A_1131] {strides = array<i32>} : memref<2x200xi32, #tpu.memory_space<vmem>>, vector<16xi32>,
        tpu.vector_store %arg6[%swap3A_1130, %swap3A_1131], %or3A_1128 {strides = array<i32>} : memref<2x200xi32, #tpu.memory_space<vmem>>, vector<16xi32>,
        %get3A_1133 = arith.index_cast %add3A_862 : i32 to index
        %get3A_1134 = arith.constant 160 : index
        %get3A_1135 = tpu.vector_load %arg5[%get3A_1133, %get3A_1134] {strides = array<i32>} : memref<128x200xi32, #tpu.memory_space<vmem>>, vector<16xi32>,
        %shift_right_arithmetic3A_1136 = arith.constant 14 : i32
        %shift_right_arithmetic3A_1137 = vector.broadcast %shift_right_arithmetic3A_1136 : i32 to vector<16xi32>
        %shift_right_arithmetic3A_1138 = arith.shrsi %get3A_1135, %shift_right_arithmetic3A_1137 : vector<16xi32>
        %shift_left3A_1139 = arith.constant 14 : i32
        %shift_left3A_1140 = vector.broadcast %shift_left3A_1139 : i32 to vector<16xi32>
        %shift_left3A_1141 = arith.shli %shift_right_arithmetic3A_1138, %shift_left3A_1140 : vector<16xi32>
        %and3A_1142 = arith.constant 8191 : i32
        %and3A_1143 = vector.broadcast %and3A_1142 : i32 to vector<16xi32>
        %and3A_1144 = arith.andi %get3A_1135, %and3A_1143 : vector<16xi32>
        %shift_left3A_1145 = arith.constant 1 : i32
        %shift_left3A_1146 = vector.broadcast %shift_left3A_1145 : i32 to vector<16xi32>
        %shift_left3A_1147 = arith.shli %and3A_1144, %shift_left3A_1146 : vector<16xi32>
        %or3A_1148 = arith.ori %shift_left3A_1141, %shift_left3A_1147 : vector<16xi32>
        %shift_right_arithmetic3A_1149 = arith.constant 13 : i32
        %shift_right_arithmetic3A_1150 = vector.broadcast %shift_right_arithmetic3A_1149 : i32 to vector<16xi32>
        %shift_right_arithmetic3A_1151 = arith.shrsi %get3A_1135, %shift_right_arithmetic3A_1150 : vector<16xi32>
        %and3A_1152 = arith.constant 1 : i32
        %and3A_1153 = vector.broadcast %and3A_1152 : i32 to vector<16xi32>
        %and3A_1154 = arith.andi %shift_right_arithmetic3A_1151, %and3A_1153 : vector<16xi32>
        %or3A_1155 = arith.ori %or3A_1148, %and3A_1154 : vector<16xi32>
        %swap3A_1156 = arith.constant 0 : i32
        %swap3A_1157 = arith.index_cast %swap3A_1156 : i32 to index
        %swap3A_1158 = arith.constant 160 : index
        %swap3A_1159 = tpu.vector_load %arg6[%swap3A_1157, %swap3A_1158] {strides = array<i32>} : memref<2x200xi32, #tpu.memory_space<vmem>>, vector<16xi32>,
        tpu.vector_store %arg6[%swap3A_1157, %swap3A_1158], %or3A_1155 {strides = array<i32>} : memref<2x200xi32, #tpu.memory_space<vmem>>, vector<16xi32>,
        %get3A_1160 = arith.index_cast %add3A_862 : i32 to index
        %get3A_1161 = arith.constant 176 : index
        %get3A_1162 = tpu.vector_load %arg5[%get3A_1160, %get3A_1161] {strides = array<i32>} : memref<128x200xi32, #tpu.memory_space<vmem>>, vector<16xi32>,
        %shift_right_arithmetic3A_1163 = arith.constant 14 : i32
        %shift_right_arithmetic3A_1164 = vector.broadcast %shift_right_arithmetic3A_1163 : i32 to vector<16xi32>
        %shift_right_arithmetic3A_1165 = arith.shrsi %get3A_1162, %shift_right_arithmetic3A_1164 : vector<16xi32>
        %shift_left3A_1166 = arith.constant 14 : i32
        %shift_left3A_1167 = vector.broadcast %shift_left3A_1166 : i32 to vector<16xi32>
        %shift_left3A_1168 = arith.shli %shift_right_arithmetic3A_1165, %shift_left3A_1167 : vector<16xi32>
        %and3A_1169 = arith.constant 8191 : i32
        %and3A_1170 = vector.broadcast %and3A_1169 : i32 to vector<16xi32>
        %and3A_1171 = arith.andi %get3A_1162, %and3A_1170 : vector<16xi32>
        %shift_left3A_1172 = arith.constant 1 : i32
        %shift_left3A_1173 = vector.broadcast %shift_left3A_1172 : i32 to vector<16xi32>
        %shift_left3A_1174 = arith.shli %and3A_1171, %shift_left3A_1173 : vector<16xi32>
        %or3A_1175 = arith.ori %shift_left3A_1168, %shift_left3A_1174 : vector<16xi32>
        %shift_right_arithmetic3A_1176 = arith.constant 13 : i32
        %shift_right_arithmetic3A_1177 = vector.broadcast %shift_right_arithmetic3A_1176 : i32 to vector<16xi32>
        %shift_right_arithmetic3A_1178 = arith.shrsi %get3A_1162, %shift_right_arithmetic3A_1177 : vector<16xi32>
        %and3A_1179 = arith.constant 1 : i32
        %and3A_1180 = vector.broadcast %and3A_1179 : i32 to vector<16xi32>
        %and3A_1181 = arith.andi %shift_right_arithmetic3A_1178, %and3A_1180 : vector<16xi32>
        %or3A_1182 = arith.ori %or3A_1175, %and3A_1181 : vector<16xi32>
        %swap3A_1183 = arith.constant 0 : i32
        %swap3A_1184 = arith.index_cast %swap3A_1183 : i32 to index
        %swap3A_1185 = arith.constant 176 : index
        %swap3A_1186 = tpu.vector_load %arg6[%swap3A_1184, %swap3A_1185] {strides = array<i32>} : memref<2x200xi32, #tpu.memory_space<vmem>>, vector<16xi32>,
        tpu.vector_store %arg6[%swap3A_1184, %swap3A_1185], %or3A_1182 {strides = array<i32>} : memref<2x200xi32, #tpu.memory_space<vmem>>, vector<16xi32>,
        %get3A_1187 = arith.index_cast %add3A_862 : i32 to index
        %get3A_1188 = arith.constant 184 : index
        %get3A_1189 = tpu.vector_load %arg5[%get3A_1187, %get3A_1188] {strides = array<i32>} : memref<128x200xi32, #tpu.memory_space<vmem>>, vector<16xi32>,
        %shift_right_arithmetic3A_1190 = arith.constant 14 : i32
        %shift_right_arithmetic3A_1191 = vector.broadcast %shift_right_arithmetic3A_1190 : i32 to vector<16xi32>
        %shift_right_arithmetic3A_1192 = arith.shrsi %get3A_1189, %shift_right_arithmetic3A_1191 : vector<16xi32>
        %shift_left3A_1193 = arith.constant 14 : i32
        %shift_left3A_1194 = vector.broadcast %shift_left3A_1193 : i32 to vector<16xi32>
        %shift_left3A_1195 = arith.shli %shift_right_arithmetic3A_1192, %shift_left3A_1194 : vector<16xi32>
        %and3A_1196 = arith.constant 8191 : i32
        %and3A_1197 = vector.broadcast %and3A_1196 : i32 to vector<16xi32>
        %and3A_1198 = arith.andi %get3A_1189, %and3A_1197 : vector<16xi32>
        %shift_left3A_1199 = arith.constant 1 : i32
        %shift_left3A_1200 = vector.broadcast %shift_left3A_1199 : i32 to vector<16xi32>
        %shift_left3A_1201 = arith.shli %and3A_1198, %shift_left3A_1200 : vector<16xi32>
        %or3A_1202 = arith.ori %shift_left3A_1195, %shift_left3A_1201 : vector<16xi32>
        %shift_right_arithmetic3A_1203 = arith.constant 13 : i32
        %shift_right_arithmetic3A_1204 = vector.broadcast %shift_right_arithmetic3A_1203 : i32 to vector<16xi32>
        %shift_right_arithmetic3A_1205 = arith.shrsi %get3A_1189, %shift_right_arithmetic3A_1204 : vector<16xi32>
        %and3A_1206 = arith.constant 1 : i32
        %and3A_1207 = vector.broadcast %and3A_1206 : i32 to vector<16xi32>
        %and3A_1208 = arith.andi %shift_right_arithmetic3A_1205, %and3A_1207 : vector<16xi32>
        %or3A_1209 = arith.ori %or3A_1202, %and3A_1208 : vector<16xi32>
        %swap3A_1210 = arith.constant 0 : i32
        %swap3A_1211 = arith.index_cast %swap3A_1210 : i32 to index
        %swap3A_1212 = arith.constant 184 : index
        %swap3A_1213 = tpu.vector_load %arg6[%swap3A_1211, %swap3A_1212] {strides = array<i32>} : memref<2x200xi32, #tpu.memory_space<vmem>>, vector<16xi32>,
        tpu.vector_store %arg6[%swap3A_1211, %swap3A_1212], %or3A_1209 {strides = array<i32>} : memref<2x200xi32, #tpu.memory_space<vmem>>, vector<16xi32>,
        %dma_start3A_1214 = arith.constant 0 : i32
        %dma_start3A_1215 = arith.constant 0 : i32
        %dma_start3A_1216 = arith.constant 0 : i32
        %dma_start3A_1217 = arith.constant 0 : i32
        %dma_start3A_1218 = tpu.memref_slice %arg7[%dma_start3A_1215, %dma_start3A_1216, %dma_start3A_1217] : memref<2x200x64xf32, #tpu.memory_space<vmem>> -> memref<1x128x64xf32, #tpu.memory_space<vmem>>
        %dma_start3A_1219 = tpu.memref_squeeze %dma_start3A_1218 : memref<1x128x64xf32, #tpu.memory_space<vmem>> -> memref<128x64xf32, #tpu.memory_space<vmem>>
        %dma_start3A_1220 = arith.constant 0 : i32
        %dma_start3A_1221 = tpu.memref_slice %arg6[%dma_start3A_1214, %dma_start3A_1220] : memref<2x200xi32, #tpu.memory_space<vmem>> -> memref<1x128xi32, #tpu.memory_space<vmem>>
        %dma_start3A_1222 = tpu.memref_squeeze %dma_start3A_1221 : memref<1x128xi32, #tpu.memory_space<vmem>> -> memref<128xi32, #tpu.memory_space<vmem>>
        %dma_start3A_1223 = arith.constant 0 : i32
        %dma_start3A_1224 = arith.constant 0 : i32
        %dma_start3A_1225 = tpu.memref_slice %arg3[%dma_start3A_1223, %dma_start3A_1224] : memref<1015808x64xf32, #tpu.memory_space<hbm>> -> memref<1015808x64xf32, #tpu.memory_space<hbm>>
        tpu.enqueue_indirect_dma source(%dma_start3A_1225 : memref<1015808x64xf32, #tpu.memory_space<hbm>>) target(%dma_start3A_1219 : memref<128x64xf32, #tpu.memory_space<vmem>>) offsets(%dma_start3A_1222 : memref<128xi32, #tpu.memory_space<vmem>>) semaphore(%arg9 : memref<!tpu.dma_semaphore, #tpu.memory_space<semaphore_mem>>)
        %dma_start3A_1226 = arith.constant 0 : i32
        %dma_start3A_1227 = arith.constant 0 : i32
        %dma_start3A_1228 = arith.constant 128 : i32
        %dma_start3A_1229 = arith.constant 0 : i32
        %dma_start3A_1230 = tpu.memref_slice %arg7[%dma_start3A_1227, %dma_start3A_1228, %dma_start3A_1229] : memref<2x200x64xf32, #tpu.memory_space<vmem>> -> memref<1x72x64xf32, #tpu.memory_space<vmem>>
        %dma_start3A_1231 = tpu.memref_squeeze %dma_start3A_1230 : memref<1x72x64xf32, #tpu.memory_space<vmem>> -> memref<72x64xf32, #tpu.memory_space<vmem>>
        %dma_start3A_1232 = arith.constant 128 : i32
        %dma_start3A_1233 = tpu.memref_slice %arg6[%dma_start3A_1226, %dma_start3A_1232] : memref<2x200xi32, #tpu.memory_space<vmem>> -> memref<1x72xi32, #tpu.memory_space<vmem>>
        %dma_start3A_1234 = tpu.memref_squeeze %dma_start3A_1233 : memref<1x72xi32, #tpu.memory_space<vmem>> -> memref<72xi32, #tpu.memory_space<vmem>>
        %dma_start3A_1235 = arith.constant 0 : i32
        %dma_start3A_1236 = arith.constant 0 : i32
        %dma_start3A_1237 = tpu.memref_slice %arg3[%dma_start3A_1235, %dma_start3A_1236] : memref<1015808x64xf32, #tpu.memory_space<hbm>> -> memref<1015808x64xf32, #tpu.memory_space<hbm>>
        tpu.enqueue_indirect_dma source(%dma_start3A_1237 : memref<1015808x64xf32, #tpu.memory_space<hbm>>) target(%dma_start3A_1231 : memref<72x64xf32, #tpu.memory_space<vmem>>) offsets(%dma_start3A_1234 : memref<72xi32, #tpu.memory_space<vmem>>) semaphore(%arg9 : memref<!tpu.dma_semaphore, #tpu.memory_space<semaphore_mem>>)
      } else {
      }
      %dma_wait3A_815 = arith.constant 1 : i32
      %dma_wait3A_816 = arith.constant 1 : i32
      %dma_wait3A_817 = arith.constant 0 : i32
      %dma_wait3A_818 = arith.constant 0 : i32
      %dma_wait3A_819 = tpu.memref_slice %arg7[%dma_wait3A_816, %dma_wait3A_817, %dma_wait3A_818] : memref<2x200x64xf32, #tpu.memory_space<vmem>> -> memref<1x128x64xf32, #tpu.memory_space<vmem>>
      %dma_wait3A_820 = tpu.memref_squeeze %dma_wait3A_819 : memref<1x128x64xf32, #tpu.memory_space<vmem>> -> memref<128x64xf32, #tpu.memory_space<vmem>>
      %dma_wait3A_821 = arith.constant 0 : i32
      %dma_wait3A_822 = tpu.memref_slice %arg6[%dma_wait3A_815, %dma_wait3A_821] : memref<2x200xi32, #tpu.memory_space<vmem>> -> memref<1x128xi32, #tpu.memory_space<vmem>>
      %dma_wait3A_823 = tpu.memref_squeeze %dma_wait3A_822 : memref<1x128xi32, #tpu.memory_space<vmem>> -> memref<128xi32, #tpu.memory_space<vmem>>
      %dma_wait3A_824 = arith.constant 0 : i32
      %dma_wait3A_825 = arith.constant 0 : i32
      %dma_wait3A_826 = tpu.memref_slice %arg3[%dma_wait3A_824, %dma_wait3A_825] : memref<1015808x64xf32, #tpu.memory_space<hbm>> -> memref<1015808x64xf32, #tpu.memory_space<hbm>>
      tpu.wait_indirect_dma semaphore(%arg10 : memref<!tpu.dma_semaphore, #tpu.memory_space<semaphore_mem>>) src(%dma_wait3A_826 : memref<1015808x64xf32, #tpu.memory_space<hbm>>) dst(%dma_wait3A_820 : memref<128x64xf32, #tpu.memory_space<vmem>>)
      %dma_wait3A_827 = arith.constant 1 : i32
      %dma_wait3A_828 = arith.constant 1 : i32
      %dma_wait3A_829 = arith.constant 128 : i32
      %dma_wait3A_830 = arith.constant 0 : i32
      %dma_wait3A_831 = tpu.memref_slice %arg7[%dma_wait3A_828, %dma_wait3A_829, %dma_wait3A_830] : memref<2x200x64xf32, #tpu.memory_space<vmem>> -> memref<1x72x64xf32, #tpu.memory_space<vmem>>
      %dma_wait3A_832 = tpu.memref_squeeze %dma_wait3A_831 : memref<1x72x64xf32, #tpu.memory_space<vmem>> -> memref<72x64xf32, #tpu.memory_space<vmem>>
      %dma_wait3A_833 = arith.constant 128 : i32
      %dma_wait3A_834 = tpu.memref_slice %arg6[%dma_wait3A_827, %dma_wait3A_833] : memref<2x200xi32, #tpu.memory_space<vmem>> -> memref<1x72xi32, #tpu.memory_space<vmem>>
      %dma_wait3A_835 = tpu.memref_squeeze %dma_wait3A_834 : memref<1x72xi32, #tpu.memory_space<vmem>> -> memref<72xi32, #tpu.memory_space<vmem>>
      %dma_wait3A_836 = arith.constant 0 : i32
      %dma_wait3A_837 = arith.constant 0 : i32
      %dma_wait3A_838 = tpu.memref_slice %arg3[%dma_wait3A_836, %dma_wait3A_837] : memref<1015808x64xf32, #tpu.memory_space<hbm>> -> memref<1015808x64xf32, #tpu.memory_space<hbm>>
      tpu.wait_indirect_dma semaphore(%arg10 : memref<!tpu.dma_semaphore, #tpu.memory_space<semaphore_mem>>) src(%dma_wait3A_838 : memref<1015808x64xf32, #tpu.memory_space<hbm>>) dst(%dma_wait3A_832 : memref<72x64xf32, #tpu.memory_space<vmem>>)
      %add3A_839 = arith.constant 1 : i32
      %add3A_840 = arith.addi %mul3A_391, %add3A_839 : i32
      %broadcast_in_dim3A_841 = arith.constant 0.000000e+00 : f32
      %broadcast_in_dim3A_842 = vector.broadcast %broadcast_in_dim3A_841 : f32 to vector<16xf32>
      %scan3A_843 = arith.constant 0 : i32
      %scan3A_844 = arith.constant 200 : i32
      %scan3A_845 = arith.addi %scan3A_843, %scan3A_844 : i32
      %scan3A_846 = arith.constant 8 : i32
      %scan3A_847:4 = scf.for %scan3A_861 = %scan3A_843 to %scan3A_845 step %scan3A_846 iter_args(%scan3A_862 = %broadcast_in_dim3A_842, %scan3A_863 = %broadcast_in_dim3A_842, %scan3A_864 = %broadcast_in_dim3A_842, %scan3A_865 = %broadcast_in_dim3A_842) -> (vector<16xf32>, vector<16xf32>, vector<16xf32>, vector<16xf32>)  : i32 {
        %get3A_866 = arith.constant 1 : i32
        %get3A_867 = arith.index_cast %get3A_866 : i32 to index
        %get3A_868 = arith.index_cast %scan3A_861 : i32 to index
        %get3A_869 = arith.constant 0 : index
        %get3A_870 = tpu.vector_load %arg7[%get3A_867, %get3A_868, %get3A_869] {strides = array<i32>} : memref<2x200x64xf32, #tpu.memory_space<vmem>>, vector<16xf32>,
        %get3A_871 = arith.constant 1 : i32
        %get3A_872 = arith.index_cast %get3A_871 : i32 to index
        %get3A_873 = arith.index_cast %scan3A_861 : i32 to index
        %get3A_874 = arith.constant 16 : index
        %get3A_875 = tpu.vector_load %arg7[%get3A_872, %get3A_873, %get3A_874] {strides = array<i32>} : memref<2x200x64xf32, #tpu.memory_space<vmem>>, vector<16xf32>,
        %get3A_876 = arith.constant 1 : i32
        %get3A_877 = arith.index_cast %get3A_876 : i32 to index
        %get3A_878 = arith.index_cast %scan3A_861 : i32 to index
        %get3A_879 = arith.constant 32 : index
        %get3A_880 = tpu.vector_load %arg7[%get3A_877, %get3A_878, %get3A_879] {strides = array<i32>} : memref<2x200x64xf32, #tpu.memory_space<vmem>>, vector<16xf32>,
        %get3A_881 = arith.constant 1 : i32
        %get3A_882 = arith.index_cast %get3A_881 : i32 to index
        %get3A_883 = arith.index_cast %scan3A_861 : i32 to index
        %get3A_884 = arith.constant 48 : index
        %get3A_885 = tpu.vector_load %arg7[%get3A_882, %get3A_883, %get3A_884] {strides = array<i32>} : memref<2x200x64xf32, #tpu.memory_space<vmem>>, vector<16xf32>,
        %mul3A_886 = arith.mulf %get3A_870, %get3A_870 : vector<16xf32>
        %mul3A_887 = arith.mulf %get3A_875, %get3A_875 : vector<16xf32>
        %add3A_888 = arith.addf %mul3A_886, %mul3A_887 : vector<16xf32>
        %mul3A_889 = arith.mulf %get3A_880, %get3A_880 : vector<16xf32>
        %add3A_890 = arith.addf %add3A_888, %mul3A_889 : vector<16xf32>
        %mul3A_891 = arith.mulf %get3A_885, %get3A_885 : vector<16xf32>
        %add3A_892 = arith.addf %add3A_890, %mul3A_891 : vector<16xf32>
        %reduce_sum3A = arith.constant true
        %reduce_sum3A_893 = vector.broadcast %reduce_sum3A : i1 to vector<16xi1>
        %reduce_sum3A_894 = tpu.scan <sum>, %add3A_892 masked %reduce_sum3A_893 : vector<16xf32>, vector<16xi1> -> vector<16xf32>
        %reduce_sum3A_895 = vector.extract %reduce_sum3A_894[15] : f32 from vector<16xf32>
        %bitcast_convert_type3A = arith.bitcast %reduce_sum3A_895 : f32 to i32
        %shift_right_arithmetic3A_896 = arith.constant 1 : i32
        %shift_right_arithmetic3A_897 = arith.shrsi %bitcast_convert_type3A, %shift_right_arithmetic3A_896 : i32
        %sub3A = arith.constant 1597463007 : i32
        %sub3A_898 = arith.subi %sub3A, %shift_right_arithmetic3A_897 : i32
        %bitcast_convert_type3A_899 = arith.bitcast %sub3A_898 : i32 to f32
        %mul3A_900 = arith.constant 5.000000e-01 : f32
        %mul3A_901 = arith.mulf %mul3A_900, %reduce_sum3A_895 : f32
        %mul3A_902 = arith.mulf %mul3A_901, %bitcast_convert_type3A_899 : f32
        %mul3A_903 = arith.mulf %mul3A_902, %bitcast_convert_type3A_899 : f32
        %sub3A_904 = arith.constant 1.500000e+00 : f32
        %sub3A_905 = arith.subf %sub3A_904, %mul3A_903 : f32
        %mul3A_906 = arith.mulf %bitcast_convert_type3A_899, %sub3A_905 : f32
        %gt3A = arith.constant 2.500000e+01 : f32
        %gt3A_907 = arith.cmpf ogt, %reduce_sum3A_895, %gt3A : f32
        %mul3A_908 = arith.constant 5.000000e+00 : f32
        %mul3A_909 = arith.mulf %mul3A_908, %mul3A_906 : f32
        %jit3A = arith.constant 1.000000e+00 : f32
        %select_n3A = arith.select %gt3A_907, %mul3A_909, %jit3A : f32
        %broadcast_in_dim3A_910 = vector.broadcast %select_n3A : f32 to vector<16xf32>
        %mul3A_911 = arith.mulf %broadcast_in_dim3A_910, %get3A_870 : vector<16xf32>
        %add3A_912 = arith.addf %scan3A_862, %mul3A_911 : vector<16xf32>
        %mul3A_913 = arith.mulf %broadcast_in_dim3A_910, %get3A_875 : vector<16xf32>
        %add3A_914 = arith.addf %scan3A_863, %mul3A_913 : vector<16xf32>
        %mul3A_915 = arith.mulf %broadcast_in_dim3A_910, %get3A_880 : vector<16xf32>
        %add3A_916 = arith.addf %scan3A_864, %mul3A_915 : vector<16xf32>
        %mul3A_917 = arith.mulf %broadcast_in_dim3A_910, %get3A_885 : vector<16xf32>
        %add3A_918 = arith.addf %scan3A_865, %mul3A_917 : vector<16xf32>
        %scan3A_919 = arith.constant 1 : i32
        %scan3A_920 = arith.addi %scan3A_861, %scan3A_919 : i32
        %get3A_921 = arith.constant 1 : i32
        %get3A_922 = arith.index_cast %get3A_921 : i32 to index
        %get3A_923 = arith.index_cast %scan3A_920 : i32 to index
        %get3A_924 = arith.constant 0 : index
        %get3A_925 = tpu.vector_load %arg7[%get3A_922, %get3A_923, %get3A_924] {strides = array<i32>} : memref<2x200x64xf32, #tpu.memory_space<vmem>>, vector<16xf32>,
        %get3A_926 = arith.constant 1 : i32
        %get3A_927 = arith.index_cast %get3A_926 : i32 to index
        %get3A_928 = arith.index_cast %scan3A_920 : i32 to index
        %get3A_929 = arith.constant 16 : index
        %get3A_930 = tpu.vector_load %arg7[%get3A_927, %get3A_928, %get3A_929] {strides = array<i32>} : memref<2x200x64xf32, #tpu.memory_space<vmem>>, vector<16xf32>,
        %get3A_931 = arith.constant 1 : i32
        %get3A_932 = arith.index_cast %get3A_931 : i32 to index
        %get3A_933 = arith.index_cast %scan3A_920 : i32 to index
        %get3A_934 = arith.constant 32 : index
        %get3A_935 = tpu.vector_load %arg7[%get3A_932, %get3A_933, %get3A_934] {strides = array<i32>} : memref<2x200x64xf32, #tpu.memory_space<vmem>>, vector<16xf32>,
        %get3A_936 = arith.constant 1 : i32
        %get3A_937 = arith.index_cast %get3A_936 : i32 to index
        %get3A_938 = arith.index_cast %scan3A_920 : i32 to index
        %get3A_939 = arith.constant 48 : index
        %get3A_940 = tpu.vector_load %arg7[%get3A_937, %get3A_938, %get3A_939] {strides = array<i32>} : memref<2x200x64xf32, #tpu.memory_space<vmem>>, vector<16xf32>,
        %mul3A_941 = arith.mulf %get3A_925, %get3A_925 : vector<16xf32>
        %mul3A_942 = arith.mulf %get3A_930, %get3A_930 : vector<16xf32>
        %add3A_943 = arith.addf %mul3A_941, %mul3A_942 : vector<16xf32>
        %mul3A_944 = arith.mulf %get3A_935, %get3A_935 : vector<16xf32>
        %add3A_945 = arith.addf %add3A_943, %mul3A_944 : vector<16xf32>
        %mul3A_946 = arith.mulf %get3A_940, %get3A_940 : vector<16xf32>
        %add3A_947 = arith.addf %add3A_945, %mul3A_946 : vector<16xf32>
        %reduce_sum3A_948 = arith.constant true
        %reduce_sum3A_949 = vector.broadcast %reduce_sum3A_948 : i1 to vector<16xi1>
        %reduce_sum3A_950 = tpu.scan <sum>, %add3A_947 masked %reduce_sum3A_949 : vector<16xf32>, vector<16xi1> -> vector<16xf32>
        %reduce_sum3A_951 = vector.extract %reduce_sum3A_950[15] : f32 from vector<16xf32>
        %bitcast_convert_type3A_952 = arith.bitcast %reduce_sum3A_951 : f32 to i32
        %shift_right_arithmetic3A_953 = arith.constant 1 : i32
        %shift_right_arithmetic3A_954 = arith.shrsi %bitcast_convert_type3A_952, %shift_right_arithmetic3A_953 : i32
        %sub3A_955 = arith.constant 1597463007 : i32
        %sub3A_956 = arith.subi %sub3A_955, %shift_right_arithmetic3A_954 : i32
        %bitcast_convert_type3A_957 = arith.bitcast %sub3A_956 : i32 to f32
        %mul3A_958 = arith.constant 5.000000e-01 : f32
        %mul3A_959 = arith.mulf %mul3A_958, %reduce_sum3A_951 : f32
        %mul3A_960 = arith.mulf %mul3A_959, %bitcast_convert_type3A_957 : f32
        %mul3A_961 = arith.mulf %mul3A_960, %bitcast_convert_type3A_957 : f32
        %sub3A_962 = arith.constant 1.500000e+00 : f32
        %sub3A_963 = arith.subf %sub3A_962, %mul3A_961 : f32
        %mul3A_964 = arith.mulf %bitcast_convert_type3A_957, %sub3A_963 : f32
        %gt3A_965 = arith.constant 2.500000e+01 : f32
        %gt3A_966 = arith.cmpf ogt, %reduce_sum3A_951, %gt3A_965 : f32
        %mul3A_967 = arith.constant 5.000000e+00 : f32
        %mul3A_968 = arith.mulf %mul3A_967, %mul3A_964 : f32
        %jit3A_969 = arith.constant 1.000000e+00 : f32
        %select_n3A_970 = arith.select %gt3A_966, %mul3A_968, %jit3A_969 : f32
        %broadcast_in_dim3A_971 = vector.broadcast %select_n3A_970 : f32 to vector<16xf32>
        %mul3A_972 = arith.mulf %broadcast_in_dim3A_971, %get3A_925 : vector<16xf32>
        %add3A_973 = arith.addf %add3A_912, %mul3A_972 : vector<16xf32>
        %mul3A_974 = arith.mulf %broadcast_in_dim3A_971, %get3A_930 : vector<16xf32>
        %add3A_975 = arith.addf %add3A_914, %mul3A_974 : vector<16xf32>
        %mul3A_976 = arith.mulf %broadcast_in_dim3A_971, %get3A_935 : vector<16xf32>
        %add3A_977 = arith.addf %add3A_916, %mul3A_976 : vector<16xf32>
        %mul3A_978 = arith.mulf %broadcast_in_dim3A_971, %get3A_940 : vector<16xf32>
        %add3A_979 = arith.addf %add3A_918, %mul3A_978 : vector<16xf32>
        %scan3A_980 = arith.constant 2 : i32
        %scan3A_981 = arith.addi %scan3A_861, %scan3A_980 : i32
        %get3A_982 = arith.constant 1 : i32
        %get3A_983 = arith.index_cast %get3A_982 : i32 to index
        %get3A_984 = arith.index_cast %scan3A_981 : i32 to index
        %get3A_985 = arith.constant 0 : index
        %get3A_986 = tpu.vector_load %arg7[%get3A_983, %get3A_984, %get3A_985] {strides = array<i32>} : memref<2x200x64xf32, #tpu.memory_space<vmem>>, vector<16xf32>,
        %get3A_987 = arith.constant 1 : i32
        %get3A_988 = arith.index_cast %get3A_987 : i32 to index
        %get3A_989 = arith.index_cast %scan3A_981 : i32 to index
        %get3A_990 = arith.constant 16 : index
        %get3A_991 = tpu.vector_load %arg7[%get3A_988, %get3A_989, %get3A_990] {strides = array<i32>} : memref<2x200x64xf32, #tpu.memory_space<vmem>>, vector<16xf32>,
        %get3A_992 = arith.constant 1 : i32
        %get3A_993 = arith.index_cast %get3A_992 : i32 to index
        %get3A_994 = arith.index_cast %scan3A_981 : i32 to index
        %get3A_995 = arith.constant 32 : index
        %get3A_996 = tpu.vector_load %arg7[%get3A_993, %get3A_994, %get3A_995] {strides = array<i32>} : memref<2x200x64xf32, #tpu.memory_space<vmem>>, vector<16xf32>,
        %get3A_997 = arith.constant 1 : i32
        %get3A_998 = arith.index_cast %get3A_997 : i32 to index
        %get3A_999 = arith.index_cast %scan3A_981 : i32 to index
        %get3A_1000 = arith.constant 48 : index
        %get3A_1001 = tpu.vector_load %arg7[%get3A_998, %get3A_999, %get3A_1000] {strides = array<i32>} : memref<2x200x64xf32, #tpu.memory_space<vmem>>, vector<16xf32>,
        %mul3A_1002 = arith.mulf %get3A_986, %get3A_986 : vector<16xf32>
        %mul3A_1003 = arith.mulf %get3A_991, %get3A_991 : vector<16xf32>
        %add3A_1004 = arith.addf %mul3A_1002, %mul3A_1003 : vector<16xf32>
        %mul3A_1005 = arith.mulf %get3A_996, %get3A_996 : vector<16xf32>
        %add3A_1006 = arith.addf %add3A_1004, %mul3A_1005 : vector<16xf32>
        %mul3A_1007 = arith.mulf %get3A_1001, %get3A_1001 : vector<16xf32>
        %add3A_1008 = arith.addf %add3A_1006, %mul3A_1007 : vector<16xf32>
        %reduce_sum3A_1009 = arith.constant true
        %reduce_sum3A_1010 = vector.broadcast %reduce_sum3A_1009 : i1 to vector<16xi1>
        %reduce_sum3A_1011 = tpu.scan <sum>, %add3A_1008 masked %reduce_sum3A_1010 : vector<16xf32>, vector<16xi1> -> vector<16xf32>
        %reduce_sum3A_1012 = vector.extract %reduce_sum3A_1011[15] : f32 from vector<16xf32>
        %bitcast_convert_type3A_1013 = arith.bitcast %reduce_sum3A_1012 : f32 to i32
        %shift_right_arithmetic3A_1014 = arith.constant 1 : i32
        %shift_right_arithmetic3A_1015 = arith.shrsi %bitcast_convert_type3A_1013, %shift_right_arithmetic3A_1014 : i32
        %sub3A_1016 = arith.constant 1597463007 : i32
        %sub3A_1017 = arith.subi %sub3A_1016, %shift_right_arithmetic3A_1015 : i32
        %bitcast_convert_type3A_1018 = arith.bitcast %sub3A_1017 : i32 to f32
        %mul3A_1019 = arith.constant 5.000000e-01 : f32
        %mul3A_1020 = arith.mulf %mul3A_1019, %reduce_sum3A_1012 : f32
        %mul3A_1021 = arith.mulf %mul3A_1020, %bitcast_convert_type3A_1018 : f32
        %mul3A_1022 = arith.mulf %mul3A_1021, %bitcast_convert_type3A_1018 : f32
        %sub3A_1023 = arith.constant 1.500000e+00 : f32
        %sub3A_1024 = arith.subf %sub3A_1023, %mul3A_1022 : f32
        %mul3A_1025 = arith.mulf %bitcast_convert_type3A_1018, %sub3A_1024 : f32
        %gt3A_1026 = arith.constant 2.500000e+01 : f32
        %gt3A_1027 = arith.cmpf ogt, %reduce_sum3A_1012, %gt3A_1026 : f32
        %mul3A_1028 = arith.constant 5.000000e+00 : f32
        %mul3A_1029 = arith.mulf %mul3A_1028, %mul3A_1025 : f32
        %jit3A_1030 = arith.constant 1.000000e+00 : f32
        %select_n3A_1031 = arith.select %gt3A_1027, %mul3A_1029, %jit3A_1030 : f32
        %broadcast_in_dim3A_1032 = vector.broadcast %select_n3A_1031 : f32 to vector<16xf32>
        %mul3A_1033 = arith.mulf %broadcast_in_dim3A_1032, %get3A_986 : vector<16xf32>
        %add3A_1034 = arith.addf %add3A_973, %mul3A_1033 : vector<16xf32>
        %mul3A_1035 = arith.mulf %broadcast_in_dim3A_1032, %get3A_991 : vector<16xf32>
        %add3A_1036 = arith.addf %add3A_975, %mul3A_1035 : vector<16xf32>
        %mul3A_1037 = arith.mulf %broadcast_in_dim3A_1032, %get3A_996 : vector<16xf32>
        %add3A_1038 = arith.addf %add3A_977, %mul3A_1037 : vector<16xf32>
        %mul3A_1039 = arith.mulf %broadcast_in_dim3A_1032, %get3A_1001 : vector<16xf32>
        %add3A_1040 = arith.addf %add3A_979, %mul3A_1039 : vector<16xf32>
        %scan3A_1041 = arith.constant 3 : i32
        %scan3A_1042 = arith.addi %scan3A_861, %scan3A_1041 : i32
        %get3A_1043 = arith.constant 1 : i32
        %get3A_1044 = arith.index_cast %get3A_1043 : i32 to index
        %get3A_1045 = arith.index_cast %scan3A_1042 : i32 to index
        %get3A_1046 = arith.constant 0 : index
        %get3A_1047 = tpu.vector_load %arg7[%get3A_1044, %get3A_1045, %get3A_1046] {strides = array<i32>} : memref<2x200x64xf32, #tpu.memory_space<vmem>>, vector<16xf32>,
        %get3A_1048 = arith.constant 1 : i32
        %get3A_1049 = arith.index_cast %get3A_1048 : i32 to index
        %get3A_1050 = arith.index_cast %scan3A_1042 : i32 to index
        %get3A_1051 = arith.constant 16 : index
        %get3A_1052 = tpu.vector_load %arg7[%get3A_1049, %get3A_1050, %get3A_1051] {strides = array<i32>} : memref<2x200x64xf32, #tpu.memory_space<vmem>>, vector<16xf32>,
        %get3A_1053 = arith.constant 1 : i32
        %get3A_1054 = arith.index_cast %get3A_1053 : i32 to index
        %get3A_1055 = arith.index_cast %scan3A_1042 : i32 to index
        %get3A_1056 = arith.constant 32 : index
        %get3A_1057 = tpu.vector_load %arg7[%get3A_1054, %get3A_1055, %get3A_1056] {strides = array<i32>} : memref<2x200x64xf32, #tpu.memory_space<vmem>>, vector<16xf32>,
        %get3A_1058 = arith.constant 1 : i32
        %get3A_1059 = arith.index_cast %get3A_1058 : i32 to index
        %get3A_1060 = arith.index_cast %scan3A_1042 : i32 to index
        %get3A_1061 = arith.constant 48 : index
        %get3A_1062 = tpu.vector_load %arg7[%get3A_1059, %get3A_1060, %get3A_1061] {strides = array<i32>} : memref<2x200x64xf32, #tpu.memory_space<vmem>>, vector<16xf32>,
        %mul3A_1063 = arith.mulf %get3A_1047, %get3A_1047 : vector<16xf32>
        %mul3A_1064 = arith.mulf %get3A_1052, %get3A_1052 : vector<16xf32>
        %add3A_1065 = arith.addf %mul3A_1063, %mul3A_1064 : vector<16xf32>
        %mul3A_1066 = arith.mulf %get3A_1057, %get3A_1057 : vector<16xf32>
        %add3A_1067 = arith.addf %add3A_1065, %mul3A_1066 : vector<16xf32>
        %mul3A_1068 = arith.mulf %get3A_1062, %get3A_1062 : vector<16xf32>
        %add3A_1069 = arith.addf %add3A_1067, %mul3A_1068 : vector<16xf32>
        %reduce_sum3A_1070 = arith.constant true
        %reduce_sum3A_1071 = vector.broadcast %reduce_sum3A_1070 : i1 to vector<16xi1>
        %reduce_sum3A_1072 = tpu.scan <sum>, %add3A_1069 masked %reduce_sum3A_1071 : vector<16xf32>, vector<16xi1> -> vector<16xf32>
        %reduce_sum3A_1073 = vector.extract %reduce_sum3A_1072[15] : f32 from vector<16xf32>
        %bitcast_convert_type3A_1074 = arith.bitcast %reduce_sum3A_1073 : f32 to i32
        %shift_right_arithmetic3A_1075 = arith.constant 1 : i32
        %shift_right_arithmetic3A_1076 = arith.shrsi %bitcast_convert_type3A_1074, %shift_right_arithmetic3A_1075 : i32
        %sub3A_1077 = arith.constant 1597463007 : i32
        %sub3A_1078 = arith.subi %sub3A_1077, %shift_right_arithmetic3A_1076 : i32
        %bitcast_convert_type3A_1079 = arith.bitcast %sub3A_1078 : i32 to f32
        %mul3A_1080 = arith.constant 5.000000e-01 : f32
        %mul3A_1081 = arith.mulf %mul3A_1080, %reduce_sum3A_1073 : f32
        %mul3A_1082 = arith.mulf %mul3A_1081, %bitcast_convert_type3A_1079 : f32
        %mul3A_1083 = arith.mulf %mul3A_1082, %bitcast_convert_type3A_1079 : f32
        %sub3A_1084 = arith.constant 1.500000e+00 : f32
        %sub3A_1085 = arith.subf %sub3A_1084, %mul3A_1083 : f32
        %mul3A_1086 = arith.mulf %bitcast_convert_type3A_1079, %sub3A_1085 : f32
        %gt3A_1087 = arith.constant 2.500000e+01 : f32
        %gt3A_1088 = arith.cmpf ogt, %reduce_sum3A_1073, %gt3A_1087 : f32
        %mul3A_1089 = arith.constant 5.000000e+00 : f32
        %mul3A_1090 = arith.mulf %mul3A_1089, %mul3A_1086 : f32
        %jit3A_1091 = arith.constant 1.000000e+00 : f32
        %select_n3A_1092 = arith.select %gt3A_1088, %mul3A_1090, %jit3A_1091 : f32
        %broadcast_in_dim3A_1093 = vector.broadcast %select_n3A_1092 : f32 to vector<16xf32>
        %mul3A_1094 = arith.mulf %broadcast_in_dim3A_1093, %get3A_1047 : vector<16xf32>
        %add3A_1095 = arith.addf %add3A_1034, %mul3A_1094 : vector<16xf32>
        %mul3A_1096 = arith.mulf %broadcast_in_dim3A_1093, %get3A_1052 : vector<16xf32>
        %add3A_1097 = arith.addf %add3A_1036, %mul3A_1096 : vector<16xf32>
        %mul3A_1098 = arith.mulf %broadcast_in_dim3A_1093, %get3A_1057 : vector<16xf32>
        %add3A_1099 = arith.addf %add3A_1038, %mul3A_1098 : vector<16xf32>
        %mul3A_1100 = arith.mulf %broadcast_in_dim3A_1093, %get3A_1062 : vector<16xf32>
        %add3A_1101 = arith.addf %add3A_1040, %mul3A_1100 : vector<16xf32>
        %scan3A_1102 = arith.constant 4 : i32
        %scan3A_1103 = arith.addi %scan3A_861, %scan3A_1102 : i32
        %get3A_1104 = arith.constant 1 : i32
        %get3A_1105 = arith.index_cast %get3A_1104 : i32 to index
        %get3A_1106 = arith.index_cast %scan3A_1103 : i32 to index
        %get3A_1107 = arith.constant 0 : index
        %get3A_1108 = tpu.vector_load %arg7[%get3A_1105, %get3A_1106, %get3A_1107] {strides = array<i32>} : memref<2x200x64xf32, #tpu.memory_space<vmem>>, vector<16xf32>,
        %get3A_1109 = arith.constant 1 : i32
        %get3A_1110 = arith.index_cast %get3A_1109 : i32 to index
        %get3A_1111 = arith.index_cast %scan3A_1103 : i32 to index
        %get3A_1112 = arith.constant 16 : index
        %get3A_1113 = tpu.vector_load %arg7[%get3A_1110, %get3A_1111, %get3A_1112] {strides = array<i32>} : memref<2x200x64xf32, #tpu.memory_space<vmem>>, vector<16xf32>,
        %get3A_1114 = arith.constant 1 : i32
        %get3A_1115 = arith.index_cast %get3A_1114 : i32 to index
        %get3A_1116 = arith.index_cast %scan3A_1103 : i32 to index
        %get3A_1117 = arith.constant 32 : index
        %get3A_1118 = tpu.vector_load %arg7[%get3A_1115, %get3A_1116, %get3A_1117] {strides = array<i32>} : memref<2x200x64xf32, #tpu.memory_space<vmem>>, vector<16xf32>,
        %get3A_1119 = arith.constant 1 : i32
        %get3A_1120 = arith.index_cast %get3A_1119 : i32 to index
        %get3A_1121 = arith.index_cast %scan3A_1103 : i32 to index
        %get3A_1122 = arith.constant 48 : index
        %get3A_1123 = tpu.vector_load %arg7[%get3A_1120, %get3A_1121, %get3A_1122] {strides = array<i32>} : memref<2x200x64xf32, #tpu.memory_space<vmem>>, vector<16xf32>,
        %mul3A_1124 = arith.mulf %get3A_1108, %get3A_1108 : vector<16xf32>
        %mul3A_1125 = arith.mulf %get3A_1113, %get3A_1113 : vector<16xf32>
        %add3A_1126 = arith.addf %mul3A_1124, %mul3A_1125 : vector<16xf32>
        %mul3A_1127 = arith.mulf %get3A_1118, %get3A_1118 : vector<16xf32>
        %add3A_1128 = arith.addf %add3A_1126, %mul3A_1127 : vector<16xf32>
        %mul3A_1129 = arith.mulf %get3A_1123, %get3A_1123 : vector<16xf32>
        %add3A_1130 = arith.addf %add3A_1128, %mul3A_1129 : vector<16xf32>
        %reduce_sum3A_1131 = arith.constant true
        %reduce_sum3A_1132 = vector.broadcast %reduce_sum3A_1131 : i1 to vector<16xi1>
        %reduce_sum3A_1133 = tpu.scan <sum>, %add3A_1130 masked %reduce_sum3A_1132 : vector<16xf32>, vector<16xi1> -> vector<16xf32>
        %reduce_sum3A_1134 = vector.extract %reduce_sum3A_1133[15] : f32 from vector<16xf32>
        %bitcast_convert_type3A_1135 = arith.bitcast %reduce_sum3A_1134 : f32 to i32
        %shift_right_arithmetic3A_1136 = arith.constant 1 : i32
        %shift_right_arithmetic3A_1137 = arith.shrsi %bitcast_convert_type3A_1135, %shift_right_arithmetic3A_1136 : i32
        %sub3A_1138 = arith.constant 1597463007 : i32
        %sub3A_1139 = arith.subi %sub3A_1138, %shift_right_arithmetic3A_1137 : i32
        %bitcast_convert_type3A_1140 = arith.bitcast %sub3A_1139 : i32 to f32
        %mul3A_1141 = arith.constant 5.000000e-01 : f32
        %mul3A_1142 = arith.mulf %mul3A_1141, %reduce_sum3A_1134 : f32
        %mul3A_1143 = arith.mulf %mul3A_1142, %bitcast_convert_type3A_1140 : f32
        %mul3A_1144 = arith.mulf %mul3A_1143, %bitcast_convert_type3A_1140 : f32
        %sub3A_1145 = arith.constant 1.500000e+00 : f32
        %sub3A_1146 = arith.subf %sub3A_1145, %mul3A_1144 : f32
        %mul3A_1147 = arith.mulf %bitcast_convert_type3A_1140, %sub3A_1146 : f32
        %gt3A_1148 = arith.constant 2.500000e+01 : f32
        %gt3A_1149 = arith.cmpf ogt, %reduce_sum3A_1134, %gt3A_1148 : f32
        %mul3A_1150 = arith.constant 5.000000e+00 : f32
        %mul3A_1151 = arith.mulf %mul3A_1150, %mul3A_1147 : f32
        %jit3A_1152 = arith.constant 1.000000e+00 : f32
        %select_n3A_1153 = arith.select %gt3A_1149, %mul3A_1151, %jit3A_1152 : f32
        %broadcast_in_dim3A_1154 = vector.broadcast %select_n3A_1153 : f32 to vector<16xf32>
        %mul3A_1155 = arith.mulf %broadcast_in_dim3A_1154, %get3A_1108 : vector<16xf32>
        %add3A_1156 = arith.addf %add3A_1095, %mul3A_1155 : vector<16xf32>
        %mul3A_1157 = arith.mulf %broadcast_in_dim3A_1154, %get3A_1113 : vector<16xf32>
        %add3A_1158 = arith.addf %add3A_1097, %mul3A_1157 : vector<16xf32>
        %mul3A_1159 = arith.mulf %broadcast_in_dim3A_1154, %get3A_1118 : vector<16xf32>
        %add3A_1160 = arith.addf %add3A_1099, %mul3A_1159 : vector<16xf32>
        %mul3A_1161 = arith.mulf %broadcast_in_dim3A_1154, %get3A_1123 : vector<16xf32>
        %add3A_1162 = arith.addf %add3A_1101, %mul3A_1161 : vector<16xf32>
        %scan3A_1163 = arith.constant 5 : i32
        %scan3A_1164 = arith.addi %scan3A_861, %scan3A_1163 : i32
        %get3A_1165 = arith.constant 1 : i32
        %get3A_1166 = arith.index_cast %get3A_1165 : i32 to index
        %get3A_1167 = arith.index_cast %scan3A_1164 : i32 to index
        %get3A_1168 = arith.constant 0 : index
        %get3A_1169 = tpu.vector_load %arg7[%get3A_1166, %get3A_1167, %get3A_1168] {strides = array<i32>} : memref<2x200x64xf32, #tpu.memory_space<vmem>>, vector<16xf32>,
        %get3A_1170 = arith.constant 1 : i32
        %get3A_1171 = arith.index_cast %get3A_1170 : i32 to index
        %get3A_1172 = arith.index_cast %scan3A_1164 : i32 to index
        %get3A_1173 = arith.constant 16 : index
        %get3A_1174 = tpu.vector_load %arg7[%get3A_1171, %get3A_1172, %get3A_1173] {strides = array<i32>} : memref<2x200x64xf32, #tpu.memory_space<vmem>>, vector<16xf32>,
        %get3A_1175 = arith.constant 1 : i32
        %get3A_1176 = arith.index_cast %get3A_1175 : i32 to index
        %get3A_1177 = arith.index_cast %scan3A_1164 : i32 to index
        %get3A_1178 = arith.constant 32 : index
        %get3A_1179 = tpu.vector_load %arg7[%get3A_1176, %get3A_1177, %get3A_1178] {strides = array<i32>} : memref<2x200x64xf32, #tpu.memory_space<vmem>>, vector<16xf32>,
        %get3A_1180 = arith.constant 1 : i32
        %get3A_1181 = arith.index_cast %get3A_1180 : i32 to index
        %get3A_1182 = arith.index_cast %scan3A_1164 : i32 to index
        %get3A_1183 = arith.constant 48 : index
        %get3A_1184 = tpu.vector_load %arg7[%get3A_1181, %get3A_1182, %get3A_1183] {strides = array<i32>} : memref<2x200x64xf32, #tpu.memory_space<vmem>>, vector<16xf32>,
        %mul3A_1185 = arith.mulf %get3A_1169, %get3A_1169 : vector<16xf32>
        %mul3A_1186 = arith.mulf %get3A_1174, %get3A_1174 : vector<16xf32>
        %add3A_1187 = arith.addf %mul3A_1185, %mul3A_1186 : vector<16xf32>
        %mul3A_1188 = arith.mulf %get3A_1179, %get3A_1179 : vector<16xf32>
        %add3A_1189 = arith.addf %add3A_1187, %mul3A_1188 : vector<16xf32>
        %mul3A_1190 = arith.mulf %get3A_1184, %get3A_1184 : vector<16xf32>
        %add3A_1191 = arith.addf %add3A_1189, %mul3A_1190 : vector<16xf32>
        %reduce_sum3A_1192 = arith.constant true
        %reduce_sum3A_1193 = vector.broadcast %reduce_sum3A_1192 : i1 to vector<16xi1>
        %reduce_sum3A_1194 = tpu.scan <sum>, %add3A_1191 masked %reduce_sum3A_1193 : vector<16xf32>, vector<16xi1> -> vector<16xf32>
        %reduce_sum3A_1195 = vector.extract %reduce_sum3A_1194[15] : f32 from vector<16xf32>
        %bitcast_convert_type3A_1196 = arith.bitcast %reduce_sum3A_1195 : f32 to i32
        %shift_right_arithmetic3A_1197 = arith.constant 1 : i32
        %shift_right_arithmetic3A_1198 = arith.shrsi %bitcast_convert_type3A_1196, %shift_right_arithmetic3A_1197 : i32
        %sub3A_1199 = arith.constant 1597463007 : i32
        %sub3A_1200 = arith.subi %sub3A_1199, %shift_right_arithmetic3A_1198 : i32
        %bitcast_convert_type3A_1201 = arith.bitcast %sub3A_1200 : i32 to f32
        %mul3A_1202 = arith.constant 5.000000e-01 : f32
        %mul3A_1203 = arith.mulf %mul3A_1202, %reduce_sum3A_1195 : f32
        %mul3A_1204 = arith.mulf %mul3A_1203, %bitcast_convert_type3A_1201 : f32
        %mul3A_1205 = arith.mulf %mul3A_1204, %bitcast_convert_type3A_1201 : f32
        %sub3A_1206 = arith.constant 1.500000e+00 : f32
        %sub3A_1207 = arith.subf %sub3A_1206, %mul3A_1205 : f32
        %mul3A_1208 = arith.mulf %bitcast_convert_type3A_1201, %sub3A_1207 : f32
        %gt3A_1209 = arith.constant 2.500000e+01 : f32
        %gt3A_1210 = arith.cmpf ogt, %reduce_sum3A_1195, %gt3A_1209 : f32
        %mul3A_1211 = arith.constant 5.000000e+00 : f32
        %mul3A_1212 = arith.mulf %mul3A_1211, %mul3A_1208 : f32
        %jit3A_1213 = arith.constant 1.000000e+00 : f32
        %select_n3A_1214 = arith.select %gt3A_1210, %mul3A_1212, %jit3A_1213 : f32
        %broadcast_in_dim3A_1215 = vector.broadcast %select_n3A_1214 : f32 to vector<16xf32>
        %mul3A_1216 = arith.mulf %broadcast_in_dim3A_1215, %get3A_1169 : vector<16xf32>
        %add3A_1217 = arith.addf %add3A_1156, %mul3A_1216 : vector<16xf32>
        %mul3A_1218 = arith.mulf %broadcast_in_dim3A_1215, %get3A_1174 : vector<16xf32>
        %add3A_1219 = arith.addf %add3A_1158, %mul3A_1218 : vector<16xf32>
        %mul3A_1220 = arith.mulf %broadcast_in_dim3A_1215, %get3A_1179 : vector<16xf32>
        %add3A_1221 = arith.addf %add3A_1160, %mul3A_1220 : vector<16xf32>
        %mul3A_1222 = arith.mulf %broadcast_in_dim3A_1215, %get3A_1184 : vector<16xf32>
        %add3A_1223 = arith.addf %add3A_1162, %mul3A_1222 : vector<16xf32>
        %scan3A_1224 = arith.constant 6 : i32
        %scan3A_1225 = arith.addi %scan3A_861, %scan3A_1224 : i32
        %get3A_1226 = arith.constant 1 : i32
        %get3A_1227 = arith.index_cast %get3A_1226 : i32 to index
        %get3A_1228 = arith.index_cast %scan3A_1225 : i32 to index
        %get3A_1229 = arith.constant 0 : index
        %get3A_1230 = tpu.vector_load %arg7[%get3A_1227, %get3A_1228, %get3A_1229] {strides = array<i32>} : memref<2x200x64xf32, #tpu.memory_space<vmem>>, vector<16xf32>,
        %get3A_1231 = arith.constant 1 : i32
        %get3A_1232 = arith.index_cast %get3A_1231 : i32 to index
        %get3A_1233 = arith.index_cast %scan3A_1225 : i32 to index
        %get3A_1234 = arith.constant 16 : index
        %get3A_1235 = tpu.vector_load %arg7[%get3A_1232, %get3A_1233, %get3A_1234] {strides = array<i32>} : memref<2x200x64xf32, #tpu.memory_space<vmem>>, vector<16xf32>,
        %get3A_1236 = arith.constant 1 : i32
        %get3A_1237 = arith.index_cast %get3A_1236 : i32 to index
        %get3A_1238 = arith.index_cast %scan3A_1225 : i32 to index
        %get3A_1239 = arith.constant 32 : index
        %get3A_1240 = tpu.vector_load %arg7[%get3A_1237, %get3A_1238, %get3A_1239] {strides = array<i32>} : memref<2x200x64xf32, #tpu.memory_space<vmem>>, vector<16xf32>,
        %get3A_1241 = arith.constant 1 : i32
        %get3A_1242 = arith.index_cast %get3A_1241 : i32 to index
        %get3A_1243 = arith.index_cast %scan3A_1225 : i32 to index
        %get3A_1244 = arith.constant 48 : index
        %get3A_1245 = tpu.vector_load %arg7[%get3A_1242, %get3A_1243, %get3A_1244] {strides = array<i32>} : memref<2x200x64xf32, #tpu.memory_space<vmem>>, vector<16xf32>,
        %mul3A_1246 = arith.mulf %get3A_1230, %get3A_1230 : vector<16xf32>
        %mul3A_1247 = arith.mulf %get3A_1235, %get3A_1235 : vector<16xf32>
        %add3A_1248 = arith.addf %mul3A_1246, %mul3A_1247 : vector<16xf32>
        %mul3A_1249 = arith.mulf %get3A_1240, %get3A_1240 : vector<16xf32>
        %add3A_1250 = arith.addf %add3A_1248, %mul3A_1249 : vector<16xf32>
        %mul3A_1251 = arith.mulf %get3A_1245, %get3A_1245 : vector<16xf32>
        %add3A_1252 = arith.addf %add3A_1250, %mul3A_1251 : vector<16xf32>
        %reduce_sum3A_1253 = arith.constant true
        %reduce_sum3A_1254 = vector.broadcast %reduce_sum3A_1253 : i1 to vector<16xi1>
        %reduce_sum3A_1255 = tpu.scan <sum>, %add3A_1252 masked %reduce_sum3A_1254 : vector<16xf32>, vector<16xi1> -> vector<16xf32>
        %reduce_sum3A_1256 = vector.extract %reduce_sum3A_1255[15] : f32 from vector<16xf32>
        %bitcast_convert_type3A_1257 = arith.bitcast %reduce_sum3A_1256 : f32 to i32
        %shift_right_arithmetic3A_1258 = arith.constant 1 : i32
        %shift_right_arithmetic3A_1259 = arith.shrsi %bitcast_convert_type3A_1257, %shift_right_arithmetic3A_1258 : i32
        %sub3A_1260 = arith.constant 1597463007 : i32
        %sub3A_1261 = arith.subi %sub3A_1260, %shift_right_arithmetic3A_1259 : i32
        %bitcast_convert_type3A_1262 = arith.bitcast %sub3A_1261 : i32 to f32
        %mul3A_1263 = arith.constant 5.000000e-01 : f32
        %mul3A_1264 = arith.mulf %mul3A_1263, %reduce_sum3A_1256 : f32
        %mul3A_1265 = arith.mulf %mul3A_1264, %bitcast_convert_type3A_1262 : f32
        %mul3A_1266 = arith.mulf %mul3A_1265, %bitcast_convert_type3A_1262 : f32
        %sub3A_1267 = arith.constant 1.500000e+00 : f32
        %sub3A_1268 = arith.subf %sub3A_1267, %mul3A_1266 : f32
        %mul3A_1269 = arith.mulf %bitcast_convert_type3A_1262, %sub3A_1268 : f32
        %gt3A_1270 = arith.constant 2.500000e+01 : f32
        %gt3A_1271 = arith.cmpf ogt, %reduce_sum3A_1256, %gt3A_1270 : f32
        %mul3A_1272 = arith.constant 5.000000e+00 : f32
        %mul3A_1273 = arith.mulf %mul3A_1272, %mul3A_1269 : f32
        %jit3A_1274 = arith.constant 1.000000e+00 : f32
        %select_n3A_1275 = arith.select %gt3A_1271, %mul3A_1273, %jit3A_1274 : f32
        %broadcast_in_dim3A_1276 = vector.broadcast %select_n3A_1275 : f32 to vector<16xf32>
        %mul3A_1277 = arith.mulf %broadcast_in_dim3A_1276, %get3A_1230 : vector<16xf32>
        %add3A_1278 = arith.addf %add3A_1217, %mul3A_1277 : vector<16xf32>
        %mul3A_1279 = arith.mulf %broadcast_in_dim3A_1276, %get3A_1235 : vector<16xf32>
        %add3A_1280 = arith.addf %add3A_1219, %mul3A_1279 : vector<16xf32>
        %mul3A_1281 = arith.mulf %broadcast_in_dim3A_1276, %get3A_1240 : vector<16xf32>
        %add3A_1282 = arith.addf %add3A_1221, %mul3A_1281 : vector<16xf32>
        %mul3A_1283 = arith.mulf %broadcast_in_dim3A_1276, %get3A_1245 : vector<16xf32>
        %add3A_1284 = arith.addf %add3A_1223, %mul3A_1283 : vector<16xf32>
        %scan3A_1285 = arith.constant 7 : i32
        %scan3A_1286 = arith.addi %scan3A_861, %scan3A_1285 : i32
        %get3A_1287 = arith.constant 1 : i32
        %get3A_1288 = arith.index_cast %get3A_1287 : i32 to index
        %get3A_1289 = arith.index_cast %scan3A_1286 : i32 to index
        %get3A_1290 = arith.constant 0 : index
        %get3A_1291 = tpu.vector_load %arg7[%get3A_1288, %get3A_1289, %get3A_1290] {strides = array<i32>} : memref<2x200x64xf32, #tpu.memory_space<vmem>>, vector<16xf32>,
        %get3A_1292 = arith.constant 1 : i32
        %get3A_1293 = arith.index_cast %get3A_1292 : i32 to index
        %get3A_1294 = arith.index_cast %scan3A_1286 : i32 to index
        %get3A_1295 = arith.constant 16 : index
        %get3A_1296 = tpu.vector_load %arg7[%get3A_1293, %get3A_1294, %get3A_1295] {strides = array<i32>} : memref<2x200x64xf32, #tpu.memory_space<vmem>>, vector<16xf32>,
        %get3A_1297 = arith.constant 1 : i32
        %get3A_1298 = arith.index_cast %get3A_1297 : i32 to index
        %get3A_1299 = arith.index_cast %scan3A_1286 : i32 to index
        %get3A_1300 = arith.constant 32 : index
        %get3A_1301 = tpu.vector_load %arg7[%get3A_1298, %get3A_1299, %get3A_1300] {strides = array<i32>} : memref<2x200x64xf32, #tpu.memory_space<vmem>>, vector<16xf32>,
        %get3A_1302 = arith.constant 1 : i32
        %get3A_1303 = arith.index_cast %get3A_1302 : i32 to index
        %get3A_1304 = arith.index_cast %scan3A_1286 : i32 to index
        %get3A_1305 = arith.constant 48 : index
        %get3A_1306 = tpu.vector_load %arg7[%get3A_1303, %get3A_1304, %get3A_1305] {strides = array<i32>} : memref<2x200x64xf32, #tpu.memory_space<vmem>>, vector<16xf32>,
        %mul3A_1307 = arith.mulf %get3A_1291, %get3A_1291 : vector<16xf32>
        %mul3A_1308 = arith.mulf %get3A_1296, %get3A_1296 : vector<16xf32>
        %add3A_1309 = arith.addf %mul3A_1307, %mul3A_1308 : vector<16xf32>
        %mul3A_1310 = arith.mulf %get3A_1301, %get3A_1301 : vector<16xf32>
        %add3A_1311 = arith.addf %add3A_1309, %mul3A_1310 : vector<16xf32>
        %mul3A_1312 = arith.mulf %get3A_1306, %get3A_1306 : vector<16xf32>
        %add3A_1313 = arith.addf %add3A_1311, %mul3A_1312 : vector<16xf32>
        %reduce_sum3A_1314 = arith.constant true
        %reduce_sum3A_1315 = vector.broadcast %reduce_sum3A_1314 : i1 to vector<16xi1>
        %reduce_sum3A_1316 = tpu.scan <sum>, %add3A_1313 masked %reduce_sum3A_1315 : vector<16xf32>, vector<16xi1> -> vector<16xf32>
        %reduce_sum3A_1317 = vector.extract %reduce_sum3A_1316[15] : f32 from vector<16xf32>
        %bitcast_convert_type3A_1318 = arith.bitcast %reduce_sum3A_1317 : f32 to i32
        %shift_right_arithmetic3A_1319 = arith.constant 1 : i32
        %shift_right_arithmetic3A_1320 = arith.shrsi %bitcast_convert_type3A_1318, %shift_right_arithmetic3A_1319 : i32
        %sub3A_1321 = arith.constant 1597463007 : i32
        %sub3A_1322 = arith.subi %sub3A_1321, %shift_right_arithmetic3A_1320 : i32
        %bitcast_convert_type3A_1323 = arith.bitcast %sub3A_1322 : i32 to f32
        %mul3A_1324 = arith.constant 5.000000e-01 : f32
        %mul3A_1325 = arith.mulf %mul3A_1324, %reduce_sum3A_1317 : f32
        %mul3A_1326 = arith.mulf %mul3A_1325, %bitcast_convert_type3A_1323 : f32
        %mul3A_1327 = arith.mulf %mul3A_1326, %bitcast_convert_type3A_1323 : f32
        %sub3A_1328 = arith.constant 1.500000e+00 : f32
        %sub3A_1329 = arith.subf %sub3A_1328, %mul3A_1327 : f32
        %mul3A_1330 = arith.mulf %bitcast_convert_type3A_1323, %sub3A_1329 : f32
        %gt3A_1331 = arith.constant 2.500000e+01 : f32
        %gt3A_1332 = arith.cmpf ogt, %reduce_sum3A_1317, %gt3A_1331 : f32
        %mul3A_1333 = arith.constant 5.000000e+00 : f32
        %mul3A_1334 = arith.mulf %mul3A_1333, %mul3A_1330 : f32
        %jit3A_1335 = arith.constant 1.000000e+00 : f32
        %select_n3A_1336 = arith.select %gt3A_1332, %mul3A_1334, %jit3A_1335 : f32
        %broadcast_in_dim3A_1337 = vector.broadcast %select_n3A_1336 : f32 to vector<16xf32>
        %mul3A_1338 = arith.mulf %broadcast_in_dim3A_1337, %get3A_1291 : vector<16xf32>
        %add3A_1339 = arith.addf %add3A_1278, %mul3A_1338 : vector<16xf32>
        %mul3A_1340 = arith.mulf %broadcast_in_dim3A_1337, %get3A_1296 : vector<16xf32>
        %add3A_1341 = arith.addf %add3A_1280, %mul3A_1340 : vector<16xf32>
        %mul3A_1342 = arith.mulf %broadcast_in_dim3A_1337, %get3A_1301 : vector<16xf32>
        %add3A_1343 = arith.addf %add3A_1282, %mul3A_1342 : vector<16xf32>
        %mul3A_1344 = arith.mulf %broadcast_in_dim3A_1337, %get3A_1306 : vector<16xf32>
        %add3A_1345 = arith.addf %add3A_1284, %mul3A_1344 : vector<16xf32>
        scf.yield %add3A_1339, %add3A_1341, %add3A_1343, %add3A_1345 : vector<16xf32>, vector<16xf32>, vector<16xf32>, vector<16xf32>
      }
      %scan3A_848 = arith.constant 200 : i32
      %swap3A_849 = arith.index_cast %add3A_840 : i32 to index
      %swap3A_850 = arith.constant 0 : index
      %swap3A_851 = tpu.vector_load %arg8[%swap3A_849, %swap3A_850] {strides = array<i32>} : memref<128x64xf32, #tpu.memory_space<vmem>>, vector<16xf32>,
      tpu.vector_store %arg8[%swap3A_849, %swap3A_850], %scan3A_847#0 {strides = array<i32>} : memref<128x64xf32, #tpu.memory_space<vmem>>, vector<16xf32>,
      %swap3A_852 = arith.index_cast %add3A_840 : i32 to index
      %swap3A_853 = arith.constant 16 : index
      %swap3A_854 = tpu.vector_load %arg8[%swap3A_852, %swap3A_853] {strides = array<i32>} : memref<128x64xf32, #tpu.memory_space<vmem>>, vector<16xf32>,
      tpu.vector_store %arg8[%swap3A_852, %swap3A_853], %scan3A_847#1 {strides = array<i32>} : memref<128x64xf32, #tpu.memory_space<vmem>>, vector<16xf32>,
      %swap3A_855 = arith.index_cast %add3A_840 : i32 to index
      %swap3A_856 = arith.constant 32 : index
      %swap3A_857 = tpu.vector_load %arg8[%swap3A_855, %swap3A_856] {strides = array<i32>} : memref<128x64xf32, #tpu.memory_space<vmem>>, vector<16xf32>,
      tpu.vector_store %arg8[%swap3A_855, %swap3A_856], %scan3A_847#2 {strides = array<i32>} : memref<128x64xf32, #tpu.memory_space<vmem>>, vector<16xf32>,
      %swap3A_858 = arith.index_cast %add3A_840 : i32 to index
      %swap3A_859 = arith.constant 48 : index
      %swap3A_860 = tpu.vector_load %arg8[%swap3A_858, %swap3A_859] {strides = array<i32>} : memref<128x64xf32, #tpu.memory_space<vmem>>, vector<16xf32>,
      tpu.vector_store %arg8[%swap3A_858, %swap3A_859], %scan3A_847#3 {strides = array<i32>} : memref<128x64xf32, #tpu.memory_space<vmem>>, vector<16xf32>,
    }
    %scan3A_388 = arith.constant 64 : i32
    "tpu.region"() ({
      %run_scoped3A = tpu.sem_alloc : memref<!tpu.dma_semaphore, #tpu.memory_space<semaphore_mem>>
      %dma_start3A_389 = arith.constant 0 : i32
      %dma_start3A_390 = tpu.memref_slice %arg4[%mul3A_2, %dma_start3A_389] : memref<4096x64xf32, #tpu.memory_space<hbm>> -> memref<128x64xf32, #tpu.memory_space<hbm>>
      %dma_start3A_391 = arith.constant 0 : i32
      %dma_start3A_392 = tpu.memref_slice %arg4[%mul3A_2, %dma_start3A_391] : memref<4096x64xf32, #tpu.memory_space<hbm>> -> memref<128x64xf32, #tpu.memory_space<hbm>>
      tpu.enqueue_dma source(%arg8 : memref<128x64xf32, #tpu.memory_space<vmem>>) target(%dma_start3A_392 : memref<128x64xf32, #tpu.memory_space<hbm>>) target_semaphore(%run_scoped3A : memref<!tpu.dma_semaphore, #tpu.memory_space<semaphore_mem>>)
      %dma_wait3A = arith.constant 0 : i32
      %dma_wait3A_393 = tpu.memref_slice %arg4[%mul3A_2, %dma_wait3A] : memref<4096x64xf32, #tpu.memory_space<hbm>> -> memref<128x64xf32, #tpu.memory_space<hbm>>
      %dma_wait3A_394 = arith.constant 0 : i32
      %dma_wait3A_395 = tpu.memref_slice %arg4[%mul3A_2, %dma_wait3A_394] : memref<4096x64xf32, #tpu.memory_space<hbm>> -> memref<128x64xf32, #tpu.memory_space<hbm>>
      tpu.wait_dma2 semaphore(%run_scoped3A : memref<!tpu.dma_semaphore, #tpu.memory_space<semaphore_mem>>) src(%arg8 : memref<128x64xf32, #tpu.memory_space<vmem>>) dst(%dma_wait3A_395 : memref<128x64xf32, #tpu.memory_space<hbm>>)
      tpu.yield
    }) : () -> ()
    return
  }
}

module attributes {stable_mosaic.version = 14 : i64} {
  func.func @_transpose_body(%arg0: i32, %arg1: memref<64x16384xf32, #tpu.memory_space<vmem>>, %arg2: memref<8192x128xf32, #tpu.memory_space<vmem>>) attributes {dimension_semantics = [#tpu.dimension_semantics<arbitrary>], iteration_bounds = array<i64: 62>, scalar_prefetch = 0 : i64, scratch_operands = 0 : i64, tpu.core_type = #tpu.core_type<tc>, window_params = [{transform_indices = @transform_0, window_bounds = array<i64: 64, 16384>}, {transform_indices = @transform_1, window_bounds = array<i64: 8192, 128>}]} {
    %get3A = arith.constant 0 : index
    %get3A_0 = arith.constant 0 : index
    %get3A_1 = vector.load %arg1[%get3A, %get3A_0] : memref<64x16384xf32, #tpu.memory_space<vmem>>, vector<64x16384xf32>
    %iota3A = tpu.iota {dimensions = array<i32: 0>} : vector<64x64xi32>
    %iota3A_2 = tpu.iota {dimensions = array<i32: 1>} : vector<64x64xi32>
    %eq3A = arith.cmpi eq, %iota3A, %iota3A_2 : vector<64x64xi32>
    %jit3A = arith.constant 1.000000e+00 : f32
    %jit3A_3 = arith.constant 0.000000e+00 : f32
    %broadcast_in_dim3A = vector.broadcast %jit3A : f32 to vector<64x64xf32>
    %broadcast_in_dim3A_4 = vector.broadcast %jit3A_3 : f32 to vector<64x64xf32>
    %select_n3A = arith.select %eq3A, %broadcast_in_dim3A, %broadcast_in_dim3A_4 : vector<64x64xi1>, vector<64x64xf32>
    %dot_general3A = arith.constant dense<0.000000e+00> : vector<16384x64xf32>
    %dot_general3A_5 = tpu.matmul %get3A_1, %select_n3A, %dot_general3A {dimension_numbers = #tpu.dot_dimension_numbers<[0], [0], [1], [1], [0, 1, 1, 1], [], []>, transpose_lhs_hint = true} : vector<64x16384xf32>, vector<64x64xf32>, vector<16384x64xf32> -> vector<16384x64xf32>
    %slice3A = vector.extract_strided_slice %dot_general3A_5 {offsets = [0, 0], sizes = [8192, 64], strides = [1, 1]} : vector<16384x64xf32> to vector<8192x64xf32>
    %slice3A_6 = vector.extract_strided_slice %dot_general3A_5 {offsets = [8192, 0], sizes = [8192, 64], strides = [1, 1]} : vector<16384x64xf32> to vector<8192x64xf32>
    %concatenate3A = tpu.concatenate %slice3A, %slice3A_6 in 1 : vector<8192x64xf32>, vector<8192x64xf32> -> vector<8192x128xf32>
    %swap3A = arith.constant 0 : index
    %swap3A_7 = arith.constant 0 : index
    %swap3A_8 = vector.load %arg2[%swap3A, %swap3A_7] : memref<8192x128xf32, #tpu.memory_space<vmem>>, vector<8192x128xf32>
    tpu.vector_store %arg2[%swap3A, %swap3A_7], %concatenate3A {strides = array<i32>} : memref<8192x128xf32, #tpu.memory_space<vmem>>, vector<8192x128xf32>,
    return
  }
  func.func @transform_0(%arg0: i32) -> (i32, i32) {
    %c0_i32 = arith.constant 0 : i32
    %c0_i32_0 = arith.constant 0 : i32
    return %c0_i32, %arg0 : i32, i32
  }
  func.func @transform_1(%arg0: i32) -> (i32, i32) {
    %c0_i32 = arith.constant 0 : i32
    %c0_i32_0 = arith.constant 0 : i32
    return %arg0, %c0_i32 : i32, i32
  }
}

module attributes {stable_mosaic.version = 14 : i64} {
  func.func @_mlp_body(%arg0: i32, %arg1: memref<512x64xf32, #tpu.memory_space<vmem>>, %arg2: memref<64x128xf32, #tpu.memory_space<vmem>>, %arg3: memref<1x128xf32, #tpu.memory_space<vmem>>, %arg4: memref<128x128xf32, #tpu.memory_space<vmem>>, %arg5: memref<1x128xf32, #tpu.memory_space<vmem>>, %arg6: memref<512x128xf32, #tpu.memory_space<vmem>>) attributes {dimension_semantics = [#tpu.dimension_semantics<arbitrary>], iteration_bounds = array<i64: 8>, scalar_prefetch = 0 : i64, scratch_operands = 0 : i64, tpu.core_type = #tpu.core_type<tc>, window_params = [{transform_indices = @transform_0, window_bounds = array<i64: 512, 64>}, {pipeline_mode = #tpu.pipeline_mode<synchronous>, transform_indices = @transform_1, window_bounds = array<i64: 64, 128>}, {pipeline_mode = #tpu.pipeline_mode<synchronous>, transform_indices = @transform_2, window_bounds = array<i64: 1, 128>}, {pipeline_mode = #tpu.pipeline_mode<synchronous>, transform_indices = @transform_3, window_bounds = array<i64: 128, 128>}, {pipeline_mode = #tpu.pipeline_mode<synchronous>, transform_indices = @transform_4, window_bounds = array<i64: 1, 128>}, {transform_indices = @transform_5, window_bounds = array<i64: 512, 128>}]} {
    %get3A = arith.constant 0 : index
    %get3A_0 = arith.constant 0 : index
    %get3A_1 = vector.load %arg1[%get3A, %get3A_0] : memref<512x64xf32, #tpu.memory_space<vmem>>, vector<512x64xf32>
    %max3A = arith.constant 0.000000e+00 : f32
    %max3A_2 = vector.broadcast %max3A : f32 to vector<512x64xf32>
    %max3A_3 = arith.maximumf %get3A_1, %max3A_2 : vector<512x64xf32>
    %get3A_4 = arith.constant 0 : index
    %get3A_5 = arith.constant 0 : index
    %get3A_6 = vector.load %arg2[%get3A_4, %get3A_5] : memref<64x128xf32, #tpu.memory_space<vmem>>, vector<64x128xf32>
    %dot_general3A = arith.constant dense<0.000000e+00> : vector<512x128xf32>
    %dot_general3A_7 = tpu.matmul %max3A_3, %get3A_6, %dot_general3A {dimension_numbers = #tpu.dot_dimension_numbers<[1], [0], [0], [1], [0, 0, 1, 1], [], []>, transpose_lhs_hint = false} : vector<512x64xf32>, vector<64x128xf32>, vector<512x128xf32> -> vector<512x128xf32>
    %get3A_8 = arith.constant 0 : index
    %get3A_9 = arith.constant 0 : index
    %get3A_10 = vector.load %arg3[%get3A_8, %get3A_9] : memref<1x128xf32, #tpu.memory_space<vmem>>, vector<1x128xf32>
    %add3A = vector.broadcast %get3A_10 : vector<1x128xf32> to vector<512x128xf32>
    %add3A_11 = arith.addf %dot_general3A_7, %add3A : vector<512x128xf32>
    %max3A_12 = arith.constant 0.000000e+00 : f32
    %max3A_13 = vector.broadcast %max3A_12 : f32 to vector<512x128xf32>
    %max3A_14 = arith.maximumf %add3A_11, %max3A_13 : vector<512x128xf32>
    %get3A_15 = arith.constant 0 : index
    %get3A_16 = arith.constant 0 : index
    %get3A_17 = vector.load %arg4[%get3A_15, %get3A_16] : memref<128x128xf32, #tpu.memory_space<vmem>>, vector<128x128xf32>
    %dot_general3A_18 = arith.constant dense<0.000000e+00> : vector<512x128xf32>
    %dot_general3A_19 = tpu.matmul %max3A_14, %get3A_17, %dot_general3A_18 {dimension_numbers = #tpu.dot_dimension_numbers<[1], [0], [0], [1], [0, 0, 1, 1], [], []>, transpose_lhs_hint = false} : vector<512x128xf32>, vector<128x128xf32>, vector<512x128xf32> -> vector<512x128xf32>
    %get3A_20 = arith.constant 0 : index
    %get3A_21 = arith.constant 0 : index
    %get3A_22 = vector.load %arg5[%get3A_20, %get3A_21] : memref<1x128xf32, #tpu.memory_space<vmem>>, vector<1x128xf32>
    %add3A_23 = vector.broadcast %get3A_22 : vector<1x128xf32> to vector<512x128xf32>
    %add3A_24 = arith.addf %dot_general3A_19, %add3A_23 : vector<512x128xf32>
    %swap3A = arith.constant 0 : index
    %swap3A_25 = arith.constant 0 : index
    %swap3A_26 = vector.load %arg6[%swap3A, %swap3A_25] : memref<512x128xf32, #tpu.memory_space<vmem>>, vector<512x128xf32>
    tpu.vector_store %arg6[%swap3A, %swap3A_25], %add3A_24 {strides = array<i32>} : memref<512x128xf32, #tpu.memory_space<vmem>>, vector<512x128xf32>,
    return
  }
  func.func @transform_0(%arg0: i32) -> (i32, i32) {
    %c0_i32 = arith.constant 0 : i32
    %c0_i32_0 = arith.constant 0 : i32
    return %arg0, %c0_i32 : i32, i32
  }
  func.func @transform_1(%arg0: i32) -> (i32, i32) {
    %c0_i32 = arith.constant 0 : i32
    %c0_i32_0 = arith.constant 0 : i32
    %c0_i32_1 = arith.constant 0 : i32
    return %c0_i32, %c0_i32_0 : i32, i32
  }
  func.func @transform_2(%arg0: i32) -> (i32, i32) {
    %c0_i32 = arith.constant 0 : i32
    %c0_i32_0 = arith.constant 0 : i32
    %c0_i32_1 = arith.constant 0 : i32
    return %c0_i32, %c0_i32_0 : i32, i32
  }
  func.func @transform_3(%arg0: i32) -> (i32, i32) {
    %c0_i32 = arith.constant 0 : i32
    %c0_i32_0 = arith.constant 0 : i32
    %c0_i32_1 = arith.constant 0 : i32
    return %c0_i32, %c0_i32_0 : i32, i32
  }
  func.func @transform_4(%arg0: i32) -> (i32, i32) {
    %c0_i32 = arith.constant 0 : i32
    %c0_i32_0 = arith.constant 0 : i32
    %c0_i32_1 = arith.constant 0 : i32
    return %c0_i32, %c0_i32_0 : i32, i32
  }
  func.func @transform_5(%arg0: i32) -> (i32, i32) {
    %c0_i32 = arith.constant 0 : i32
    %c0_i32_0 = arith.constant 0 : i32
    return %arg0, %c0_i32 : i32, i32
  }
}

</mosaic_0001>

<sc_bundles>
// kernel: kernel.5.cloned.1.call-start
scs
__scs_entry_jumppad:
0x0: {  	(pc) =	sbr.rel $0x88, $3  }
0x1: {  	(tag) =	ssettag $0x0;
	lr =	simm.s32 $0x1  }
0x2: {  	[smem:$0x3F9B] =	sst lr;
	_ =	strace $0xD0000000  }
0x3: {  	_ = 	snop  }
0x4: {  	_ = 	snop  }
0x5: {  	_ = 	snop  }
0x6: {  	_ = 	snop  }
0x7: {  	_ = 	snop  }
__scs_overlays_trampoline_lowered:
0x8: {  	[smem:$0x3FAA] =	sst s0  }
0x9: {  	[smem:$0x3FAB] =	sst s1  }
0xa: {  	[smem:$0x3FAC] =	sst s2  }
0xb: {  	[smem:$0x3FAD] =	sst s3  }
0xc: {  	[smem:$0x3FAE] =	sst s4  }
0xd: {  	[smem:$0x3FAF] =	sst s5  }
0xe: {  	[smem:$0x3FB0] =	sst s6  }
0xf: {  	[smem:$0x3FB1] =	sst s7  }
0x10: {  	[smem:$0x3FB2] =	sst s8  }
0x11: {  	[smem:$0x3FB3] =	sst s9;
	s0 =	simm.s32 @!p0 $0x0  }
0x12: {  	s1 =	sld [smem:$0x3F99];
	s0 =	simm.s32 @p0 $0x1  }
0x13: {  	[smem:$0x3FB4] =	sst s0;
	s0 =	simm.s32 @!p1 $0x0  }
0x14: {  	s2 =	sld [smem:$0x3F98];
	s0 =	simm.s32 @p1 $0x1  }
0x15: {  	[smem:$0x3FB5] =	sst s0;
	s0 =	simm.s32 @!p2 $0x0  }
0x16: {  	s3 =	sld [smem:$0x3FDB];
	s0 =	simm.s32 @p2 $0x1  }
0x17: {  	s4 =	simm.s32 $0x1BF5;
	[smem:$0x3FB7] =	sst s0  }
0x18: {  	s0 =	sld [smem:$0x3F9A];
	_ =	swait.ge [sflag:s4], $0x0  }
0x19: {  	s7 =	sld [smem:$0x3F9B]  }
0x1a: {  	s8 =	sadd.s32 $0xFFFFE003, lr  }
0x1b: {  	s9 =	sadd.s32 $0xFFFFFEF7, lr;
	s5 =	simm.s32 $0xFFFFFFFF;
	p2 =	slt.u32 s8, $0xFFFFF086  }
0x1c: {  	p1 =	slt.u32 s9, $0xF7A;
	s5 =	simm.s32 @!p2 $0x0  }
0x1d: {  	s5 =	simm.s32 @p1 $0x1;
	p0 =	seq.s32 s7, s2  }
0x1e: {  	s7 =	smul.u32 @!p0 $0xF7A, s2;
	p2 =	seq.s32 @!p0 s5, $0x0  }
0x1f: {  	s9 =	smul.u32 $0xF7A, s1;
	s8 =	simm.s32 @!p0 $0x1BF5;
	p2 =	por !p2, p0  }
0x20: {  	[sflag:s8] =	ssyncset.s32 @!p0 $0xFFFFF086;
	s6 =	sadd.s32 @!p0 s3, s7;
	s7 =	simm.s32 @!p0 $0x108  }
0x21: {  	s3 =	sadd.s32 s3, s9;
	s6 =	sadd.s32 @!p0 $0x88, s6;
	s7 =	simm.s32 @p2 $0x1082  }
0x22: {  	[simem:s7], [sflag:s8] =	dma.local @!p0 [hbm:s6], $0xF7A  }
0x23: {  	s9 =	sor.u32 $0xD0000000, s2;
	s6 =	simm.s32 $0x108;
	_ =	swait.ge @!p0 [sflag:s8], $0x0  }
0x24: {  	s3 =	sadd.s32 $0x88, s3;
	s6 =	simm.s32 @!p1 $0x1082;
	[sflag:s4] =	ssyncset.s32 $0xFFFFF086  }
0x25: {  	[simem:s6], [sflag:s4] =	dma.local [hbm:s3], $0xF7A  }
0x26: {  	[smem:$0x3F9B] =	sst s1;
	(tag) =	ssettag s2;
	_ =	strace s9  }
0x27: {  	s1 =	sld [smem:$0x3FAB]  }
0x28: {  	s2 =	sld [smem:$0x3FAC]  }
0x29: {  	s4 =	sld [smem:$0x3FAE]  }
0x2a: {  	p0 =	seq.s32 s5, $0x0;
	s5 =	sld [smem:$0x3FAF]  }
0x2b: {  	s6 =	sld [smem:$0x3FB0]  }
0x2c: {  	s7 =	sld [smem:$0x3FB1]  }
0x2d: {  	s3 =	simm.s32 $0x108;
	s8 =	sld [smem:$0x3FB2]  }
0x2e: {  	s3 =	simm.s32 @!p0 $0x1082;
	s9 =	sld [smem:$0x3FB3]  }
0x2f: {  	lr =	sadd.s32 s0, s3;
	s0 =	sld [smem:$0x3FAA]  }
0x30: {  	s3 =	sld [smem:$0x3FAD]  }
0x31: {  	[smem:$0x3FB6] =	sst s10  }
0x32: {  	s10 =	sld [smem:$0x3FB4];
	_ =	sdelay $0x3  }
0x33: {  	p0 =	seq.s32 s10, $0x1;
	s10 =	sld [smem:$0x3FB6];
	_ =	sdelay $0x3  }
0x34: {  	[smem:$0x3FB6] =	sst s10  }
0x35: {  	s10 =	sld [smem:$0x3FB5];
	_ =	sdelay $0x3  }
0x36: {  	p1 =	seq.s32 s10, $0x1;
	s10 =	sld [smem:$0x3FB6];
	_ =	sdelay $0x3  }
0x37: {  	[smem:$0x3FB6] =	sst s10  }
0x38: {  	s10 =	sld [smem:$0x3FB7]  }
0x39: {  	_ = 	snop;
	(pc) =	sbr.ind lr, $3  }
0x3a: {  	_ = 	snop  }
0x3b: {  	_ = 	snop  }
0x3c: {  	p2 =	seq.s32 s10, $0x1;
	s10 =	sld [smem:$0x3FB6]  }
0x3d: {  	_ =	shalt  }
0x3e: {  	_ =	shalt  }
0x3f: {  	_ =	shalt  }
0x40: {  	_ =	shalt  }
0x41: {  	_ =	shalt  }
0x42: {  	_ =	shalt  }
0x43: {  	_ =	shalt  }
0x44: {  	_ =	shalt  }
0x45: {  	_ =	shalt  }
0x46: {  	_ =	shalt  }
0x47: {  	_ =	shalt  }
0x48: {  	_ =	shalt  }
0x49: {  	_ =	shalt  }
0x4a: {  	_ =	shalt  }
0x4b: {  	_ =	shalt  }
0x4c: {  	_ =	shalt  }
0x4d: {  	_ =	shalt  }
0x4e: {  	_ =	shalt  }
0x4f: {  	_ =	shalt  }
0x50: {  	_ =	shalt  }
0x51: {  	_ =	shalt  }
0x52: {  	_ =	shalt  }
0x53: {  	_ =	shalt  }
0x54: {  	_ =	shalt  }
0x55: {  	_ =	shalt  }
0x56: {  	_ =	shalt  }
0x57: {  	_ =	shalt  }
0x58: {  	_ =	shalt  }
0x59: {  	_ =	shalt  }
0x5a: {  	_ =	shalt  }
0x5b: {  	_ =	shalt  }
0x5c: {  	_ =	shalt  }
0x5d: {  	_ =	shalt  }
0x5e: {  	_ =	shalt  }
0x5f: {  	_ =	shalt  }
0x60: {  	_ =	shalt  }
0x61: {  	_ =	shalt  }
0x62: {  	_ =	shalt  }
0x63: {  	_ =	shalt  }
0x64: {  	_ =	shalt  }
0x65: {  	_ =	shalt  }
0x66: {  	_ =	shalt  }
0x67: {  	_ =	shalt  }
0x68: {  	_ =	shalt  }
0x69: {  	_ =	shalt  }
0x6a: {  	_ =	shalt  }
0x6b: {  	_ =	shalt  }
0x6c: {  	_ =	shalt  }
0x6d: {  	_ =	shalt  }
0x6e: {  	_ =	shalt  }
0x6f: {  	_ =	shalt  }
0x70: {  	_ =	shalt  }
0x71: {  	_ =	shalt  }
0x72: {  	_ =	shalt  }
0x73: {  	_ =	shalt  }
0x74: {  	_ =	shalt  }
0x75: {  	_ =	shalt  }
0x76: {  	_ =	shalt  }
0x77: {  	_ =	shalt  }
0x78: {  	_ =	shalt  }
0x79: {  	_ =	shalt  }
0x7a: {  	_ =	shalt  }
0x7b: {  	_ =	shalt  }
0x7c: {  	_ =	shalt  }
0x7d: {  	_ =	shalt  }
0x7e: {  	_ =	shalt  }
0x7f: {  	_ =	shalt  }
0x80: {  	_ =	shalt  }
0x81: {  	_ =	shalt  }
0x82: {  	_ =	shalt  }
0x83: {  	_ =	shalt  }
0x84: {  	_ =	shalt  }
0x85: {  	_ =	shalt  }
0x86: {  	_ =	shalt  }
0x87: {  	_ =	shalt  }
.Lfunc_end0:
.L_simem_size_0:
called_computation_lowered:
.L_overlay_start_0:
0x88: {  	s2 =	sld [smem:$0x3FD9]  }
0x89: {  	s3 =	sld [smem:$0x3FFE];
	_ =	sdelay $0x1  }
0x8a: {  	s1 =	srdreg.scid  }
0x8b: {  	s0 =	sand.u32 $0x1, s1  }
0x8c: {  	s16 =	sshll.u32 s0, $0xA;
	s2 =	sadd.s32 s3, s2  }
0x8d: {  	s2 =	sadd.s32 s2, s16  }
0x8e: {  	[smem:$0x3FC2] =	sst s2  }
0x8f: {  	_ = 	snop  }
0x90: {  	(tm) =	ssettm $0x1  }
0x91: {  	s17 =	sld [smem:$0x3FFB];
	_ =	sdelay $0x3  }
0x92: {  	_ =	strace s17  }
0x93: {  	s2 =	sld [smem:$0x3FFC];
	_ =	sdelay $0x3  }
0x94: {  	_ =	strace s2  }
0x95: {  	s2 =	sld [smem:$0x3FFD];
	_ =	sdelay $0x3  }
0x96: {  	_ =	strace s2  }
0x97: {  	_ =	strace $0x8FFFFFFF  }
0x98: {  	s18 =	sld [smem:$0x3FDB];
	_ =	sdelay $0x1  }
0x99: {  	s19 =	simm.s32 $_scs_section_size  }
0x9a: {  	s4 =	simm.s32 $_size__tile_overlayer_lowered;
	s5 =	simm.s32 $_tile_overlayer_lowered  }
0x9b: {  	s22 =	simm.s32 $0x1BFF;
	s21 =	sshll.u32 s5, $0x1;
	s2 =	sadd.s32 s19, s18  }
0x9c: {  	s6 =	simm.s32 $0x0;
	s20 =	sshll.u32 s4, $0x1;
	s4 =	sadd.s32 s21, s2  }
0x9d: {  	[timem:s6], [sflag:s22] =	dma.local [hbm:s4], s20  }
0x9e: {  	_ =	swait.ge [sflag:s22], s20  }
0x9f: {  	s3 =	ssub.s32 $0x0, s20;
	[sflag:s22] =	ssyncset.done $0x0  }
0xa0: {  	[sflag:s22] =	ssyncadd.s32 s3;
	_ =	sdelay $0x1  }
0xa1: {  	s23 =	simm.s32 $0x1B8B  }
0xa2: {  	_ =	swait.ge [sflag:s23], $0x1  }
0xa3: {  	[sflag:s23] =	ssyncset.done $0x0  }
0xa4: {  	s25 =	simm.s32 $0x1B8E;
	s24 =	sld [smem:$0x3FFE];
	[sflag:s23] =	ssyncadd.s32 $0xFFFFFFFF  }
0xa5: {  	s26 =	simm.s32 $execute0_lowered;
	[smem:$0x3FD2] =	sst s25  }
0xa6: {  	s4 =	sshll.u32 s26, $0x1;
	_ =	strace $0x80000046;
	[dreg:$0x1] =	wrdreg $0xFFFFFFFF  }
0xa7: {  	s28 =	simm.s32 $_size_execute0_lowered;
	s2 =	sadd.s32 s2, s4;
	[dreg:$0x0] =	wrdreg $0x0  }
0xa8: {  	s4 =	sshll.u32 s28, $0x1;
	[dreg:$0x2] =	wrdreg s2  }
0xa9: {  	[dreg:$0x3] =	wrdreg s4  }
0xaa: {  	[dreg:$0x4] =	wrdreg $0xC0  }
0xab: {  	_ =	task [dreg:s6], $0x5FFFF  }
0xac: {  	[dreg:$0x1] =	wrdreg $0xFFFFFFFF  }
0xad: {  	[dreg:$0x0] =	wrdreg $0x60  }
0xae: {  	[dreg:$0x2] =	wrdreg s24  }
0xaf: {  	[dreg:$0x3] =	wrdreg $0x9  }
0xb0: {  	_ =	task.clear_ibuf [dreg:s6], $0x4FFFF;
	_ =	strace $0x90000046  }
0xb1: {  	s29 =	simm.s32 $0x9;
	_ =	strace $0x80000048  }
0xb2: {  	_ =	swait.ge [sflag:s29], $0x1  }
0xb3: {  	[sflag:s29] =	ssyncadd.s32 $0xFFFFFFFF  }
0xb4: {  	_ =	strace $0x90000048  }
0xb5: {  	_ =	sfence  }
0xb6: {  	s30 =	sld [smem:$0x0];
	_ =	sdelay $0x2  }
0xb7: {  	s31 =	sshll.u32 s1, $0xD;
	s1 =	sshrl.u32 s1, $0x2  }
0xb8: {  	s3 =	sand.u32 $0x4000, s31;
	s1 =	sadd.s32 s1, s30  }
0xb9: {  	s0 =	sor.u32 s3, s0;
	s1 =	sshll.u32 s1, $0x11  }
0xba: {  	s0 =	sor.u32 s1, s0  }
0xbb: {  	s0 =	sadd.s32 $0x8F2B, s0  }
0xbc: {  	[sflag:s0] =	ssyncadd.remote.s32 $0x1  }
0xbd: {  	_ =	sfence.sel $0xFFFF  }
0xbe: {  	[dreg:$0x0] =	wrdreg $0xFFFFFFFF;
	(pc) =	sbr.abs _section_cstart, $3  }
0xbf: {  	[dreg:$0x1] =	wrdreg $0xFFFFFFFF  }
0xc0: {  	_ =	task.clear_ibuf [dreg:s6], $0x2FFFF;
	_ =	strace $0x9FFFFFFF  }
0xc1: {  	(tm) =	ssettm $0x7FFFFFFF  }
tec
execute0_lowered:
.L_overlay_start_1:
0x0: {  	(tag) =	ssettag $0x1  }
0x1: {  	s0 =	srdreg.scid;
	s3 =	stileid.u32  }
0x2: {  	s1 =	rddreg [dreg:$0x0];
	s6 =	simm.s32 $0x0;
	s8 =	simm.s32 $0x80  }
0x3: {  	s11 =	simm.s32 $0x48;
	s13 =	simm.s32 $0x8590;
	s14 =	simm.s32 $0x64C8  }
0x4: {  	s15 =	simm.s32 $0x9790;
	s16 =	simm.s32 $0x6548;
	s0 =	sand.u32 $0x1, s0  }
0x5: {  	s17 =	simm.s32 $0xB790;
	s3 =	sshll.u32 s3, $0x7;
	s2 =	sshll.u32 s0, $0xB  }
0x6: {  	s18 =	simm.s32 $0x1;
	s0 =	ssub.s32 $0x2, s0;
	s2 =	sor.u32 s3, s2  }
0x7: {  	[smem:$0x7FF] =	sst s6;
	s5 =	sshrl.u32 s0, $0x1;
	s3 =	smul.u32 $0x19, s2  }
0x8: {  	_ =	strace $0x80000047;
	s2 =	sshll.u32 s2, $0x3;
	s0 =	ssub.s32 s0, s5  }
0x9: {  	s0 =	smax.u32 s0, $0x1;
	s4 =	sadd.s32 s3, s1;
	s3 =	sadd.s32 $0x19200, s1  }
0xa: {  	s1 =	sadd.s32 s2, s1;
	[dreg:$0x4] =	wrdreg s0;
	s31 =	sadd.s32 $0x200, s4  }
0xb: {  	s19 =	simm.s32 $0x2;
	s1 =	sadd.s32 $0x7D9200, s1;
	[dreg:$0x2] =	wrdreg s31  }
0xc: {  	s2 =	simm.s32 $0x0;
	[dreg:$0x3] =	wrdreg s1;
	s1 =	simm.s32 $0x3  }
.LBB2_1:
0xd: {  	[dreg:$0x5] =	wrdreg s2  }
0xe: {  	s0 =	rddreg [dreg:$0x2]  }
0xf: {  	[tilespmem:s6], [sflag:$0x3] =	stream.linear.gather [hbm4b:s0+s6], $0x6400, $0x38;
	[tilespmem:$0xE990] =	vst v63  }
0x10: {  	_ =	swait.ge [sflag:s1], $0x6400  }
0x11: {  	[sflag:s1] =	ssyncset.done $0x0  }
0x12: {  	[sflag:s1] =	ssyncadd.s32 $0xFFFF9C00  }
0x13: {  	v0 =	vld [tilespmem:$0x0]  }
0x14: {  	v1 =	vld [tilespmem:$0x10]  }
0x15: {  	v3 =	vld [tilespmem:$0x20]  }
0x16: {  	v5 =	vld [tilespmem:$0x30]  }
0x17: {  	v21 =	vld [tilespmem:$0x40]  }
0x18: {  	v7 =	vld [tilespmem:$0x50]  }
0x19: {  	v8 =	vld [tilespmem:$0x60];
	v2 =	vshll.u32 v0, $0x1;
	v4 =	vand.u32 $0xFFFFC000, v0;
	v0 =	vshrl.u32 v0, $0xD  }
0x1a: {  	v28 =	vld [tilespmem:$0x70];
	v20 =	vshll.u32 v1, $0x1;
	v6 =	vand.u32 $0xFFFFC000, v1;
	v1 =	vshrl.u32 v1, $0xD  }
0x1b: {  	v10 =	vld [tilespmem:$0x80];
	v22 =	vshll.u32 v3, $0x1;
	v23 =	vand.u32 $0xFFFFC000, v3;
	v3 =	vshrl.u32 v3, $0xD  }
0x1c: {  	v11 =	vld [tilespmem:$0x90];
	v24 =	vshll.u32 v5, $0x1;
	v25 =	vand.u32 $0xFFFFC000, v5;
	v26 =	vshrl.u32 v5, $0xD  }
0x1d: {  	v37 =	vld [tilespmem:$0xA0];
	v27 =	vshll.u32 v21, $0x1;
	v9 =	vand.u32 $0xFFFFC000, v21;
	v30 =	vshll.u32 v7, $0x1  }
0x1e: {  	v44 =	vld [tilespmem:$0xB0];
	v31 =	vand.u32 $0xFFFFC000, v7;
	v7 =	vshrl.u32 v7, $0xD;
	v33 =	vshll.u32 v8, $0x1  }
0x1f: {  	v49 =	vld [tilespmem:$0xB8];
	v34 =	vand.u32 $0xFFFFC000, v8;
	v35 =	vshrl.u32 v8, $0xD;
	v36 =	vshll.u32 v28, $0x1  }
0x20: {  	v12 =	vand.u32 $0xFFFFC000, v28;
	v39 =	vshll.u32 v10, $0x1;
	v40 =	vand.u32 $0xFFFFC000, v10  }
0x21: {  	v41 =	vshrl.u32 v10, $0xD;
	v43 =	vshll.u32 v11, $0x1;
	v45 =	vand.u32 $0xFFFFC000, v11  }
0x22: {  	v47 =	vshrl.u32 v11, $0xD;
	v48 =	vshll.u32 v37, $0x1;
	v50 =	vand.u32 $0xFFFFC000, v37  }
0x23: {  	v51 =	vshrl.u32 v37, $0xD;
	v54 =	vshll.u32 v44, $0x1;
	v55 =	vand.u32 $0xFFFFC000, v44  }
0x24: {  	v56 =	vshrl.u32 v44, $0xD;
	v59 =	vshll.u32 v49, $0x1;
	v60 =	vand.u32 $0xFFFFC000, v49  }
0x25: {  	v61 =	vshrl.u32 v49, $0xD;
	v2 =	vand.u32 $0x3FFE, v2;
	v0 =	vand.u32 $0x1, v0  }
0x26: {  	v1 =	vand.u32 $0x1, v1;
	v3 =	vand.u32 $0x1, v3;
	v5 =	vand.u32 $0x3FFE, v27  }
0x27: {  	v32 =	vand.u32 $0x1, v7;
	v7 =	vand.u32 $0x3FFE, v33;
	v8 =	vand.u32 $0x3FFE, v36  }
0x28: {  	v42 =	vand.u32 $0x1, v41;
	v46 =	vand.u32 $0x3FFE, v43;
	v52 =	vand.u32 $0x1, v51  }
0x29: {  	v2 =	vor.u32 v4, v2;
	v4 =	vand.u32 $0x3FFE, v20;
	v5 =	vor.u32 v9, v5  }
0x2a: {  	v9 =	vshrl.u32 v28, $0xD;
	v8 =	vor.u32 v12, v8;
	v4 =	vor.u32 v6, v4  }
0x2b: {  	v0 =	vor.u32 v0, v2;
	v2 =	vand.u32 $0x3FFE, v22;
	v6 =	vshrl.u32 v21, $0xD  }
0x2c: {  	v9 =	vand.u32 $0x1, v9;
	v1 =	vor.u32 v1, v4;
	v2 =	vor.u32 v23, v2;
	[tilespmem:$0x6400] =	vst v0  }
0x2d: {  	v4 =	vand.u32 $0x3FFE, v24;
	v6 =	vand.u32 $0x1, v6;
	v38 =	vor.u32 v9, v8;
	[tilespmem:$0x6410] =	vst v1  }
0x2e: {  	v8 =	vand.u32 $0x3FFE, v39;
	v2 =	vor.u32 v3, v2;
	v3 =	vor.u32 v25, v4;
	[tilespmem:$0x6470] =	vst v38  }
0x2f: {  	v4 =	vand.u32 $0x1, v26;
	v29 =	vor.u32 v6, v5;
	v5 =	vand.u32 $0x3FFE, v30;
	[tilespmem:$0x6420] =	vst v2  }
0x30: {  	v6 =	vor.u32 v34, v7;
	v7 =	vand.u32 $0x1, v35;
	v3 =	vor.u32 v4, v3;
	[tilespmem:$0x6440] =	vst v29  }
0x31: {  	v0 =	vor.u32 v40, v8;
	v1 =	vor.u32 v45, v46;
	v6 =	vor.u32 v7, v6;
	[tilespmem:$0x6430] =	vst v3  }
0x32: {  	v5 =	vor.u32 v31, v5;
	v0 =	vor.u32 v42, v0;
	v3 =	vand.u32 $0x3FFE, v48;
	[tilespmem:$0x6460] =	vst v6  }
0x33: {  	v2 =	vand.u32 $0x1, v47;
	v5 =	vor.u32 v32, v5;
	[tilespmem:$0x6480] =	vst v0;
	v3 =	vor.u32 v50, v3  }
0x34: {  	v1 =	vor.u32 v2, v1;
	[tilespmem:$0x6450] =	vst v5;
	v53 =	vor.u32 v52, v3;
	v3 =	vand.u32 $0x3FFE, v54  }
0x35: {  	v58 =	vand.u32 $0x1, v56;
	v4 =	vand.u32 $0x3FFE, v59;
	[tilespmem:$0x6490] =	vst v1;
	v57 =	vor.u32 v55, v3  }
0x36: {  	v62 =	vand.u32 $0x1, v61;
	v1 =	vor.u32 v60, v4;
	[tilespmem:$0x64A0] =	vst v53;
	v0 =	vor.u32 v58, v57  }
0x37: {  	v63 =	vor.u32 v62, v1;
	[tilespmem:$0x64B0] =	vst v0  }
0x38: {  	s29 =	simm.s32 $0x6400;
	s30 =	simm.s32 $0x6590;
	[tilespmem:$0x64B8] =	vst v63  }
0x39: {  	[tilespmem:s30], [sflag:$0x1] =	stream.indirect.gather [hbm4b:s3+s8], $0x40, s29, s8, $0xb8;
	[tilespmem:$0xE990] =	vst v63  }
0x3a: {  	s31 =	simm.s32 $0x6480;
	s22 =	simm.s32 $0x0  }
0x3b: {  	[tilespmem:s13], [sflag:$0x1] =	stream.indirect.gather [hbm4b:s3+s11], $0x40, s31, s11, $0xb8;
	[tilespmem:$0xE990] =	vst v63  }
.LBB2_2:
0x3c: {  	s23 =	sshllo.u32 s22, $0x1  }
0x3d: {  	s0 =	smul.u32 $0x320, s23;
	_ =	sdelay $0x1  }
0x3e: {  	s24 =	sshra.s32 s0, $0x2  }
0x3f: {  	v0 =	vld [tilespmem:s24+$0x0];
	_ =	sdelay $0x4  }
0x40: {  	v1 =	vshll.u32 v0, $0x1  }
0x41: {  	v2 =	vand.u32 $0xFFFFC000, v0;
	v0 =	vshrl.u32 v0, $0xD;
	v1 =	vand.u32 $0x3FFE, v1  }
0x42: {  	v0 =	vand.u32 $0x1, v0;
	v1 =	vor.u32 v2, v1  }
0x43: {  	v0 =	vor.u32 v0, v1  }
0x44: {  	[tilespmem:$0x64C8] =	vst v0  }
0x45: {  	v0 =	vld [tilespmem:s24+$0x10];
	_ =	sdelay $0x4  }
0x46: {  	v1 =	vshll.u32 v0, $0x1  }
0x47: {  	v2 =	vand.u32 $0xFFFFC000, v0;
	v0 =	vshrl.u32 v0, $0xD;
	v1 =	vand.u32 $0x3FFE, v1  }
0x48: {  	v0 =	vand.u32 $0x1, v0;
	v1 =	vor.u32 v2, v1  }
0x49: {  	v0 =	vor.u32 v0, v1  }
0x4a: {  	[tilespmem:$0x64D8] =	vst v0  }
0x4b: {  	v0 =	vld [tilespmem:s24+$0x20];
	_ =	sdelay $0x4  }
0x4c: {  	v1 =	vshll.u32 v0, $0x1  }
0x4d: {  	v2 =	vand.u32 $0xFFFFC000, v0;
	v0 =	vshrl.u32 v0, $0xD;
	v1 =	vand.u32 $0x3FFE, v1  }
0x4e: {  	v0 =	vand.u32 $0x1, v0;
	v1 =	vor.u32 v2, v1  }
0x4f: {  	v0 =	vor.u32 v0, v1  }
0x50: {  	[tilespmem:$0x64E8] =	vst v0  }
0x51: {  	v0 =	vld [tilespmem:s24+$0x30];
	_ =	sdelay $0x4  }
0x52: {  	v1 =	vshll.u32 v0, $0x1  }
0x53: {  	v2 =	vand.u32 $0xFFFFC000, v0;
	v0 =	vshrl.u32 v0, $0xD;
	v1 =	vand.u32 $0x3FFE, v1  }
0x54: {  	v0 =	vand.u32 $0x1, v0;
	v1 =	vor.u32 v2, v1  }
0x55: {  	v0 =	vor.u32 v0, v1  }
0x56: {  	[tilespmem:$0x64F8] =	vst v0  }
0x57: {  	v0 =	vld [tilespmem:s24+$0x40];
	_ =	sdelay $0x4  }
0x58: {  	v1 =	vshll.u32 v0, $0x1  }
0x59: {  	v2 =	vand.u32 $0xFFFFC000, v0;
	v0 =	vshrl.u32 v0, $0xD;
	v1 =	vand.u32 $0x3FFE, v1  }
0x5a: {  	v0 =	vand.u32 $0x1, v0;
	v1 =	vor.u32 v2, v1  }
0x5b: {  	v0 =	vor.u32 v0, v1  }
0x5c: {  	[tilespmem:$0x6508] =	vst v0  }
0x5d: {  	v0 =	vld [tilespmem:s24+$0x50];
	_ =	sdelay $0x4  }
0x5e: {  	v1 =	vshll.u32 v0, $0x1  }
0x5f: {  	v2 =	vand.u32 $0xFFFFC000, v0;
	v0 =	vshrl.u32 v0, $0xD;
	v1 =	vand.u32 $0x3FFE, v1  }
0x60: {  	v0 =	vand.u32 $0x1, v0;
	v1 =	vor.u32 v2, v1  }
0x61: {  	v0 =	vor.u32 v0, v1  }
0x62: {  	[tilespmem:$0x6518] =	vst v0  }
0x63: {  	v0 =	vld [tilespmem:s24+$0x60];
	_ =	sdelay $0x4  }
0x64: {  	v1 =	vshll.u32 v0, $0x1  }
0x65: {  	v2 =	vand.u32 $0xFFFFC000, v0;
	v0 =	vshrl.u32 v0, $0xD;
	v1 =	vand.u32 $0x3FFE, v1  }
0x66: {  	v0 =	vand.u32 $0x1, v0;
	v1 =	vor.u32 v2, v1  }
0x67: {  	v0 =	vor.u32 v0, v1  }
0x68: {  	[tilespmem:$0x6528] =	vst v0  }
0x69: {  	v0 =	vld [tilespmem:s24+$0x70];
	_ =	sdelay $0x4  }
0x6a: {  	v1 =	vshll.u32 v0, $0x1  }
0x6b: {  	v2 =	vand.u32 $0xFFFFC000, v0;
	v0 =	vshrl.u32 v0, $0xD;
	v1 =	vand.u32 $0x3FFE, v1  }
0x6c: {  	v0 =	vand.u32 $0x1, v0;
	v1 =	vor.u32 v2, v1  }
0x6d: {  	v0 =	vor.u32 v0, v1  }
0x6e: {  	[tilespmem:$0x6538] =	vst v0  }
0x6f: {  	v0 =	vld [tilespmem:s24+$0x80];
	_ =	sdelay $0x4  }
0x70: {  	v1 =	vshll.u32 v0, $0x1  }
0x71: {  	v2 =	vand.u32 $0xFFFFC000, v0;
	v0 =	vshrl.u32 v0, $0xD;
	v1 =	vand.u32 $0x3FFE, v1  }
0x72: {  	v0 =	vand.u32 $0x1, v0;
	v1 =	vor.u32 v2, v1  }
0x73: {  	v0 =	vor.u32 v0, v1  }
0x74: {  	[tilespmem:$0x6548] =	vst v0  }
0x75: {  	v0 =	vld [tilespmem:s24+$0x90];
	_ =	sdelay $0x4  }
0x76: {  	v1 =	vshll.u32 v0, $0x1  }
0x77: {  	v2 =	vand.u32 $0xFFFFC000, v0;
	v0 =	vshrl.u32 v0, $0xD;
	v1 =	vand.u32 $0x3FFE, v1  }
0x78: {  	v0 =	vand.u32 $0x1, v0;
	v1 =	vor.u32 v2, v1  }
0x79: {  	v0 =	vor.u32 v0, v1  }
0x7a: {  	[tilespmem:$0x6558] =	vst v0  }
0x7b: {  	v0 =	vld [tilespmem:s24+$0xA0];
	_ =	sdelay $0x4  }
0x7c: {  	v1 =	vshll.u32 v0, $0x1  }
0x7d: {  	v2 =	vand.u32 $0xFFFFC000, v0;
	v0 =	vshrl.u32 v0, $0xD;
	v1 =	vand.u32 $0x3FFE, v1  }
0x7e: {  	v0 =	vand.u32 $0x1, v0;
	v1 =	vor.u32 v2, v1  }
0x7f: {  	v0 =	vor.u32 v0, v1  }
0x80: {  	[tilespmem:$0x6568] =	vst v0  }
0x81: {  	v0 =	vld [tilespmem:s24+$0xB0];
	_ =	sdelay $0x4  }
0x82: {  	v1 =	vshll.u32 v0, $0x1  }
0x83: {  	v2 =	vand.u32 $0xFFFFC000, v0;
	v0 =	vshrl.u32 v0, $0xD;
	v1 =	vand.u32 $0x3FFE, v1  }
0x84: {  	v0 =	vand.u32 $0x1, v0;
	v1 =	vor.u32 v2, v1  }
0x85: {  	v0 =	vor.u32 v0, v1  }
0x86: {  	[tilespmem:$0x6578] =	vst v0  }
0x87: {  	v0 =	vld [tilespmem:s24+$0xB8];
	_ =	sdelay $0x4  }
0x88: {  	v1 =	vshll.u32 v0, $0x1  }
0x89: {  	v2 =	vand.u32 $0xFFFFC000, v0;
	v0 =	vshrl.u32 v0, $0xD;
	v1 =	vand.u32 $0x3FFE, v1  }
0x8a: {  	v0 =	vand.u32 $0x1, v0;
	v1 =	vor.u32 v2, v1  }
0x8b: {  	v0 =	vor.u32 v0, v1  }
0x8c: {  	[tilespmem:$0x6580] =	vst v0  }
0x8d: {  	[tilespmem:s15], [sflag:$0x2] =	stream.indirect.gather [hbm4b:s3+s8], $0x40, s14, s8, $0xb8;
	[tilespmem:$0xE990] =	vst v63  }
0x8e: {  	_ = 	snop  }
0x8f: {  	[tilespmem:s17], [sflag:$0x2] =	stream.indirect.gather [hbm4b:s3+s11], $0x40, s16, s11, $0xb8;
	[tilespmem:$0xE990] =	vst v63  }
0x90: {  	_ =	swait.ge [sflag:s18], $0x2000  }
0x91: {  	[sflag:s18] =	ssyncset.done $0x0  }
0x92: {  	[sflag:s18] =	ssyncadd.s32 $0xFFFFE000  }
0x93: {  	_ =	swait.ge [sflag:s18], $0x1200  }
0x94: {  	[sflag:s18] =	ssyncset.done $0x0  }
0x95: {  	s1 =	simm.s32 $0x6690;
	[sflag:s18] =	ssyncadd.s32 $0xFFFFEE00  }
0x96: {  	v30 =	vld [tilespmem:s1+$0xFFFFFF00]  }
0x97: {  	v37 =	vld [tilespmem:s1+$0xFFFFFF10]  }
0x98: {  	v41 =	vld [tilespmem:s1+$0xFFFFFF50]  }
0x99: {  	v38 =	vld [tilespmem:s1+$0xFFFFFF20]  }
0x9a: {  	v35 =	vld [tilespmem:s1+$0xFFFFFF40]  }
0x9b: {  	v32 =	vld [tilespmem:s1+$0xFFFFFF30]  }
0x9c: {  	v36 =	vld [tilespmem:s1+$0xFFFFFF60];
	v0 =	vmul.f32 v30, v30;
	v1 =	vmul.f32 v37, v37  }
0x9d: {  	v34 =	vld [tilespmem:s1+$0xFFFFFF70]  }
0x9e: {  	v40 =	vld [tilespmem:s1+$0xFFFFFF90];
	v0 =	vadd.f32 v1, v0;
	v1 =	vmul.f32 v38, v38  }
0x9f: {  	v43 =	vld [tilespmem:s1+$0xFFFFFF80];
	v2 =	vmul.f32 v41, v41;
	v3 =	vmul.f32 v35, v35  }
0xa0: {  	v45 =	vld [tilespmem:s1+$0xFFFFFFA0];
	v0 =	vadd.f32 v1, v0;
	v1 =	vmul.f32 v32, v32  }
0xa1: {  	v8 =	vld [tilespmem:s1+$0xFFFFFFD0];
	v4 =	vmul.f32 v36, v36;
	v2 =	vadd.f32 v2, v3  }
0xa2: {  	v15 =	vld [tilespmem:s1+$0xFFFFFFC0];
	v0 =	vadd.f32 v1, v0  }
0xa3: {  	v46 =	vld [tilespmem:s1+$0xFFFFFFB0];
	v2 =	vadd.f32 v4, v2;
	v1 =	vmul.f32 v34, v34  }
0xa4: {  	v12 =	vld [tilespmem:s1+$0xFFFFFFE0];
	v3 =	vmul.f32 v40, v40;
	v4 =	vmul.f32 v43, v43;
	(xrf2) =	vadd.scan.msk.f32 $0xffff, v0  }
0xa5: {  	v0 =	vadd.f32 v1, v2  }
0xa6: {  	v23 =	vld [tilespmem:s1+$0xFFFFFFF0];
	v1 =	vadd.f32 v3, v4;
	v2 =	vmul.f32 v45, v45  }
0xa7: {  	v3 =	vmul.f32 v8, v8;
	(xrf2) =	vadd.scan.msk.f32 $0xffff, v0;
	v0 =	vmul.f32 v15, v15  }
0xa8: {  	v1 =	vadd.f32 v2, v1;
	v2 =	vmul.f32 v46, v46  }
0xa9: {  	v18 =	vld [tilespmem:s1+$0x10];
	v0 =	vadd.f32 v3, v0;
	v3 =	vmul.f32 v12, v12  }
0xaa: {  	v11 =	vld [tilespmem:s1+$0x0];
	v1 =	vadd.f32 v2, v1  }
0xab: {  	v7 =	vld [tilespmem:s1+$0x20];
	v2 =	vmul.f32 v23, v23;
	v0 =	vadd.f32 v3, v0  }
0xac: {  	v21 =	vld [tilespmem:s1+$0x30]  }
0xad: {  	v19 =	vld [tilespmem:s1+$0x40];
	(xrf2) =	vadd.scan.msk.f32 $0xffff, v1;
	v0 =	vadd.f32 v2, v0  }
0xae: {  	v3 =	vld [tilespmem:s1+$0x50];
	v1, _, _ =	vpop (xrf2)  }
0xaf: {  	(xrf2) =	vadd.scan.msk.f32 $0xffff, v0;
	v0 =	vmul.f32 v18, v18;
	(v2sf) =	vpush v1, $0xF;
	v1 =	vmul.f32 v11, v11;
	_ =	sdelay $0x1  }
0xb0: {  	v13 =	vld [tilespmem:s1+$0x60];
	v2, _, _ =	vpop (xrf2);
	v0 =	vadd.f32 v0, v1;
	v1 =	vmul.f32 v7, v7  }
0xb1: {  	v4 =	vmul.f32 v19, v19;
	(v2sf) =	vpush v2, $0xF  }
0xb2: {  	v16 =	vld [tilespmem:s1+$0x70];
	v2 =	vmul.f32 v3, v3;
	v0 =	vadd.f32 v1, v0;
	v1 =	vmul.f32 v21, v21;
	_ =	sdelay $0x1  }
0xb3: {  	v2 =	vadd.f32 v2, v4  }
0xb4: {  	v5 =	vld [tilespmem:s1+$0x90];
	v4 =	vmul.f32 v13, v13;
	v0 =	vadd.f32 v1, v0  }
0xb5: {  	v20 =	vld [tilespmem:s1+$0x80];
	v1, _, _ =	vpop (xrf2)  }
0xb6: {  	(xrf2) =	vadd.scan.msk.f32 $0xffff, v0;
	v0 =	vadd.f32 v4, v2;
	(v2sf) =	vpush v1, $0xF;
	v1 =	vmul.f32 v16, v16  }
0xb7: {  	v9 =	vld [tilespmem:s1+$0xA0];
	v2, _, _ =	vpop (xrf2)  }
0xb8: {  	v6 =	vld [tilespmem:s1+$0xD0];
	(v2sf) =	vpush v2, $0xF;
	v0 =	vadd.f32 v1, v0  }
0xb9: {  	v1 =	vld [tilespmem:s1+$0xC0]  }
0xba: {  	v24 =	vld [tilespmem:s1+$0xB0];
	v2 =	vmul.f32 v20, v20;
	(xrf2) =	vadd.scan.msk.f32 $0xffff, v0;
	v0 =	vmul.f32 v5, v5;
	_ =	sdelay $0x1  }
0xbb: {  	s5 =	spop (v2sf);
	v0 =	vadd.f32 v0, v2;
	v2 =	vld [tilespmem:s1+$0xE0]  }
0xbc: {  	v4 =	vmul.f32 v9, v9;
	s6 =	sshra.s32 s5, $0x1;
	s2 =	smul.f32 $5.000000000e-01, s5  }
0xbd: {  	v17 =	vld [tilespmem:s1+$0xF0];
	v25 =	vmul.f32 v6, v6;
	v22 =	vmul.f32 v1, v1;
	s0 =	ssub.s32 $0x5F3759DF, s6  }
0xbe: {  	v14 =	vmul.f32 v24, v24;
	v4 =	vadd.f32 v4, v0;
	s4 =	smul.f32 s0, s2;
	s2 =	spop (v2sf)  }
0xbf: {  	s24 =	simm.s32 $0x6890;
	v10, _, _ =	vpop (xrf2);
	v22 =	vadd.f32 v25, v22;
	s7 =	sshra.s32 s2, $0x1;
	s20 =	smul.f32 $5.000000000e-01, s2  }
0xc0: {  	v0 =	vld [tilespmem:s24+$0xFFFFFF50];
	(v2sf) =	vpush v10, $0xF;
	v26 =	vadd.f32 v14, v4;
	s4 =	smul.f32 s0, s4;
	s25 =	ssub.s32 $0x5F3759DF, s7;
	v27 =	vmul.f32 v2, v2  }
0xc1: {  	v25 =	vld [tilespmem:s24+$0xFFFFFF00];
	s1 =	smul.f32 s25, s20  }
0xc2: {  	v28 =	vmul.f32 v17, v17;
	v10 =	vld [tilespmem:s24+$0xFFFFFF40];
	(xrf2) =	vadd.scan.msk.f32 $0xffff, v26;
	s9 =	ssub.f32 $1.500000000e+00, s4;
	v26 =	vadd.f32 v27, v22  }
0xc3: {  	v4 =	vld [tilespmem:s24+$0xFFFFFF10];
	s1 =	smul.f32 s25, s1  }
0xc4: {  	v14 =	vld [tilespmem:s24+$0xFFFFFF60];
	v22, _, _ =	vpop (xrf2);
	s10 =	spop (v2sf);
	s0 =	smul.f32 s0, s9;
	v26 =	vadd.f32 v28, v26  }
0xc5: {  	v27 =	vld [tilespmem:s24+$0xFFFFFF20];
	(v2sf) =	vpush v22, $0xF;
	s12 =	smul.f32 $5.000000000e-01, s10;
	s26 =	ssub.f32 $1.500000000e+00, s1  }
0xc6: {  	v31 =	vld [tilespmem:s24+$0xFFFFFF30];
	s21 =	spop (v2sf);
	s1 =	smul.f32 $5.000000000e+00, s0;
	(xrf2) =	vadd.scan.msk.f32 $0xffff, v26  }
0xc7: {  	v22 =	vld [tilespmem:s24+$0xFFFFFF70];
	v28 =	vmul.f32 v0, v0;
	v29 =	vmul.f32 v10, v10;
	s28 =	sshra.s32 s10, $0x1;
	s29 =	smul.f32 $5.000000000e-01, s21  }
0xc8: {  	v33 =	vmul.f32 v25, v25;
	v39 =	vmul.f32 v4, v4;
	s28 =	ssub.s32 $0x5F3759DF, s28;
	v26 =	vld [tilespmem:s24+$0xFFFFFF90];
	s25 =	smul.f32 s25, s26  }
0xc9: {  	p0 =	sgt.f32 s5, $2.500000000e+01;
	v42 =	vmul.f32 v14, v14;
	v29 =	vadd.f32 v28, v29;
	v28 =	vld [tilespmem:s24+$0xFFFFFF80];
	s7 =	sshra.s32 s21, $0x1;
	s6 =	smul.f32 s28, s12  }
0xca: {  	v39 =	vadd.f32 v39, v33;
	v44 =	vmul.f32 v27, v27;
	s20 =	ssub.s32 $0x5F3759DF, s7;
	s25 =	smul.f32 $5.000000000e+00, s25  }
0xcb: {  	v57 =	vmul.f32 v31, v31;
	v33 =	vimm.f32 $0.0e+00;
	s1 =	simm.s32 @!p0 $0x3F800000;
	v42 =	vadd.f32 v42, v29;
	v29 =	vld [tilespmem:s24+$0xFFFFFFA0];
	p0 =	sgt.f32 s2, $2.500000000e+01;
	s5 =	smul.f32 s28, s6  }
0xcc: {  	s9 =	smul.f32 s20, s29;
	v47 =	vmul.f32 v22, v22;
	v56 =	vadd.f32 v44, v39;
	v59 =	vmul.f32 s1, v30;
	v30 =	vld [tilespmem:s24+$0xFFFFFFB0];
	v60, _, _ =	vpop (xrf2)  }
0xcd: {  	v58 =	vmul.f32 s1, v32;
	v32 =	vld [tilespmem:s24+$0xFFFFFFD0];
	s5 =	ssub.f32 $1.500000000e+00, s5;
	s25 =	simm.s32 @!p0 $0x3F800000;
	v61 =	vmul.f32 v26, v26;
	(v2sf) =	vpush v60, $0xF  }
0xce: {  	s2 =	smul.f32 s20, s9;
	v50 =	vadd.f32 v57, v56;
	v51 =	vmul.f32 v28, v28;
	v52 =	vmul.f32 s25, v35;
	v35 =	vld [tilespmem:s24+$0xFFFFFFC0]  }
0xcf: {  	v48 =	vmul.f32 s1, v38;
	v49 =	vadd.f32 v47, v42;
	v42 =	vmul.f32 s25, v34;
	v34 =	vld [tilespmem:s24+$0xFFFFFFE0];
	s5 =	smul.f32 s28, s5;
	s26 =	spop (v2sf)  }
0xd0: {  	v38 =	vadd.f32 v58, v33;
	p0 =	sgt.f32 s10, $2.500000000e+01;
	v62 =	vadd.f32 v61, v51;
	v63 =	vmul.f32 v29, v29;
	(xrf2) =	vadd.scan.msk.f32 $0xffff, v50;
	s10 =	sshra.s32 s26, $0x1;
	s28 =	smul.f32 $5.000000000e-01, s26;
	v56, _, _ =	vpop (xrf2)  }
0xd1: {  	v53 =	vadd.f32 v59, v33;
	v47 =	vmul.f32 s1, v37;
	s2 =	ssub.f32 $1.500000000e+00, s2;
	s5 =	smul.f32 $5.000000000e+00, s5;
	s31 =	ssub.s32 $0x5F3759DF, s10;
	(v2sf) =	vpush v56, $0xF  }
0xd2: {  	v36 =	vmul.f32 s25, v36;
	v58 =	vmul.f32 v30, v30;
	v57 =	vadd.f32 v63, v62;
	s4 =	smul.f32 s31, s28  }
0xd3: {  	p1 =	sgt.f32 s21, $2.500000000e+01;
	v44 =	vld [tilespmem:s24+$0xFFFFFFF0];
	v39 =	vadd.f32 v48, v33;
	v41 =	vmul.f32 s25, v41;
	v54 =	vmul.f32 v32, v32;
	s12 =	smul.f32 s20, s2;
	(xrf2) =	vadd.scan.msk.f32 $0xffff, v49  }
0xd4: {  	s5 =	simm.s32 @!p0 $0x3F800000;
	v48 =	vadd.f32 v58, v57;
	v59 =	vmul.f32 v35, v35;
	v51 =	vmul.f32 v34, v34;
	s20 =	smul.f32 s31, s4;
	s28 =	spop (v2sf)  }
0xd5: {  	v37 =	vld [tilespmem:s24+$0x10];
	s25 =	simm.s32 $0x8;
	v63 =	vadd.f32 v52, v53;
	v62 =	vmul.f32 s5, v43;
	v43 =	vmul.f32 s5, v40;
	s21 =	sshra.s32 s28, $0x1;
	s0 =	smul.f32 $5.000000000e-01, s28  }
0xd6: {  	s29 =	smul.f32 $5.000000000e+00, s12;
	v45 =	vmul.f32 s5, v45;
	v40 =	vld [tilespmem:s24+$0x0];
	v46 =	vmul.f32 s5, v46;
	v49 =	vadd.f32 v54, v59;
	(xrf2) =	vadd.scan.msk.f32 $0xffff, v48;
	s1 =	ssub.f32 $1.500000000e+00, s20;
	s30 =	ssub.s32 $0x5F3759DF, s21  }
.LBB2_3:
0xd7: {  	s25 =	sadd.s32 $0x8, s25;
	v48 =	vadd.f32 v62, v63;
	s0 =	smul.f32 s30, s0  }
0xd8: {  	p0 =	slt.u32 s25, $0xC0;
	v49 =	vadd.f32 v51, v49;
	v50 =	vmul.f32 v44, v44;
	v51 =	vld [tilespmem:s24+$0x20];
	s29 =	simm.s32 @!p1 $0x3F800000;
	s1 =	smul.f32 s31, s1  }
0xd9: {  	v52 =	vmul.f32 s29, v15;
	v53 =	vmul.f32 s29, v23;
	s2 =	smul.f32 s30, s0;
	v15 =	vmovc v35;
	v23 =	vmov v44  }
0xda: {  	p1 =	sgt.f32 s26, $2.500000000e+01;
	v35 =	vmul.f32 s29, v8;
	v44 =	vadd.f32 v50, v49;
	v49 =	vmul.f32 v37, v37;
	v50 =	vld [tilespmem:s24+$0x50];
	v54, _, _ =	vpop (xrf2)  }
0xdb: {  	v8 =	vmovc v32;
	s4 =	smul.f32 $5.000000000e+00, s1;
	v55 =	vld [tilespmem:s24+$0x30];
	v56 =	vmul.f32 v40, v40;
	(v2sf) =	vpush v54, $0xF;
	v48 =	vadd.f32 v52, v48  }
0xdc: {  	v32 =	vld [tilespmem:s24+$0x40];
	(xrf2) =	vadd.scan.msk.f32 $0xffff, v44;
	v44 =	vmul.f32 s29, v12;
	s0 =	spop (v2sf);
	v12 =	vmov v34  }
0xdd: {  	s2 =	ssub.f32 $1.500000000e+00, s2;
	v34 =	vadd.f32 v49, v56;
	v49 =	vmul.f32 v51, v51;
	v52, _, _ =	vpop (xrf2);
	s1 =	sshra.s32 s0, $0x1;
	s5 =	smul.f32 $5.000000000e-01, s0  }
0xde: {  	s4 =	simm.s32 @!p1 $0x3F800000;
	v54 =	vld [tilespmem:s24+$0x60];
	(v2sf) =	vpush v52, $0xF;
	s1 =	ssub.s32 $0x5F3759DF, s1  }
0xdf: {  	s2 =	smul.f32 s30, s2;
	v52 =	vmul.f32 s4, v18;
	v18 =	vmovc v37;
	v34 =	vadd.f32 v49, v34;
	v49 =	vmul.f32 v50, v50  }
0xe0: {  	v58 =	vmul.f32 s4, v21;
	s5 =	smul.f32 s1, s5;
	v37 =	vmul.f32 v55, v55;
	v56 =	vld [tilespmem:s24+$0x90];
	v57, _, _ =	vpop (xrf2);
	s26 =	spop (v2sf);
	v21 =	vmov v55  }
0xe1: {  	p1 =	sgt.f32 s28, $2.500000000e+01;
	s2 =	smul.f32 $5.000000000e+00, s2;
	v55 =	vld [tilespmem:s24+$0x70];
	v59 =	vmul.f32 v32, v32;
	(v2sf) =	vpush v57, $0xF;
	v57 =	vmul.f32 s4, v11;
	s20 =	sshra.s32 s26, $0x1;
	v11 =	vmovc v40  }
0xe2: {  	v33 =	vadd.f32 v47, v33;
	v47 =	vmul.f32 s4, v7;
	v7 =	vmovc v51;
	s4 =	smul.f32 $5.000000000e-01, s26;
	v34 =	vadd.f32 v37, v34;
	v40 =	vld [tilespmem:s24+$0x80]  }
0xe3: {  	s2 =	simm.s32 @!p1 $0x3F800000;
	s5 =	smul.f32 s1, s5;
	s20 =	ssub.s32 $0x5F3759DF, s20;
	v37 =	vadd.f32 v49, v59;
	v49 =	vmul.f32 v54, v54;
	v48 =	vadd.f32 v57, v48  }
0xe4: {  	s4 =	smul.f32 s20, s4;
	v51 =	vld [tilespmem:s24+$0xA0];
	(xrf2) =	vadd.scan.msk.f32 $0xffff, v34;
	v34 =	vadd.f32 v42, v38;
	v38 =	vmul.f32 s2, v19;
	v42 =	vmul.f32 s2, v3;
	v3 =	vmovc v50  }
0xe5: {  	s5 =	ssub.f32 $1.500000000e+00, s5;
	v50 =	vmul.f32 s2, v13;
	v19 =	vmovc v32;
	v13 =	vmovc v54;
	v37 =	vadd.f32 v49, v37;
	v49 =	vmul.f32 v56, v56  }
0xe6: {  	v32 =	vmul.f32 v55, v55;
	v54 =	vld [tilespmem:s24+$0xB0];
	v57, _, _ =	vpop (xrf2);
	v38 =	vadd.f32 v38, v48;
	v48 =	vmul.f32 s2, v16;
	s2 =	smul.f32 s20, s4  }
0xe7: {  	v36 =	vadd.f32 v36, v39;
	v16 =	vmovc v55;
	s4 =	smul.f32 s1, s5;
	v59 =	vmul.f32 v40, v40;
	(v2sf) =	vpush v57, $0xF  }
0xe8: {  	p1 =	sgt.f32 s0, $2.500000000e+01;
	v34 =	vadd.f32 v46, v34;
	v32 =	vadd.f32 v32, v37;
	v39 =	vld [tilespmem:s24+$0xC0];
	s0 =	ssub.f32 $1.500000000e+00, s2  }
0xe9: {  	v33 =	vadd.f32 v41, v33;
	s29 =	smul.f32 $5.000000000e+00, s4;
	v37 =	vadd.f32 v49, v59;
	v46 =	vmul.f32 v51, v51;
	v49 =	vld [tilespmem:s24+$0xD0]  }
0xea: {  	v34 =	vadd.f32 v53, v34;
	s1 =	spop (v2sf);
	(xrf2) =	vadd.scan.msk.f32 $0xffff, v32;
	v32 =	vadd.f32 v45, v36;
	s30 =	smul.f32 s20, s0  }
0xeb: {  	v33 =	vadd.f32 v43, v33;
	p2 =	sgt.f32 s26, $2.500000000e+01;
	s2 =	sshra.s32 s1, $0x1;
	s4 =	smul.f32 $5.000000000e-01, s1;
	v36 =	vadd.f32 v46, v37;
	v37 =	vmul.f32 v54, v54;
	v41 =	vld [tilespmem:s24+$0xE0]  }
0xec: {  	v43 =	vadd.f32 v58, v34;
	s29 =	simm.s32 @!p1 $0x3F800000;
	s2 =	ssub.s32 $0x5F3759DF, s2;
	v32 =	vadd.f32 v44, v32;
	s26 =	smul.f32 $5.000000000e+00, s30  }
0xed: {  	v33 =	vadd.f32 v35, v33;
	s0 =	smul.f32 s2, s4;
	v36 =	vadd.f32 v37, v36;
	v44 =	vld [tilespmem:s24+$0xF0];
	v45 =	vmul.f32 v39, v39;
	s24 =	sadd.s32 $0x200, s24;
	s4 =	spop (v2sf)  }
0xee: {  	v43 =	vadd.f32 v48, v43;
	v48 =	vmul.f32 s29, v20;
	v34 =	vld [tilespmem:s24+$0xFFFFFF60];
	s5 =	sshra.s32 s4, $0x1;
	s20 =	smul.f32 $5.000000000e-01, s4;
	v35 =	vmul.f32 v49, v49;
	v46, _, _ =	vpop (xrf2)  }
0xef: {  	v33 =	vadd.f32 v52, v33;
	v20 =	vmovc v40;
	v37 =	vld [tilespmem:s24+$0xFFFFFF50];
	s0 =	smul.f32 s2, s0;
	s5 =	ssub.s32 $0x5F3759DF, s5;
	(v2sf) =	vpush v46, $0xF;
	(xrf2) =	vadd.scan.msk.f32 $0xffff, v36;
	v36 =	vmul.f32 s29, v24  }
0xf0: {  	v32 =	vadd.f32 v47, v32;
	v24 =	vmovc v54;
	v46 =	vld [tilespmem:s24+$0xFFFFFF40];
	s31 =	smul.f32 s5, s20;
	v35 =	vadd.f32 v35, v45;
	v45 =	vmul.f32 v41, v41;
	s28 =	spop (v2sf)  }
0xf1: {  	v33 =	vadd.f32 v42, v33;
	v42 =	vmul.f32 s29, v5;
	v52 =	vmul.f32 s29, v9;
	v5 =	vmovc v56;
	v9 =	vmovc v51;
	v47 =	vld [tilespmem:s24+$0xFFFFFF00];
	s6 =	ssub.f32 $1.500000000e+00, s0;
	s0 =	sshra.s32 s28, $0x1;
	s20 =	smul.f32 $5.000000000e-01, s28  }
0xf2: {  	v32 =	vadd.f32 v50, v32;
	v40 =	vld [tilespmem:s24+$0xFFFFFF10];
	s29 =	smul.f32 s5, s31;
	s0 =	ssub.s32 $0x5F3759DF, s0;
	v35 =	vadd.f32 v45, v35;
	v53 =	vmul.f32 v44, v44  }
0xf3: {  	v33 =	vadd.f32 v42, v33;
	s26 =	simm.s32 @!p2 $0x3F800000;
	v50 =	vld [tilespmem:s24+$0xFFFFFF70]  }
0xf4: {  	v38 =	vadd.f32 v48, v38;
	v55 =	vmul.f32 s26, v17;
	v32 =	vadd.f32 v52, v32;
	s2 =	smul.f32 s2, s6  }
0xf5: {  	p1 =	sgt.f32 s1, $2.500000000e+01;
	v51 =	vmul.f32 v34, v34;
	v42 =	vld [tilespmem:s24+$0xFFFFFF20];
	v48 =	vmul.f32 v37, v37;
	v35 =	vadd.f32 v53, v35;
	v45, _, _ =	vpop (xrf2);
	s6 =	ssub.f32 $1.500000000e+00, s29  }
0xf6: {  	v53 =	vmul.f32 v46, v46;
	(v2sf) =	vpush v45, $0xF;
	s1 =	smul.f32 $5.000000000e+00, s2;
	v52 =	vmul.f32 v47, v47  }
0xf7: {  	v45 =	vld [tilespmem:s24+$0xFFFFFF30];
	s2 =	spop (v2sf);
	(xrf2) =	vadd.scan.msk.f32 $0xffff, v35;
	v35 =	vadd.f32 v36, v43;
	v36 =	vmul.f32 s26, v6;
	v6 =	vmovc v49;
	v49 =	vmul.f32 s26, v1;
	s5 =	smul.f32 s5, s6  }
0xf8: {  	v1 =	vmovc v39;
	v43 =	vmul.f32 v40, v40;
	v48 =	vadd.f32 v48, v53;
	s29 =	sshra.s32 s2, $0x1;
	s30 =	smul.f32 $5.000000000e-01, s2;
	s1 =	simm.s32 @!p1 $0x3F800000;
	v39 =	vmul.f32 v50, v50  }
0xf9: {  	p2 =	sgt.f32 s4, $2.500000000e+01;
	s6 =	smul.f32 s0, s20;
	v53 =	vld [tilespmem:s24+$0xFFFFFF90];
	s4 =	ssub.s32 $0x5F3759DF, s29;
	v33 =	vadd.f32 v36, v33;
	v36 =	vmul.f32 s26, v2;
	v2 =	vmovc v41;
	v56 =	vmul.f32 s1, v31  }
0xfa: {  	s5 =	smul.f32 $5.000000000e+00, s5;
	v49 =	vadd.f32 v49, v38;
	v41 =	vadd.f32 v43, v52;
	v43 =	vmul.f32 v42, v42;
	v52 =	vld [tilespmem:s24+$0xFFFFFF80];
	v54, _, _ =	vpop (xrf2)  }
0xfb: {  	v17 =	vmovc v44;
	s6 =	smul.f32 s0, s6;
	v48 =	vadd.f32 v51, v48;
	v51 =	vmul.f32 s1, v27;
	v27 =	vmovc v42;
	v44 =	vadd.f32 v36, v32  }
0xfc: {  	s20 =	smul.f32 s4, s30;
	s5 =	simm.s32 @!p2 $0x3F800000;
	v41 =	vadd.f32 v43, v41;
	v42 =	vmul.f32 v45, v45;
	v57 =	vld [tilespmem:s24+$0xFFFFFFA0];
	v43 =	vadd.f32 v55, v35;
	v31 =	vmovc v45  }
0xfd: {  	s6 =	ssub.f32 $1.500000000e+00, s6;
	v45 =	vadd.f32 v39, v48;
	v39 =	vmul.f32 s1, v25;
	v25 =	vmovc v47;
	v55 =	vmul.f32 s5, v10  }
0xfe: {  	s20 =	smul.f32 s4, s20;
	v41 =	vadd.f32 v42, v41;
	v48 =	vld [tilespmem:s24+$0xFFFFFFB0];
	v58 =	vmul.f32 v53, v53;
	(v2sf) =	vpush v54, $0xF  }
0xff: {  	v10 =	vmov v46;
	v36 =	vmul.f32 s5, v14;
	s0 =	smul.f32 s0, s6;
	v54 =	vmul.f32 v52, v52;
	v32 =	vld [tilespmem:s24+$0xFFFFFFD0];
	s26 =	spop (v2sf)  }
0x100: {  	p2 =	sgt.f32 s28, $2.500000000e+01;
	v14 =	vmovc v34;
	v38 =	vadd.f32 v56, v43;
	v42 =	vmul.f32 s5, v22;
	v22 =	vmovc v50;
	v49 =	vadd.f32 v39, v49;
	v35 =	vld [tilespmem:s24+$0xFFFFFFC0];
	s6 =	sshra.s32 s26, $0x1;
	s28 =	smul.f32 $5.000000000e-01, s26  }
0x101: {  	v43 =	vadd.f32 v58, v54;
	v46 =	vmul.f32 v57, v57;
	(xrf2) =	vadd.scan.msk.f32 $0xffff, v41;
	v47, _, _ =	vpop (xrf2);
	v41 =	vmul.f32 s5, v0;
	s5 =	smul.f32 $5.000000000e+00, s0;
	s31 =	ssub.s32 $0x5F3759DF, s6  }
0x102: {  	v39 =	vadd.f32 v51, v44;
	s0 =	ssub.f32 $1.500000000e+00, s20;
	v0 =	vmovc v37;
	v34 =	vld [tilespmem:s24+$0xFFFFFFE0];
	(v2sf) =	vpush v47, $0xF;
	v47 =	vmul.f32 s1, v4;
	s1 =	smul.f32 s31, s28  }
.Ltmp0:
0x103: {  	p1 =	sgt.f32 s2, $2.500000000e+01;
	v37 =	vadd.f32 v46, v43;
	v43 =	vmul.f32 v48, v48;
	(pc) =	sbr.rel @p0 .LBB2_3-.Ltmp0, $4  }
0x104: {  	v4 =	vmov v40;
	s5 =	simm.s32 @!p2 $0x3F800000;
	s2 =	smul.f32 s4, s0;
	v44 =	vld [tilespmem:s24+$0xFFFFFFF0];
	v46 =	vmul.f32 v32, v32;
	(xrf2) =	vadd.scan.msk.f32 $0xffff, v45  }
0x105: {  	v62 =	vmul.f32 s5, v28;
	s1 =	smul.f32 s31, s1;
	v28 =	vmovc v52;
	v50 =	vadd.f32 v43, v37;
	v40 =	vmul.f32 v35, v35;
	s28 =	spop (v2sf)  }
0x106: {  	v63 =	vadd.f32 v55, v49;
	v45 =	vmul.f32 s5, v29;
	v29 =	vmovc v57;
	v43 =	vmul.f32 s5, v26;
	v26 =	vmovc v53;
	v37 =	vld [tilespmem:s24+$0x10];
	s4 =	sshra.s32 s28, $0x1;
	s0 =	smul.f32 $5.000000000e-01, s28  }
0x107: {  	s29 =	smul.f32 $5.000000000e+00, s2;
	s1 =	ssub.f32 $1.500000000e+00, s1;
	v49 =	vadd.f32 v46, v40;
	v51 =	vmul.f32 v34, v34;
	v40 =	vld [tilespmem:s24+$0x0];
	(xrf2) =	vadd.scan.msk.f32 $0xffff, v50;
	v46 =	vmul.f32 s5, v30;
	s30 =	ssub.s32 $0x5F3759DF, s4;
	v30 =	vmovc v48  }
0x108: {  	_ = 	snop  }
0x109: {  	v48 =	vld [tilespmem:s24+$0x20];
	_ =	sdelay $0x1  }
0x10a: {  	v50 =	vld [tilespmem:s24+$0x30]  }
0x10b: {  	v52 =	vmul.f32 v37, v37;
	v53 =	vmul.f32 v40, v40;
	_ =	sdelay $0x1  }
0x10c: {  	v55 =	vmul.f32 v48, v48;
	v53 =	vadd.f32 v52, v53  }
0x10d: {  	v58 =	vld [tilespmem:s24+$0x50];
	v49 =	vadd.f32 v51, v49;
	v57 =	vmul.f32 v44, v44;
	v54, _, _ =	vpop (xrf2)  }
0x10e: {  	(v2sf) =	vpush v54, $0xF;
	v59 =	vmul.f32 v50, v50;
	v52 =	vld [tilespmem:s24+$0x40];
	v53 =	vadd.f32 v55, v53  }
0x10f: {  	s0 =	smul.f32 s30, s0;
	v51 =	vadd.f32 v57, v49  }
0x110: {  	v61 =	vld [tilespmem:s24+$0x60];
	s1 =	smul.f32 s31, s1;
	v53 =	vadd.f32 v59, v53  }
0x111: {  	s2 =	smul.f32 s30, s0;
	(xrf2) =	vadd.scan.msk.f32 $0xffff, v51;
	v60, _, _ =	vpop (xrf2)  }
0x112: {  	s25 =	smul.f32 $5.000000000e+00, s1;
	[tilespmem:$0x1FFC0] =	vst v50;
	v50, _, _ =	vpop (xrf2);
	(xrf2) =	vadd.scan.msk.f32 $0xffff, v53  }
0x113: {  	v54 =	vld [tilespmem:s24+$0x70];
	s2 =	ssub.f32 $1.500000000e+00, s2;
	s31 =	spop (v2sf);
	v56 =	vmul.f32 v58, v58;
	(v2sf) =	vpush v60, $0xF;
	v57 =	vmul.f32 v52, v52  }
0x114: {  	s20 =	sshra.s32 s31, $0x1;
	s4 =	smul.f32 $5.000000000e-01, s31;
	v55 =	vld [tilespmem:s24+$0x80]  }
0x115: {  	[tilespmem:$0x1FFE0] =	vst v58;
	v58 =	vmul.f32 v61, v61;
	s2 =	smul.f32 s30, s2;
	s21 =	ssub.s32 $0x5F3759DF, s20;
	v53 =	vld [tilespmem:s24+$0x90];
	v57 =	vadd.f32 v56, v57  }
0x116: {  	s4 =	smul.f32 s21, s4;
	s0 =	spop (v2sf);
	(v2sf) =	vpush v50, $0xF;
	v56 =	vld [tilespmem:s24+$0xA0]  }
0x117: {  	s5 =	sshra.s32 s0, $0x1;
	s6 =	smul.f32 $5.000000000e-01, s0;
	v60 =	vadd.f32 v58, v57;
	v57 =	vld [tilespmem:s24+$0xC0]  }
0x118: {  	[tilespmem:$0x1FFF0] =	vst v61;
	v61 =	vmul.f32 v54, v54;
	s4 =	smul.f32 s21, s4;
	s7 =	ssub.s32 $0x5F3759DF, s5;
	v58 =	vld [tilespmem:s24+$0xD0]  }
0x119: {  	v59 =	vld [tilespmem:s24+$0xB0];
	s5 =	smul.f32 s7, s6  }
0x11a: {  	[tilespmem:$0x1FFD0] =	vst v48;
	s20 =	smul.f32 $5.000000000e+00, s2;
	s4 =	ssub.f32 $1.500000000e+00, s4;
	v48 =	vmul.f32 v55, v55;
	v61 =	vadd.f32 v61, v60;
	v49 =	vmul.f32 v53, v53;
	v60 =	vld [tilespmem:s24+$0xE0]  }
0x11b: {  	s5 =	smul.f32 s7, s5;
	v51, _, _ =	vpop (xrf2)  }
0x11c: {  	s1 =	smul.f32 s21, s4;
	(v2sf) =	vpush v51, $0xF;
	(xrf2) =	vadd.scan.msk.f32 $0xffff, v61;
	v51 =	vadd.f32 v49, v48;
	v49 =	vmul.f32 v56, v56;
	v61 =	vld [tilespmem:s24+$0xF0];
	v50, _, _ =	vpop (xrf2)  }
0x11d: {  	s4 =	ssub.f32 $1.500000000e+00, s5;
	s5 =	spop (v2sf);
	v48 =	vmul.f32 v58, v58;
	(v2sf) =	vpush v50, $0xF;
	v50 =	vmul.f32 v57, v57  }
0x11e: {  	s30 =	smul.f32 $5.000000000e+00, s1;
	v49 =	vadd.f32 v49, v51;
	v51 =	vmul.f32 v59, v59  }
0x11f: {  	s2 =	smul.f32 s7, s4;
	v48 =	vadd.f32 v48, v50;
	v50 =	vmul.f32 v60, v60  }
0x120: {  	s6 =	sshra.s32 s5, $0x1;
	s9 =	smul.f32 $5.000000000e-01, s5;
	v49 =	vadd.f32 v51, v49  }
0x121: {  	s2 =	smul.f32 $5.000000000e+00, s2;
	s6 =	ssub.s32 $0x5F3759DF, s6;
	v48 =	vadd.f32 v50, v48;
	v50 =	vmul.f32 v61, v61  }
0x122: {  	s1 =	smul.f32 s6, s9;
	s4 =	spop (v2sf);
	(xrf2) =	vadd.scan.msk.f32 $0xffff, v49  }
0x123: {  	s10 =	sshra.s32 s4, $0x1;
	s12 =	smul.f32 $5.000000000e-01, s4;
	v48 =	vadd.f32 v50, v48  }
0x124: {  	s21 =	smul.f32 s6, s1;
	s7 =	ssub.s32 $0x5F3759DF, s10  }
0x125: {  	s24 =	smul.f32 s7, s12;
	s1 =	spop (v2sf)  }
0x126: {  	s9 =	smul.f32 $5.000000000e-01, s1;
	s10 =	sshra.s32 s1, $0x1;
	(xrf2) =	vadd.scan.msk.f32 $0xffff, v48  }
0x127: {  	s21 =	ssub.f32 $1.500000000e+00, s21;
	s24 =	smul.f32 s7, s24;
	s10 =	ssub.s32 $0x5F3759DF, s10;
	v48, _, _ =	vpop (xrf2)  }
0x128: {  	s9 =	smul.f32 s10, s9;
	(v2sf) =	vpush v48, $0xF  }
0x129: {  	p0 =	sgt.f32 s26, $2.500000000e+01;
	s6 =	smul.f32 s6, s21  }
0x12a: {  	s24 =	ssub.f32 $1.500000000e+00, s24;
	s9 =	smul.f32 s10, s9  }
0x12b: {  	v33 =	vadd.f32 v47, v33;
	s25 =	simm.s32 @!p0 $0x3F800000;
	p0 =	sgt.f32 s5, $2.500000000e+01;
	s5 =	smul.f32 $5.000000000e+00, s6  }
0x12c: {  	v62 =	vadd.f32 v62, v63;
	v38 =	vadd.f32 v42, v38;
	s26 =	spop (v2sf);
	s7 =	smul.f32 s7, s24;
	v63, _, _ =	vpop (xrf2)  }
0x12d: {  	s29 =	simm.s32 @!p1 $0x3F800000;
	v33 =	vadd.f32 v41, v33;
	s12 =	smul.f32 $5.000000000e-01, s26;
	s9 =	ssub.f32 $1.500000000e+00, s9;
	(v2sf) =	vpush v63, $0xF  }
0x12e: {  	p3 =	sgt.f32 s28, $2.500000000e+01;
	v36 =	vadd.f32 v36, v39;
	v15 =	vmul.f32 s29, v15;
	v23 =	vmul.f32 s29, v23;
	s28 =	sshra.s32 s26, $0x1;
	s7 =	smul.f32 $5.000000000e+00, s7  }
0x12f: {  	v8 =	vmul.f32 s29, v8;
	v38 =	vadd.f32 v46, v38;
	v33 =	vadd.f32 v43, v33;
	s9 =	smul.f32 s10, s9;
	s10 =	ssub.s32 $0x5F3759DF, s28  }
0x130: {  	v12 =	vmul.f32 s29, v12;
	v36 =	vadd.f32 v45, v36;
	v15 =	vadd.f32 v15, v62;
	s12 =	smul.f32 s10, s12;
	s24 =	spop (v2sf);
	v48, _, _ =	vpop (xrf2)  }
0x131: {  	p2 =	sgt.f32 s31, $2.500000000e+01;
	v18 =	vmul.f32 s25, v18;
	v8 =	vadd.f32 v8, v33;
	s21 =	sshra.s32 s24, $0x1;
	s29 =	smul.f32 $5.000000000e-01, s24;
	(v2sf) =	vpush v48, $0xF  }
0x132: {  	v23 =	vadd.f32 v23, v38;
	v12 =	vadd.f32 v12, v36;
	v7 =	vmul.f32 s25, v7;
	s20 =	simm.s32 @!p3 $0x3F800000;
	s12 =	smul.f32 s10, s12;
	s21 =	ssub.s32 $0x5F3759DF, s21  }
0x133: {  	v11 =	vmul.f32 s25, v11;
	v8 =	vadd.f32 v18, v8;
	v3 =	vmul.f32 s20, v3;
	s28 =	smul.f32 s21, s29  }
0x134: {  	v21 =	vmul.f32 s25, v21;
	v7 =	vadd.f32 v7, v12;
	v13 =	vmul.f32 s20, v13;
	s30 =	simm.s32 @!p2 $0x3F800000;
	s9 =	smul.f32 $5.000000000e+00, s9;
	s29 =	ssub.f32 $1.500000000e+00, s12  }
0x135: {  	v11 =	vadd.f32 v11, v15;
	p1 =	sgt.f32 s0, $2.500000000e+01;
	v3 =	vadd.f32 v3, v8;
	v5 =	vmul.f32 s30, v5;
	s0 =	smul.f32 s21, s28  }
0x136: {  	v19 =	vmul.f32 s20, v19;
	v7 =	vadd.f32 v13, v7;
	v62 =	vmul.f32 s30, v9;
	s6 =	smul.f32 s10, s29  }
0x137: {  	v16 =	vmul.f32 s20, v16;
	v3 =	vadd.f32 v5, v3;
	s2 =	simm.s32 @!p1 $0x3F800000;
	v49 =	vadd.f32 v21, v23;
	s31 =	ssub.f32 $1.500000000e+00, s0;
	s0 =	spop (v2sf)  }
0x138: {  	v7 =	vadd.f32 v62, v7;
	v51 =	vmul.f32 s30, v24;
	v2 =	vmul.f32 s2, v2;
	s25 =	sshra.s32 s0, $0x1;
	s28 =	smul.f32 $5.000000000e-01, s0  }
0x139: {  	p2 =	sgt.f32 s4, $2.500000000e+01;
	v15 =	vmul.f32 s2, v6;
	v1 =	vmul.f32 s2, v1;
	v13 =	vadd.f32 v16, v49;
	s6 =	smul.f32 $5.000000000e+00, s6;
	s4 =	ssub.s32 $0x5F3759DF, s25  }
0x13a: {  	v2 =	vadd.f32 v2, v7;
	v50 =	vmul.f32 s30, v20;
	s5 =	simm.s32 @!p0 $0x3F800000;
	v63 =	vadd.f32 v19, v11;
	s12 =	smul.f32 s4, s28  }
0x13b: {  	p1 =	sgt.f32 s1, $2.500000000e+01;
	v18 =	vadd.f32 v51, v13;
	v21 =	vmul.f32 s5, v27;
	v19 =	vmul.f32 s2, v17;
	s21 =	smul.f32 s21, s31  }
0x13c: {  	v3 =	vadd.f32 v15, v3;
	v4 =	vmul.f32 s5, v4;
	v16 =	vadd.f32 v50, v63;
	s10 =	spop (v2sf);
	s29 =	smul.f32 s4, s12  }
0x13d: {  	v23 =	vmul.f32 s5, v31;
	s7 =	simm.s32 @!p2 $0x3F800000;
	v2 =	vadd.f32 v21, v2;
	v5 =	vadd.f32 v19, v18;
	s30 =	sshra.s32 s10, $0x1;
	s31 =	smul.f32 $5.000000000e-01, s10  }
0x13e: {  	v20 =	vmul.f32 s5, v25;
	v3 =	vadd.f32 v4, v3;
	v1 =	vadd.f32 v1, v16;
	s2 =	smul.f32 $5.000000000e+00, s21;
	s12 =	ssub.s32 $0x5F3759DF, s30;
	s1 =	ssub.f32 $1.500000000e+00, s29  }
0x13f: {  	v27 =	vmul.f32 s7, v22;
	v0 =	vmul.f32 s7, v0;
	v5 =	vadd.f32 v23, v5;
	s20 =	smul.f32 s12, s31  }
0x140: {  	v24 =	vmul.f32 s7, v10;
	v25 =	vmul.f32 s7, v14;
	s9 =	simm.s32 @!p1 $0x3F800000;
	v1 =	vadd.f32 v20, v1;
	s21 =	spop (v2sf);
	s1 =	smul.f32 s4, s1  }
0x141: {  	p0 =	sgt.f32 s26, $2.500000000e+01;
	v0 =	vadd.f32 v0, v3;
	v38 =	vmul.f32 s9, v30;
	v5 =	vadd.f32 v27, v5;
	s25 =	sshra.s32 s21, $0x1;
	s26 =	smul.f32 $5.000000000e-01, s21  }
0x142: {  	v45 =	vld [tilespmem:$0x1FFC0];
	v2 =	vadd.f32 v25, v2;
	v28 =	vmul.f32 s9, v28;
	v1 =	vadd.f32 v24, v1;
	s4 =	smul.f32 s12, s20;
	s5 =	ssub.s32 $0x5F3759DF, s25  }
0x143: {  	v46 =	vld [tilespmem:$0x1FFD0];
	v31 =	vmul.f32 s9, v26;
	v33 =	vmul.f32 s9, v29;
	v5 =	vadd.f32 v38, v5;
	s6 =	simm.s32 @!p0 $0x3F800000;
	s28 =	smul.f32 s5, s26  }
0x144: {  	v1 =	vadd.f32 v28, v1;
	p0 =	sgt.f32 s24, $2.500000000e+01;
	v36 =	vmul.f32 s6, v35;
	v39 =	vmul.f32 s6, v44;
	s4 =	ssub.f32 $1.500000000e+00, s4  }
0x145: {  	v50 =	vld [tilespmem:$0x1FFF0];
	v0 =	vadd.f32 v31, v0;
	v2 =	vadd.f32 v33, v2;
	v41 =	vmul.f32 s6, v32;
	s29 =	smul.f32 s5, s28  }
0x146: {  	v48 =	vld [tilespmem:$0x1FFE0];
	v42 =	vmul.f32 s6, v34;
	v1 =	vadd.f32 v36, v1;
	v5 =	vadd.f32 v39, v5;
	s2 =	simm.s32 @!p0 $0x3F800000;
	p0 =	sgt.f32 s0, $2.500000000e+01;
	s4 =	smul.f32 s12, s4  }
0x147: {  	v0 =	vadd.f32 v41, v0;
	v43 =	vmul.f32 s2, v40;
	v8 =	vmul.f32 s2, v45;
	s1 =	smul.f32 $5.000000000e+00, s1;
	s0 =	ssub.f32 $1.500000000e+00, s29  }
0x148: {  	v2 =	vadd.f32 v42, v2;
	v44 =	vmul.f32 s2, v37;
	v6 =	vmul.f32 s2, v46;
	s2 =	smul.f32 $5.000000000e+00, s4  }
0x149: {  	v1 =	vadd.f32 v43, v1;
	v5 =	vadd.f32 v8, v5;
	s1 =	simm.s32 @!p0 $0x3F800000;
	p0 =	sgt.f32 s10, $2.500000000e+01;
	s0 =	smul.f32 s5, s0  }
0x14a: {  	v0 =	vadd.f32 v44, v0;
	v47 =	vmul.f32 s1, v52;
	v49 =	vmul.f32 s1, v54  }
0x14b: {  	v2 =	vadd.f32 v6, v2;
	v10 =	vmul.f32 s1, v48;
	v8 =	vmul.f32 s1, v50;
	s2 =	simm.s32 @!p0 $0x3F800000;
	p0 =	sgt.f32 s21, $2.500000000e+01;
	s0 =	smul.f32 $5.000000000e+00, s0  }
0x14c: {  	v1 =	vadd.f32 v47, v1;
	v51 =	vadd.f32 v49, v5;
	v52 =	vmul.f32 s2, v55  }
0x14d: {  	v0 =	vadd.f32 v10, v0;
	v2 =	vadd.f32 v8, v2;
	v54 =	vmul.f32 s2, v53;
	s0 =	simm.s32 @!p0 $0x3F800000  }
0x14e: {  	v55 =	vmul.f32 s2, v56;
	v1 =	vadd.f32 v52, v1;
	v56 =	vmul.f32 s0, v57  }
0x14f: {  	v0 =	vadd.f32 v54, v0;
	v57 =	vmul.f32 s2, v59;
	v59 =	vmul.f32 s0, v58  }
0x150: {  	s30 =	sshll.u32 s22, $0x7;
	v2 =	vadd.f32 v55, v2;
	p0 =	seq.s32 s22, $0x3F;
	v60 =	vmul.f32 s0, v60;
	v1 =	vadd.f32 v56, v1  }
.Ltmp1:
0x151: {  	s31 =	sand.u32 $0x3FFFFF80, s30;
	v62 =	vmul.f32 s0, v61;
	v3 =	vadd.f32 v57, v51;
	v0 =	vadd.f32 v59, v0;
	(pc) =	sbr.rel @p0 .LBB2_6-.Ltmp1, $4  }
0x152: {  	v2 =	vadd.f32 v60, v2;
	[tilespmem:s31+$0xC990] =	vst v1  }
0x153: {  	v63 =	vadd.f32 v62, v3;
	[tilespmem:s31+$0xC9A0] =	vst v0  }
0x154: {  	[tilespmem:s31+$0xC9B0] =	vst v2  }
0x155: {  	[tilespmem:s31+$0xC9C0] =	vst v63  }
0x156: {  	s0 =	smul.u32 $0x640, s22;
	_ =	sdelay $0x1  }
0x157: {  	s24 =	sshra.s32 s0, $0x2  }
0x158: {  	v0 =	vld [tilespmem:s24+$0x190];
	_ =	sdelay $0x4  }
0x159: {  	v1 =	vshll.u32 v0, $0x1  }
0x15a: {  	v2 =	vand.u32 $0xFFFFC000, v0;
	v0 =	vshrl.u32 v0, $0xD;
	v1 =	vand.u32 $0x3FFE, v1  }
0x15b: {  	v0 =	vand.u32 $0x1, v0;
	v1 =	vor.u32 v2, v1  }
0x15c: {  	v0 =	vor.u32 v0, v1  }
0x15d: {  	[tilespmem:$0x6400] =	vst v0  }
0x15e: {  	v0 =	vld [tilespmem:s24+$0x1A0];
	_ =	sdelay $0x4  }
0x15f: {  	v40 =	vshll.u32 v0, $0x1  }
0x160: {  	v41 =	vand.u32 $0xFFFFC000, v0;
	v0 =	vshrl.u32 v0, $0xD;
	v1 =	vand.u32 $0x3FFE, v40  }
0x161: {  	v0 =	vand.u32 $0x1, v0;
	v1 =	vor.u32 v41, v1  }
0x162: {  	v0 =	vor.u32 v0, v1  }
0x163: {  	[tilespmem:$0x6410] =	vst v0  }
0x164: {  	v0 =	vld [tilespmem:s24+$0x1B0];
	_ =	sdelay $0x4  }
0x165: {  	v42 =	vshll.u32 v0, $0x1  }
0x166: {  	v43 =	vand.u32 $0xFFFFC000, v0;
	v0 =	vshrl.u32 v0, $0xD;
	v1 =	vand.u32 $0x3FFE, v42  }
0x167: {  	v0 =	vand.u32 $0x1, v0;
	v1 =	vor.u32 v43, v1  }
0x168: {  	v0 =	vor.u32 v0, v1  }
0x169: {  	[tilespmem:$0x6420] =	vst v0  }
0x16a: {  	v0 =	vld [tilespmem:s24+$0x1C0];
	_ =	sdelay $0x4  }
0x16b: {  	v44 =	vshll.u32 v0, $0x1  }
0x16c: {  	v45 =	vand.u32 $0xFFFFC000, v0;
	v0 =	vshrl.u32 v0, $0xD;
	v1 =	vand.u32 $0x3FFE, v44  }
0x16d: {  	v0 =	vand.u32 $0x1, v0;
	v1 =	vor.u32 v45, v1  }
0x16e: {  	v0 =	vor.u32 v0, v1  }
0x16f: {  	[tilespmem:$0x6430] =	vst v0  }
0x170: {  	v0 =	vld [tilespmem:s24+$0x1D0];
	_ =	sdelay $0x4  }
0x171: {  	v46 =	vshll.u32 v0, $0x1  }
0x172: {  	v47 =	vand.u32 $0xFFFFC000, v0;
	v0 =	vshrl.u32 v0, $0xD;
	v1 =	vand.u32 $0x3FFE, v46  }
0x173: {  	v0 =	vand.u32 $0x1, v0;
	v1 =	vor.u32 v47, v1  }
0x174: {  	v0 =	vor.u32 v0, v1  }
0x175: {  	[tilespmem:$0x6440] =	vst v0  }
0x176: {  	v0 =	vld [tilespmem:s24+$0x1E0];
	_ =	sdelay $0x4  }
0x177: {  	v48 =	vshll.u32 v0, $0x1  }
0x178: {  	v49 =	vand.u32 $0xFFFFC000, v0;
	v0 =	vshrl.u32 v0, $0xD;
	v1 =	vand.u32 $0x3FFE, v48  }
0x179: {  	v0 =	vand.u32 $0x1, v0;
	v1 =	vor.u32 v49, v1  }
0x17a: {  	v0 =	vor.u32 v0, v1  }
0x17b: {  	[tilespmem:$0x6450] =	vst v0  }
0x17c: {  	v0 =	vld [tilespmem:s24+$0x1F0];
	_ =	sdelay $0x4  }
0x17d: {  	v50 =	vshll.u32 v0, $0x1  }
0x17e: {  	v51 =	vand.u32 $0xFFFFC000, v0;
	v0 =	vshrl.u32 v0, $0xD;
	v1 =	vand.u32 $0x3FFE, v50  }
0x17f: {  	v0 =	vand.u32 $0x1, v0;
	v1 =	vor.u32 v51, v1  }
0x180: {  	v0 =	vor.u32 v0, v1  }
0x181: {  	[tilespmem:$0x6460] =	vst v0  }
0x182: {  	v0 =	vld [tilespmem:s24+$0x200];
	_ =	sdelay $0x4  }
0x183: {  	v52 =	vshll.u32 v0, $0x1  }
0x184: {  	v53 =	vand.u32 $0xFFFFC000, v0;
	v0 =	vshrl.u32 v0, $0xD;
	v1 =	vand.u32 $0x3FFE, v52  }
0x185: {  	v0 =	vand.u32 $0x1, v0;
	v1 =	vor.u32 v53, v1  }
0x186: {  	v0 =	vor.u32 v0, v1  }
0x187: {  	[tilespmem:$0x6470] =	vst v0  }
0x188: {  	v0 =	vld [tilespmem:s24+$0x210];
	_ =	sdelay $0x4  }
0x189: {  	v54 =	vshll.u32 v0, $0x1  }
0x18a: {  	v55 =	vand.u32 $0xFFFFC000, v0;
	v0 =	vshrl.u32 v0, $0xD;
	v1 =	vand.u32 $0x3FFE, v54  }
0x18b: {  	v0 =	vand.u32 $0x1, v0;
	v1 =	vor.u32 v55, v1  }
0x18c: {  	v0 =	vor.u32 v0, v1  }
0x18d: {  	[tilespmem:$0x6480] =	vst v0  }
0x18e: {  	v0 =	vld [tilespmem:s24+$0x220];
	_ =	sdelay $0x4  }
0x18f: {  	v56 =	vshll.u32 v0, $0x1  }
0x190: {  	v57 =	vand.u32 $0xFFFFC000, v0;
	v0 =	vshrl.u32 v0, $0xD;
	v1 =	vand.u32 $0x3FFE, v56  }
0x191: {  	v0 =	vand.u32 $0x1, v0;
	v1 =	vor.u32 v57, v1  }
0x192: {  	v0 =	vor.u32 v0, v1  }
0x193: {  	[tilespmem:$0x6490] =	vst v0  }
0x194: {  	v0 =	vld [tilespmem:s24+$0x230];
	_ =	sdelay $0x4  }
0x195: {  	v58 =	vshll.u32 v0, $0x1  }
0x196: {  	v59 =	vand.u32 $0xFFFFC000, v0;
	v0 =	vshrl.u32 v0, $0xD;
	v1 =	vand.u32 $0x3FFE, v58  }
0x197: {  	v0 =	vand.u32 $0x1, v0;
	v1 =	vor.u32 v59, v1  }
0x198: {  	v0 =	vor.u32 v0, v1  }
0x199: {  	[tilespmem:$0x64A0] =	vst v0  }
0x19a: {  	v0 =	vld [tilespmem:s24+$0x240];
	_ =	sdelay $0x4  }
0x19b: {  	v60 =	vshll.u32 v0, $0x1  }
0x19c: {  	v61 =	vand.u32 $0xFFFFC000, v0;
	v0 =	vshrl.u32 v0, $0xD;
	v1 =	vand.u32 $0x3FFE, v60  }
0x19d: {  	v0 =	vand.u32 $0x1, v0;
	v1 =	vor.u32 v61, v1  }
0x19e: {  	v0 =	vor.u32 v0, v1  }
0x19f: {  	[tilespmem:$0x64B0] =	vst v0  }
0x1a0: {  	v0 =	vld [tilespmem:s24+$0x248];
	_ =	sdelay $0x4  }
0x1a1: {  	v62 =	vshll.u32 v0, $0x1  }
0x1a2: {  	v63 =	vand.u32 $0xFFFFC000, v0;
	v0 =	vshrl.u32 v0, $0xD;
	v1 =	vand.u32 $0x3FFE, v62  }
0x1a3: {  	v0 =	vand.u32 $0x1, v0;
	v1 =	vor.u32 v63, v1  }
0x1a4: {  	v0 =	vor.u32 v0, v1  }
0x1a5: {  	s30 =	simm.s32 $0x6400;
	s1 =	simm.s32 $0x6590;
	[tilespmem:$0x64B8] =	vst v0  }
0x1a6: {  	[tilespmem:s1], [sflag:$0x1] =	stream.indirect.gather [hbm4b:s3+s8], $0x40, s30, s8, $0xb8;
	[tilespmem:$0xE990] =	vst v63  }
0x1a7: {  	s31 =	simm.s32 $0x6480  }
0x1a8: {  	[tilespmem:s13], [sflag:$0x1] =	stream.indirect.gather [hbm4b:s3+s11], $0x40, s31, s11, $0xb8;
	[tilespmem:$0xE990] =	vst v63  }
.LBB2_6:
0x1a9: {  	_ =	swait.ge [sflag:s19], $0x2000  }
0x1aa: {  	[sflag:s19] =	ssyncset.done $0x0  }
0x1ab: {  	[sflag:s19] =	ssyncadd.s32 $0xFFFFE000  }
0x1ac: {  	_ =	swait.ge [sflag:s19], $0x1200  }
0x1ad: {  	[sflag:s19] =	ssyncset.done $0x0  }
0x1ae: {  	s1 =	simm.s32 $0x9980;
	[sflag:s19] =	ssyncadd.s32 $0xFFFFEE00  }
0x1af: {  	v30 =	vld [tilespmem:s1+$0xFFFFFE10]  }
0x1b0: {  	v37 =	vld [tilespmem:s1+$0xFFFFFE20]  }
0x1b1: {  	v41 =	vld [tilespmem:s1+$0xFFFFFE60]  }
0x1b2: {  	v38 =	vld [tilespmem:s1+$0xFFFFFE30]  }
0x1b3: {  	v35 =	vld [tilespmem:s1+$0xFFFFFE50]  }
0x1b4: {  	v32 =	vld [tilespmem:s1+$0xFFFFFE40]  }
0x1b5: {  	v36 =	vld [tilespmem:s1+$0xFFFFFE70];
	v0 =	vmul.f32 v30, v30;
	v1 =	vmul.f32 v37, v37  }
0x1b6: {  	v34 =	vld [tilespmem:s1+$0xFFFFFE80]  }
0x1b7: {  	v40 =	vld [tilespmem:s1+$0xFFFFFEA0];
	v0 =	vadd.f32 v1, v0;
	v1 =	vmul.f32 v38, v38  }
0x1b8: {  	v43 =	vld [tilespmem:s1+$0xFFFFFE90];
	v2 =	vmul.f32 v41, v41;
	v3 =	vmul.f32 v35, v35  }
0x1b9: {  	v45 =	vld [tilespmem:s1+$0xFFFFFEB0];
	v0 =	vadd.f32 v1, v0;
	v1 =	vmul.f32 v32, v32  }
0x1ba: {  	v8 =	vld [tilespmem:s1+$0xFFFFFEE0];
	v4 =	vmul.f32 v36, v36;
	v2 =	vadd.f32 v2, v3  }
0x1bb: {  	v15 =	vld [tilespmem:s1+$0xFFFFFED0];
	v0 =	vadd.f32 v1, v0  }
0x1bc: {  	v46 =	vld [tilespmem:s1+$0xFFFFFEC0];
	v2 =	vadd.f32 v4, v2;
	v1 =	vmul.f32 v34, v34  }
0x1bd: {  	v12 =	vld [tilespmem:s1+$0xFFFFFEF0];
	v3 =	vmul.f32 v40, v40;
	v4 =	vmul.f32 v43, v43;
	(xrf2) =	vadd.scan.msk.f32 $0xffff, v0  }
0x1be: {  	v0 =	vadd.f32 v1, v2  }
0x1bf: {  	v23 =	vld [tilespmem:s1+$0xFFFFFF00];
	v1 =	vadd.f32 v3, v4;
	v2 =	vmul.f32 v45, v45  }
0x1c0: {  	v3 =	vmul.f32 v8, v8;
	(xrf2) =	vadd.scan.msk.f32 $0xffff, v0;
	v0 =	vmul.f32 v15, v15  }
0x1c1: {  	v1 =	vadd.f32 v2, v1;
	v2 =	vmul.f32 v46, v46  }
0x1c2: {  	v18 =	vld [tilespmem:s1+$0xFFFFFF20];
	v0 =	vadd.f32 v3, v0;
	v3 =	vmul.f32 v12, v12  }
0x1c3: {  	v11 =	vld [tilespmem:s1+$0xFFFFFF10];
	v1 =	vadd.f32 v2, v1  }
0x1c4: {  	v2 =	vmul.f32 v23, v23;
	v0 =	vadd.f32 v3, v0  }
0x1c5: {  	v7 =	vld [tilespmem:s1+$0xFFFFFF30]  }
0x1c6: {  	v21 =	vld [tilespmem:s1+$0xFFFFFF40];
	(xrf2) =	vadd.scan.msk.f32 $0xffff, v1;
	v0 =	vadd.f32 v2, v0  }
0x1c7: {  	v19 =	vld [tilespmem:s1+$0xFFFFFF50];
	v1, _, _ =	vpop (xrf2)  }
0x1c8: {  	v3 =	vld [tilespmem:s1+$0xFFFFFF60];
	(xrf2) =	vadd.scan.msk.f32 $0xffff, v0;
	v0 =	vmul.f32 v18, v18;
	(v2sf) =	vpush v1, $0xF;
	v1 =	vmul.f32 v11, v11;
	_ =	sdelay $0x1  }
0x1c9: {  	v13 =	vld [tilespmem:s1+$0xFFFFFF70];
	v2, _, _ =	vpop (xrf2);
	v0 =	vadd.f32 v0, v1;
	v1 =	vmul.f32 v7, v7  }
0x1ca: {  	(v2sf) =	vpush v2, $0xF  }
0x1cb: {  	v16 =	vld [tilespmem:s1+$0xFFFFFF80];
	v0 =	vadd.f32 v1, v0;
	v1 =	vmul.f32 v21, v21  }
0x1cc: {  	v4 =	vmul.f32 v19, v19;
	v2 =	vmul.f32 v3, v3;
	_ =	sdelay $0x1  }
0x1cd: {  	v5 =	vld [tilespmem:s1+$0xFFFFFFA0];
	v2 =	vadd.f32 v2, v4;
	v4 =	vmul.f32 v13, v13;
	v0 =	vadd.f32 v1, v0  }
0x1ce: {  	v20 =	vld [tilespmem:s1+$0xFFFFFF90];
	v1, _, _ =	vpop (xrf2)  }
0x1cf: {  	(xrf2) =	vadd.scan.msk.f32 $0xffff, v0;
	v0 =	vadd.f32 v4, v2;
	(v2sf) =	vpush v1, $0xF;
	v1 =	vmul.f32 v16, v16  }
0x1d0: {  	v9 =	vld [tilespmem:s1+$0xFFFFFFB0]  }
0x1d1: {  	v6 =	vld [tilespmem:s1+$0xFFFFFFE0];
	v2, _, _ =	vpop (xrf2);
	v0 =	vadd.f32 v1, v0  }
0x1d2: {  	(v2sf) =	vpush v2, $0xF;
	v1 =	vld [tilespmem:s1+$0xFFFFFFD0]  }
0x1d3: {  	v24 =	vld [tilespmem:s1+$0xFFFFFFC0];
	v2 =	vmul.f32 v20, v20;
	(xrf2) =	vadd.scan.msk.f32 $0xffff, v0;
	v0 =	vmul.f32 v5, v5;
	_ =	sdelay $0x1  }
0x1d4: {  	s5 =	spop (v2sf);
	v0 =	vadd.f32 v0, v2;
	v2 =	vld [tilespmem:s1+$0xFFFFFFF0]  }
0x1d5: {  	v4 =	vmul.f32 v9, v9;
	s0 =	sshra.s32 s5, $0x1;
	s2 =	smul.f32 $5.000000000e-01, s5  }
0x1d6: {  	v17 =	vld [tilespmem:s1+$0x0];
	v25 =	vmul.f32 v6, v6;
	v22 =	vmul.f32 v1, v1;
	s0 =	ssub.s32 $0x5F3759DF, s0  }
0x1d7: {  	v14 =	vmul.f32 v24, v24;
	s26 =	spop (v2sf);
	v4 =	vadd.f32 v4, v0;
	s4 =	smul.f32 s0, s2  }
0x1d8: {  	s24 =	simm.s32 $0x9B80;
	s10 =	sshra.s32 s26, $0x1;
	s6 =	smul.f32 $5.000000000e-01, s26;
	v10, _, _ =	vpop (xrf2);
	v22 =	vadd.f32 v25, v22  }
0x1d9: {  	v0 =	vld [tilespmem:s24+$0xFFFFFE60];
	s7 =	ssub.s32 $0x5F3759DF, s10;
	(v2sf) =	vpush v10, $0xF;
	v26 =	vadd.f32 v14, v4;
	s4 =	smul.f32 s0, s4;
	v27 =	vmul.f32 v2, v2  }
0x1da: {  	v25 =	vld [tilespmem:s24+$0xFFFFFE10];
	s1 =	smul.f32 s7, s6  }
0x1db: {  	v28 =	vmul.f32 v17, v17;
	v10 =	vld [tilespmem:s24+$0xFFFFFE50];
	(xrf2) =	vadd.scan.msk.f32 $0xffff, v26;
	s12 =	ssub.f32 $1.500000000e+00, s4;
	v26 =	vadd.f32 v27, v22  }
0x1dc: {  	v4 =	vld [tilespmem:s24+$0xFFFFFE20];
	s1 =	smul.f32 s7, s1  }
0x1dd: {  	v14 =	vld [tilespmem:s24+$0xFFFFFE70];
	v22, _, _ =	vpop (xrf2);
	s4 =	spop (v2sf);
	s0 =	smul.f32 s0, s12;
	v26 =	vadd.f32 v28, v26  }
0x1de: {  	v27 =	vld [tilespmem:s24+$0xFFFFFE30];
	s9 =	ssub.f32 $1.500000000e+00, s1;
	(v2sf) =	vpush v22, $0xF;
	s20 =	smul.f32 $5.000000000e-01, s4  }
0x1df: {  	v31 =	vld [tilespmem:s24+$0xFFFFFE40];
	s1 =	smul.f32 $5.000000000e+00, s0;
	(xrf2) =	vadd.scan.msk.f32 $0xffff, v26  }
0x1e0: {  	v22 =	vld [tilespmem:s24+$0xFFFFFE80];
	v28 =	vmul.f32 v0, v0;
	v29 =	vmul.f32 v10, v10;
	s10 =	sshra.s32 s4, $0x1;
	s0 =	spop (v2sf);
	s7 =	smul.f32 s7, s9  }
0x1e1: {  	v33 =	vmul.f32 v25, v25;
	v39 =	vmul.f32 v4, v4;
	s10 =	ssub.s32 $0x5F3759DF, s10;
	v26 =	vld [tilespmem:s24+$0xFFFFFEA0];
	s12 =	smul.f32 $5.000000000e-01, s0  }
0x1e2: {  	p0 =	sgt.f32 s5, $2.500000000e+01;
	v42 =	vmul.f32 v14, v14;
	v29 =	vadd.f32 v28, v29;
	v28 =	vld [tilespmem:s24+$0xFFFFFE90];
	s21 =	smul.f32 s10, s20;
	s25 =	sshra.s32 s0, $0x1  }
0x1e3: {  	v39 =	vadd.f32 v39, v33;
	v44 =	vmul.f32 v27, v27;
	s7 =	smul.f32 $5.000000000e+00, s7;
	s6 =	ssub.s32 $0x5F3759DF, s25  }
0x1e4: {  	v57 =	vmul.f32 v31, v31;
	v33 =	vimm.f32 $0.0e+00;
	s1 =	simm.s32 @!p0 $0x3F800000;
	v42 =	vadd.f32 v42, v29;
	v29 =	vld [tilespmem:s24+$0xFFFFFEB0];
	p0 =	sgt.f32 s26, $2.500000000e+01;
	s5 =	smul.f32 s10, s21  }
0x1e5: {  	v47 =	vmul.f32 v22, v22;
	v56 =	vadd.f32 v44, v39;
	s26 =	smul.f32 s6, s12;
	v59 =	vmul.f32 s1, v30;
	v30 =	vld [tilespmem:s24+$0xFFFFFEC0];
	v60, _, _ =	vpop (xrf2)  }
0x1e6: {  	v58 =	vmul.f32 s1, v32;
	v32 =	vld [tilespmem:s24+$0xFFFFFEE0];
	s7 =	simm.s32 @!p0 $0x3F800000;
	s5 =	ssub.f32 $1.500000000e+00, s5;
	v61 =	vmul.f32 v26, v26;
	(v2sf) =	vpush v60, $0xF  }
0x1e7: {  	v50 =	vadd.f32 v57, v56;
	v51 =	vmul.f32 v28, v28;
	s2 =	smul.f32 s6, s26;
	v52 =	vmul.f32 s7, v35;
	v35 =	vld [tilespmem:s24+$0xFFFFFED0]  }
0x1e8: {  	v48 =	vmul.f32 s1, v38;
	v49 =	vadd.f32 v47, v42;
	v42 =	vmul.f32 s7, v34;
	v34 =	vld [tilespmem:s24+$0xFFFFFEF0];
	s5 =	smul.f32 s10, s5;
	s26 =	spop (v2sf)  }
0x1e9: {  	v38 =	vadd.f32 v58, v33;
	v62 =	vadd.f32 v61, v51;
	v63 =	vmul.f32 v29, v29;
	(xrf2) =	vadd.scan.msk.f32 $0xffff, v50;
	s9 =	sshra.s32 s26, $0x1;
	s10 =	smul.f32 $5.000000000e-01, s26;
	v56, _, _ =	vpop (xrf2)  }
0x1ea: {  	v36 =	vmul.f32 s7, v36;
	v53 =	vadd.f32 v59, v33;
	s2 =	ssub.f32 $1.500000000e+00, s2;
	s5 =	smul.f32 $5.000000000e+00, s5;
	s31 =	ssub.s32 $0x5F3759DF, s9;
	(v2sf) =	vpush v56, $0xF  }
0x1eb: {  	p0 =	sgt.f32 s4, $2.500000000e+01;
	v41 =	vmul.f32 s7, v41;
	v58 =	vmul.f32 v30, v30;
	v57 =	vadd.f32 v63, v62;
	s4 =	smul.f32 s31, s10  }
0x1ec: {  	p1 =	sgt.f32 s0, $2.500000000e+01;
	v44 =	vld [tilespmem:s24+$0xFFFFFF00];
	v39 =	vadd.f32 v48, v33;
	v47 =	vmul.f32 s1, v37;
	v54 =	vmul.f32 v32, v32;
	(xrf2) =	vadd.scan.msk.f32 $0xffff, v49;
	s12 =	smul.f32 s6, s2  }
0x1ed: {  	v59 =	vmul.f32 v35, v35;
	v51 =	vmul.f32 v34, v34;
	s5 =	simm.s32 @!p0 $0x3F800000;
	v48 =	vadd.f32 v58, v57;
	s20 =	smul.f32 s31, s4;
	s28 =	spop (v2sf)  }
0x1ee: {  	s25 =	simm.s32 $0x8;
	v37 =	vld [tilespmem:s24+$0xFFFFFF20];
	v63 =	vadd.f32 v52, v53;
	v62 =	vmul.f32 s5, v43;
	v43 =	vmul.f32 s5, v40;
	s21 =	sshra.s32 s28, $0x1;
	s0 =	smul.f32 $5.000000000e-01, s28  }
0x1ef: {  	s29 =	smul.f32 $5.000000000e+00, s12;
	v45 =	vmul.f32 s5, v45;
	v49 =	vadd.f32 v54, v59;
	v40 =	vld [tilespmem:s24+$0xFFFFFF10];
	v46 =	vmul.f32 s5, v46;
	(xrf2) =	vadd.scan.msk.f32 $0xffff, v48;
	s1 =	ssub.f32 $1.500000000e+00, s20;
	s30 =	ssub.s32 $0x5F3759DF, s21  }
.LBB2_7:
0x1f0: {  	s25 =	sadd.s32 $0x8, s25;
	v48 =	vadd.f32 v62, v63;
	s0 =	smul.f32 s30, s0  }
0x1f1: {  	p0 =	slt.u32 s25, $0xC0;
	v49 =	vadd.f32 v51, v49;
	v50 =	vmul.f32 v44, v44;
	v51 =	vld [tilespmem:s24+$0xFFFFFF30];
	s29 =	simm.s32 @!p1 $0x3F800000;
	s1 =	smul.f32 s31, s1  }
0x1f2: {  	v52 =	vmul.f32 s29, v15;
	v53 =	vmul.f32 s29, v23;
	s2 =	smul.f32 s30, s0;
	v15 =	vmovc v35;
	v23 =	vmov v44  }
0x1f3: {  	p1 =	sgt.f32 s26, $2.500000000e+01;
	v35 =	vmul.f32 s29, v8;
	v44 =	vadd.f32 v50, v49;
	v49 =	vmul.f32 v37, v37;
	v50 =	vld [tilespmem:s24+$0xFFFFFF60];
	v54, _, _ =	vpop (xrf2)  }
0x1f4: {  	v8 =	vmovc v32;
	s4 =	smul.f32 $5.000000000e+00, s1;
	v55 =	vld [tilespmem:s24+$0xFFFFFF40];
	v56 =	vmul.f32 v40, v40;
	(v2sf) =	vpush v54, $0xF;
	v48 =	vadd.f32 v52, v48  }
0x1f5: {  	v32 =	vld [tilespmem:s24+$0xFFFFFF50];
	(xrf2) =	vadd.scan.msk.f32 $0xffff, v44;
	v44 =	vmul.f32 s29, v12;
	s0 =	spop (v2sf);
	v12 =	vmov v34  }
0x1f6: {  	s2 =	ssub.f32 $1.500000000e+00, s2;
	v34 =	vadd.f32 v49, v56;
	v49 =	vmul.f32 v51, v51;
	v52, _, _ =	vpop (xrf2);
	s1 =	sshra.s32 s0, $0x1;
	s5 =	smul.f32 $5.000000000e-01, s0  }
0x1f7: {  	s4 =	simm.s32 @!p1 $0x3F800000;
	v54 =	vld [tilespmem:s24+$0xFFFFFF70];
	(v2sf) =	vpush v52, $0xF;
	s1 =	ssub.s32 $0x5F3759DF, s1  }
0x1f8: {  	s2 =	smul.f32 s30, s2;
	v52 =	vmul.f32 s4, v18;
	v18 =	vmovc v37;
	v34 =	vadd.f32 v49, v34;
	v49 =	vmul.f32 v50, v50  }
0x1f9: {  	v58 =	vmul.f32 s4, v21;
	s5 =	smul.f32 s1, s5;
	v37 =	vmul.f32 v55, v55;
	v56 =	vld [tilespmem:s24+$0xFFFFFFA0];
	v57, _, _ =	vpop (xrf2);
	s26 =	spop (v2sf);
	v21 =	vmov v55  }
0x1fa: {  	p1 =	sgt.f32 s28, $2.500000000e+01;
	s2 =	smul.f32 $5.000000000e+00, s2;
	v55 =	vld [tilespmem:s24+$0xFFFFFF80];
	v59 =	vmul.f32 v32, v32;
	(v2sf) =	vpush v57, $0xF;
	v57 =	vmul.f32 s4, v11;
	s6 =	sshra.s32 s26, $0x1;
	v11 =	vmovc v40  }
0x1fb: {  	v33 =	vadd.f32 v47, v33;
	v47 =	vmul.f32 s4, v7;
	v7 =	vmovc v51;
	s4 =	smul.f32 $5.000000000e-01, s26;
	v34 =	vadd.f32 v37, v34;
	v40 =	vld [tilespmem:s24+$0xFFFFFF90]  }
0x1fc: {  	s2 =	simm.s32 @!p1 $0x3F800000;
	s5 =	smul.f32 s1, s5;
	s6 =	ssub.s32 $0x5F3759DF, s6;
	v37 =	vadd.f32 v49, v59;
	v49 =	vmul.f32 v54, v54;
	v48 =	vadd.f32 v57, v48  }
0x1fd: {  	s4 =	smul.f32 s6, s4;
	v51 =	vld [tilespmem:s24+$0xFFFFFFB0];
	(xrf2) =	vadd.scan.msk.f32 $0xffff, v34;
	v34 =	vadd.f32 v42, v38;
	v38 =	vmul.f32 s2, v19;
	v42 =	vmul.f32 s2, v3;
	v3 =	vmovc v50  }
0x1fe: {  	s5 =	ssub.f32 $1.500000000e+00, s5;
	v50 =	vmul.f32 s2, v13;
	v19 =	vmovc v32;
	v13 =	vmovc v54;
	v37 =	vadd.f32 v49, v37;
	v49 =	vmul.f32 v56, v56  }
0x1ff: {  	v32 =	vmul.f32 v55, v55;
	v54 =	vld [tilespmem:s24+$0xFFFFFFC0];
	v57, _, _ =	vpop (xrf2);
	v38 =	vadd.f32 v38, v48;
	v48 =	vmul.f32 s2, v16;
	s2 =	smul.f32 s6, s4  }
0x200: {  	v36 =	vadd.f32 v36, v39;
	v16 =	vmovc v55;
	s4 =	smul.f32 s1, s5;
	v59 =	vmul.f32 v40, v40;
	(v2sf) =	vpush v57, $0xF  }
0x201: {  	p1 =	sgt.f32 s0, $2.500000000e+01;
	v34 =	vadd.f32 v46, v34;
	v32 =	vadd.f32 v32, v37;
	v39 =	vld [tilespmem:s24+$0xFFFFFFD0];
	s0 =	ssub.f32 $1.500000000e+00, s2  }
0x202: {  	v33 =	vadd.f32 v41, v33;
	s7 =	smul.f32 $5.000000000e+00, s4;
	v37 =	vadd.f32 v49, v59;
	v46 =	vmul.f32 v51, v51;
	v49 =	vld [tilespmem:s24+$0xFFFFFFE0]  }
0x203: {  	v34 =	vadd.f32 v53, v34;
	s1 =	spop (v2sf);
	(xrf2) =	vadd.scan.msk.f32 $0xffff, v32;
	v32 =	vadd.f32 v45, v36;
	s6 =	smul.f32 s6, s0  }
0x204: {  	v33 =	vadd.f32 v43, v33;
	s2 =	sshra.s32 s1, $0x1;
	s4 =	smul.f32 $5.000000000e-01, s1;
	v36 =	vadd.f32 v46, v37;
	v37 =	vmul.f32 v54, v54;
	v41 =	vld [tilespmem:s24+$0xFFFFFFF0]  }
0x205: {  	v43 =	vadd.f32 v58, v34;
	s7 =	simm.s32 @!p1 $0x3F800000;
	s2 =	ssub.s32 $0x5F3759DF, s2;
	v32 =	vadd.f32 v44, v32;
	s6 =	smul.f32 $5.000000000e+00, s6  }
0x206: {  	v33 =	vadd.f32 v35, v33;
	s0 =	smul.f32 s2, s4;
	v36 =	vadd.f32 v37, v36;
	v44 =	vld [tilespmem:s24+$0x0];
	v45 =	vmul.f32 v39, v39;
	s24 =	sadd.s32 $0x200, s24;
	s4 =	spop (v2sf)  }
0x207: {  	v43 =	vadd.f32 v48, v43;
	v48 =	vmul.f32 s7, v20;
	v34 =	vld [tilespmem:s24+$0xFFFFFE70];
	s5 =	sshra.s32 s4, $0x1;
	s9 =	smul.f32 $5.000000000e-01, s4;
	v35 =	vmul.f32 v49, v49;
	v46, _, _ =	vpop (xrf2)  }
0x208: {  	v33 =	vadd.f32 v52, v33;
	p2 =	sgt.f32 s26, $2.500000000e+01;
	v20 =	vmovc v40;
	v37 =	vld [tilespmem:s24+$0xFFFFFE60];
	s0 =	smul.f32 s2, s0;
	s5 =	ssub.s32 $0x5F3759DF, s5;
	(v2sf) =	vpush v46, $0xF;
	(xrf2) =	vadd.scan.msk.f32 $0xffff, v36;
	v36 =	vmul.f32 s7, v24  }
0x209: {  	v32 =	vadd.f32 v47, v32;
	v24 =	vmovc v54;
	v46 =	vld [tilespmem:s24+$0xFFFFFE50];
	s9 =	smul.f32 s5, s9;
	v35 =	vadd.f32 v35, v45;
	v45 =	vmul.f32 v41, v41;
	s28 =	spop (v2sf)  }
0x20a: {  	v33 =	vadd.f32 v42, v33;
	v42 =	vmul.f32 s7, v5;
	v52 =	vmul.f32 s7, v9;
	v5 =	vmovc v56;
	v9 =	vmovc v51;
	v47 =	vld [tilespmem:s24+$0xFFFFFE10];
	s10 =	ssub.f32 $1.500000000e+00, s0;
	s0 =	sshra.s32 s28, $0x1;
	s20 =	smul.f32 $5.000000000e-01, s28  }
0x20b: {  	v32 =	vadd.f32 v50, v32;
	v40 =	vld [tilespmem:s24+$0xFFFFFE20];
	s7 =	smul.f32 s5, s9;
	s0 =	ssub.s32 $0x5F3759DF, s0;
	v35 =	vadd.f32 v45, v35;
	v53 =	vmul.f32 v44, v44  }
0x20c: {  	v33 =	vadd.f32 v42, v33;
	s6 =	simm.s32 @!p2 $0x3F800000;
	v50 =	vld [tilespmem:s24+$0xFFFFFE80]  }
0x20d: {  	v38 =	vadd.f32 v48, v38;
	v55 =	vmul.f32 s6, v17;
	v32 =	vadd.f32 v52, v32;
	s2 =	smul.f32 s2, s10  }
0x20e: {  	p1 =	sgt.f32 s1, $2.500000000e+01;
	v51 =	vmul.f32 v34, v34;
	v42 =	vld [tilespmem:s24+$0xFFFFFE30];
	v48 =	vmul.f32 v37, v37;
	v35 =	vadd.f32 v53, v35;
	v45, _, _ =	vpop (xrf2);
	s7 =	ssub.f32 $1.500000000e+00, s7  }
0x20f: {  	v53 =	vmul.f32 v46, v46;
	(v2sf) =	vpush v45, $0xF;
	s1 =	smul.f32 $5.000000000e+00, s2;
	v52 =	vmul.f32 v47, v47  }
0x210: {  	v45 =	vld [tilespmem:s24+$0xFFFFFE40];
	s2 =	spop (v2sf);
	(xrf2) =	vadd.scan.msk.f32 $0xffff, v35;
	v35 =	vadd.f32 v36, v43;
	v36 =	vmul.f32 s6, v6;
	v6 =	vmovc v49;
	v49 =	vmul.f32 s6, v1;
	s5 =	smul.f32 s5, s7  }
0x211: {  	v1 =	vmovc v39;
	v43 =	vmul.f32 v40, v40;
	v48 =	vadd.f32 v48, v53;
	s9 =	sshra.s32 s2, $0x1;
	s10 =	smul.f32 $5.000000000e-01, s2;
	s1 =	simm.s32 @!p1 $0x3F800000;
	v39 =	vmul.f32 v50, v50  }
0x212: {  	p2 =	sgt.f32 s4, $2.500000000e+01;
	s7 =	smul.f32 s0, s20;
	v53 =	vld [tilespmem:s24+$0xFFFFFEA0];
	s4 =	ssub.s32 $0x5F3759DF, s9;
	v33 =	vadd.f32 v36, v33;
	v36 =	vmul.f32 s6, v2;
	v2 =	vmovc v41;
	v56 =	vmul.f32 s1, v31  }
0x213: {  	s5 =	smul.f32 $5.000000000e+00, s5;
	v49 =	vadd.f32 v49, v38;
	v41 =	vadd.f32 v43, v52;
	v43 =	vmul.f32 v42, v42;
	v52 =	vld [tilespmem:s24+$0xFFFFFE90];
	v54, _, _ =	vpop (xrf2)  }
0x214: {  	v17 =	vmovc v44;
	s6 =	smul.f32 s0, s7;
	v48 =	vadd.f32 v51, v48;
	v51 =	vmul.f32 s1, v27;
	v27 =	vmovc v42;
	v44 =	vadd.f32 v36, v32  }
0x215: {  	s7 =	smul.f32 s4, s10;
	s5 =	simm.s32 @!p2 $0x3F800000;
	v41 =	vadd.f32 v43, v41;
	v42 =	vmul.f32 v45, v45;
	v57 =	vld [tilespmem:s24+$0xFFFFFEB0];
	v43 =	vadd.f32 v55, v35;
	v31 =	vmovc v45  }
0x216: {  	s6 =	ssub.f32 $1.500000000e+00, s6;
	v45 =	vadd.f32 v39, v48;
	v39 =	vmul.f32 s1, v25;
	v25 =	vmovc v47;
	v55 =	vmul.f32 s5, v10  }
0x217: {  	s7 =	smul.f32 s4, s7;
	v41 =	vadd.f32 v42, v41;
	v48 =	vld [tilespmem:s24+$0xFFFFFEC0];
	v58 =	vmul.f32 v53, v53;
	(v2sf) =	vpush v54, $0xF  }
0x218: {  	v10 =	vmov v46;
	v36 =	vmul.f32 s5, v14;
	s0 =	smul.f32 s0, s6;
	v54 =	vmul.f32 v52, v52;
	v32 =	vld [tilespmem:s24+$0xFFFFFEE0];
	s26 =	spop (v2sf)  }
0x219: {  	p2 =	sgt.f32 s28, $2.500000000e+01;
	v14 =	vmovc v34;
	v38 =	vadd.f32 v56, v43;
	v42 =	vmul.f32 s5, v22;
	v22 =	vmovc v50;
	v49 =	vadd.f32 v39, v49;
	v35 =	vld [tilespmem:s24+$0xFFFFFED0];
	s6 =	sshra.s32 s26, $0x1;
	s9 =	smul.f32 $5.000000000e-01, s26  }
0x21a: {  	v43 =	vadd.f32 v58, v54;
	v46 =	vmul.f32 v57, v57;
	(xrf2) =	vadd.scan.msk.f32 $0xffff, v41;
	v47, _, _ =	vpop (xrf2);
	v41 =	vmul.f32 s5, v0;
	s5 =	smul.f32 $5.000000000e+00, s0;
	s31 =	ssub.s32 $0x5F3759DF, s6  }
0x21b: {  	v39 =	vadd.f32 v51, v44;
	s0 =	ssub.f32 $1.500000000e+00, s7;
	v0 =	vmovc v37;
	v34 =	vld [tilespmem:s24+$0xFFFFFEF0];
	(v2sf) =	vpush v47, $0xF;
	v47 =	vmul.f32 s1, v4;
	s1 =	smul.f32 s31, s9  }
.Ltmp2:
0x21c: {  	p1 =	sgt.f32 s2, $2.500000000e+01;
	v37 =	vadd.f32 v46, v43;
	v43 =	vmul.f32 v48, v48;
	(pc) =	sbr.rel @p0 .LBB2_7-.Ltmp2, $4  }
0x21d: {  	v4 =	vmov v40;
	s5 =	simm.s32 @!p2 $0x3F800000;
	s2 =	smul.f32 s4, s0;
	v44 =	vld [tilespmem:s24+$0xFFFFFF00];
	v46 =	vmul.f32 v32, v32;
	(xrf2) =	vadd.scan.msk.f32 $0xffff, v45  }
0x21e: {  	v62 =	vmul.f32 s5, v28;
	s1 =	smul.f32 s31, s1;
	v28 =	vmovc v52;
	v50 =	vadd.f32 v43, v37;
	v40 =	vmul.f32 v35, v35;
	s28 =	spop (v2sf)  }
0x21f: {  	v63 =	vadd.f32 v55, v49;
	v45 =	vmul.f32 s5, v29;
	v29 =	vmovc v57;
	v43 =	vmul.f32 s5, v26;
	v26 =	vmovc v53;
	v37 =	vld [tilespmem:s24+$0xFFFFFF20];
	s4 =	sshra.s32 s28, $0x1;
	s0 =	smul.f32 $5.000000000e-01, s28  }
0x220: {  	s29 =	smul.f32 $5.000000000e+00, s2;
	s1 =	ssub.f32 $1.500000000e+00, s1;
	v49 =	vadd.f32 v46, v40;
	v51 =	vmul.f32 v34, v34;
	v40 =	vld [tilespmem:s24+$0xFFFFFF10];
	(xrf2) =	vadd.scan.msk.f32 $0xffff, v50;
	v46 =	vmul.f32 s5, v30;
	s30 =	ssub.s32 $0x5F3759DF, s4;
	v30 =	vmovc v48  }
0x221: {  	_ = 	snop  }
0x222: {  	v48 =	vld [tilespmem:s24+$0xFFFFFF30];
	_ =	sdelay $0x1  }
0x223: {  	v50 =	vld [tilespmem:s24+$0xFFFFFF40]  }
0x224: {  	v52 =	vmul.f32 v37, v37;
	v53 =	vmul.f32 v40, v40;
	_ =	sdelay $0x1  }
0x225: {  	v55 =	vmul.f32 v48, v48;
	v53 =	vadd.f32 v52, v53  }
0x226: {  	v58 =	vld [tilespmem:s24+$0xFFFFFF60];
	v49 =	vadd.f32 v51, v49;
	v57 =	vmul.f32 v44, v44;
	v54, _, _ =	vpop (xrf2)  }
0x227: {  	(v2sf) =	vpush v54, $0xF;
	v59 =	vmul.f32 v50, v50;
	v52 =	vld [tilespmem:s24+$0xFFFFFF50];
	v53 =	vadd.f32 v55, v53  }
0x228: {  	s0 =	smul.f32 s30, s0;
	v51 =	vadd.f32 v57, v49  }
0x229: {  	v61 =	vld [tilespmem:s24+$0xFFFFFF70];
	s1 =	smul.f32 s31, s1;
	v53 =	vadd.f32 v59, v53  }
0x22a: {  	s2 =	smul.f32 s30, s0;
	(xrf2) =	vadd.scan.msk.f32 $0xffff, v51;
	v60, _, _ =	vpop (xrf2)  }
0x22b: {  	s25 =	smul.f32 $5.000000000e+00, s1;
	[tilespmem:$0x1FF80] =	vst v50;
	v50, _, _ =	vpop (xrf2);
	(xrf2) =	vadd.scan.msk.f32 $0xffff, v53  }
0x22c: {  	v54 =	vld [tilespmem:s24+$0xFFFFFF80];
	s2 =	ssub.f32 $1.500000000e+00, s2;
	s31 =	spop (v2sf);
	v56 =	vmul.f32 v58, v58;
	(v2sf) =	vpush v60, $0xF;
	v57 =	vmul.f32 v52, v52  }
0x22d: {  	s7 =	sshra.s32 s31, $0x1;
	s4 =	smul.f32 $5.000000000e-01, s31;
	v55 =	vld [tilespmem:s24+$0xFFFFFF90]  }
0x22e: {  	[tilespmem:$0x1FFA0] =	vst v58;
	v58 =	vmul.f32 v61, v61;
	s2 =	smul.f32 s30, s2;
	s9 =	ssub.s32 $0x5F3759DF, s7;
	v53 =	vld [tilespmem:s24+$0xFFFFFFA0];
	v57 =	vadd.f32 v56, v57  }
0x22f: {  	s4 =	smul.f32 s9, s4;
	s0 =	spop (v2sf);
	(v2sf) =	vpush v50, $0xF;
	v56 =	vld [tilespmem:s24+$0xFFFFFFB0]  }
0x230: {  	s5 =	sshra.s32 s0, $0x1;
	s6 =	smul.f32 $5.000000000e-01, s0;
	v60 =	vadd.f32 v58, v57;
	v57 =	vld [tilespmem:s24+$0xFFFFFFD0]  }
0x231: {  	[tilespmem:$0x1FFB0] =	vst v61;
	v61 =	vmul.f32 v54, v54;
	s4 =	smul.f32 s9, s4;
	s7 =	ssub.s32 $0x5F3759DF, s5;
	v58 =	vld [tilespmem:s24+$0xFFFFFFE0]  }
0x232: {  	v59 =	vld [tilespmem:s24+$0xFFFFFFC0];
	s5 =	smul.f32 s7, s6  }
0x233: {  	[tilespmem:$0x1FF90] =	vst v48;
	s20 =	smul.f32 $5.000000000e+00, s2;
	s4 =	ssub.f32 $1.500000000e+00, s4;
	v48 =	vmul.f32 v55, v55;
	v61 =	vadd.f32 v61, v60;
	v49 =	vmul.f32 v53, v53;
	v60 =	vld [tilespmem:s24+$0xFFFFFFF0]  }
0x234: {  	s5 =	smul.f32 s7, s5;
	v51, _, _ =	vpop (xrf2)  }
0x235: {  	s1 =	smul.f32 s9, s4;
	(v2sf) =	vpush v51, $0xF;
	(xrf2) =	vadd.scan.msk.f32 $0xffff, v61;
	v51 =	vadd.f32 v49, v48;
	v49 =	vmul.f32 v56, v56;
	v61 =	vld [tilespmem:s24+$0x0];
	v50, _, _ =	vpop (xrf2)  }
0x236: {  	s10 =	ssub.f32 $1.500000000e+00, s5;
	s5 =	spop (v2sf);
	v48 =	vmul.f32 v58, v58;
	(v2sf) =	vpush v50, $0xF;
	v50 =	vmul.f32 v57, v57  }
0x237: {  	s30 =	smul.f32 $5.000000000e+00, s1;
	v49 =	vadd.f32 v49, v51;
	v51 =	vmul.f32 v59, v59  }
0x238: {  	s2 =	smul.f32 s7, s10;
	v48 =	vadd.f32 v48, v50;
	v50 =	vmul.f32 v60, v60  }
0x239: {  	s12 =	sshra.s32 s5, $0x1;
	s21 =	smul.f32 $5.000000000e-01, s5;
	v49 =	vadd.f32 v51, v49  }
0x23a: {  	s2 =	smul.f32 $5.000000000e+00, s2;
	s24 =	ssub.s32 $0x5F3759DF, s12;
	v48 =	vadd.f32 v50, v48;
	v50 =	vmul.f32 v61, v61  }
0x23b: {  	s1 =	smul.f32 s24, s21;
	s4 =	spop (v2sf);
	(xrf2) =	vadd.scan.msk.f32 $0xffff, v49  }
0x23c: {  	s21 =	sshra.s32 s4, $0x1;
	s9 =	smul.f32 $5.000000000e-01, s4;
	v48 =	vadd.f32 v50, v48  }
0x23d: {  	s10 =	smul.f32 s24, s1;
	s7 =	ssub.s32 $0x5F3759DF, s21  }
0x23e: {  	s9 =	smul.f32 s7, s9;
	s1 =	spop (v2sf)  }
0x23f: {  	s12 =	smul.f32 $5.000000000e-01, s1;
	s21 =	sshra.s32 s1, $0x1;
	(xrf2) =	vadd.scan.msk.f32 $0xffff, v48  }
0x240: {  	s10 =	ssub.f32 $1.500000000e+00, s10;
	s9 =	smul.f32 s7, s9;
	s21 =	ssub.s32 $0x5F3759DF, s21;
	v48, _, _ =	vpop (xrf2)  }
0x241: {  	s12 =	smul.f32 s21, s12;
	(v2sf) =	vpush v48, $0xF  }
0x242: {  	p0 =	sgt.f32 s26, $2.500000000e+01;
	s6 =	smul.f32 s24, s10  }
0x243: {  	s9 =	ssub.f32 $1.500000000e+00, s9;
	s24 =	smul.f32 s21, s12  }
0x244: {  	v33 =	vadd.f32 v47, v33;
	s25 =	simm.s32 @!p0 $0x3F800000;
	p0 =	sgt.f32 s5, $2.500000000e+01;
	s5 =	smul.f32 $5.000000000e+00, s6  }
0x245: {  	v62 =	vadd.f32 v62, v63;
	v38 =	vadd.f32 v42, v38;
	s26 =	spop (v2sf);
	s7 =	smul.f32 s7, s9;
	v63, _, _ =	vpop (xrf2)  }
0x246: {  	s29 =	simm.s32 @!p1 $0x3F800000;
	v33 =	vadd.f32 v41, v33;
	s12 =	smul.f32 $5.000000000e-01, s26;
	s10 =	ssub.f32 $1.500000000e+00, s24;
	(v2sf) =	vpush v63, $0xF  }
0x247: {  	p3 =	sgt.f32 s28, $2.500000000e+01;
	v36 =	vadd.f32 v36, v39;
	v15 =	vmul.f32 s29, v15;
	v23 =	vmul.f32 s29, v23;
	s28 =	sshra.s32 s26, $0x1;
	s7 =	smul.f32 $5.000000000e+00, s7  }
0x248: {  	v8 =	vmul.f32 s29, v8;
	v38 =	vadd.f32 v46, v38;
	v33 =	vadd.f32 v43, v33;
	s9 =	ssub.s32 $0x5F3759DF, s28;
	s10 =	smul.f32 s21, s10  }
0x249: {  	v12 =	vmul.f32 s29, v12;
	v36 =	vadd.f32 v45, v36;
	v15 =	vadd.f32 v15, v62;
	s12 =	smul.f32 s9, s12;
	s24 =	spop (v2sf);
	v48, _, _ =	vpop (xrf2)  }
0x24a: {  	p2 =	sgt.f32 s31, $2.500000000e+01;
	v18 =	vmul.f32 s25, v18;
	v8 =	vadd.f32 v8, v33;
	s21 =	sshra.s32 s24, $0x1;
	s29 =	smul.f32 $5.000000000e-01, s24;
	(v2sf) =	vpush v48, $0xF  }
0x24b: {  	v23 =	vadd.f32 v23, v38;
	v12 =	vadd.f32 v12, v36;
	v7 =	vmul.f32 s25, v7;
	s20 =	simm.s32 @!p3 $0x3F800000;
	s12 =	smul.f32 s9, s12;
	s21 =	ssub.s32 $0x5F3759DF, s21  }
0x24c: {  	v11 =	vmul.f32 s25, v11;
	v8 =	vadd.f32 v18, v8;
	v3 =	vmul.f32 s20, v3;
	s28 =	smul.f32 s21, s29  }
0x24d: {  	v21 =	vmul.f32 s25, v21;
	v7 =	vadd.f32 v7, v12;
	v13 =	vmul.f32 s20, v13;
	s30 =	simm.s32 @!p2 $0x3F800000;
	s10 =	smul.f32 $5.000000000e+00, s10;
	s29 =	ssub.f32 $1.500000000e+00, s12  }
0x24e: {  	v11 =	vadd.f32 v11, v15;
	p1 =	sgt.f32 s0, $2.500000000e+01;
	v3 =	vadd.f32 v3, v8;
	v5 =	vmul.f32 s30, v5;
	s0 =	smul.f32 s21, s28  }
0x24f: {  	v19 =	vmul.f32 s20, v19;
	v7 =	vadd.f32 v13, v7;
	v62 =	vmul.f32 s30, v9;
	s6 =	smul.f32 s9, s29  }
0x250: {  	v16 =	vmul.f32 s20, v16;
	v3 =	vadd.f32 v5, v3;
	s2 =	simm.s32 @!p1 $0x3F800000;
	v49 =	vadd.f32 v21, v23;
	s31 =	ssub.f32 $1.500000000e+00, s0;
	s0 =	spop (v2sf)  }
0x251: {  	v7 =	vadd.f32 v62, v7;
	v51 =	vmul.f32 s30, v24;
	v2 =	vmul.f32 s2, v2;
	s25 =	sshra.s32 s0, $0x1;
	s28 =	smul.f32 $5.000000000e-01, s0  }
0x252: {  	p2 =	sgt.f32 s4, $2.500000000e+01;
	v15 =	vmul.f32 s2, v6;
	v1 =	vmul.f32 s2, v1;
	v13 =	vadd.f32 v16, v49;
	s6 =	smul.f32 $5.000000000e+00, s6;
	s4 =	ssub.s32 $0x5F3759DF, s25  }
0x253: {  	v2 =	vadd.f32 v2, v7;
	v50 =	vmul.f32 s30, v20;
	s5 =	simm.s32 @!p0 $0x3F800000;
	v63 =	vadd.f32 v19, v11;
	s12 =	smul.f32 s4, s28  }
0x254: {  	p1 =	sgt.f32 s1, $2.500000000e+01;
	v18 =	vadd.f32 v51, v13;
	v21 =	vmul.f32 s5, v27;
	v19 =	vmul.f32 s2, v17;
	s21 =	smul.f32 s21, s31  }
0x255: {  	v3 =	vadd.f32 v15, v3;
	v4 =	vmul.f32 s5, v4;
	v16 =	vadd.f32 v50, v63;
	s9 =	spop (v2sf);
	s29 =	smul.f32 s4, s12  }
0x256: {  	v23 =	vmul.f32 s5, v31;
	s7 =	simm.s32 @!p2 $0x3F800000;
	v2 =	vadd.f32 v21, v2;
	v5 =	vadd.f32 v19, v18;
	s30 =	sshra.s32 s9, $0x1;
	s31 =	smul.f32 $5.000000000e-01, s9  }
0x257: {  	v20 =	vmul.f32 s5, v25;
	v3 =	vadd.f32 v4, v3;
	v1 =	vadd.f32 v1, v16;
	s2 =	smul.f32 $5.000000000e+00, s21;
	s12 =	ssub.s32 $0x5F3759DF, s30;
	s1 =	ssub.f32 $1.500000000e+00, s29  }
0x258: {  	v27 =	vmul.f32 s7, v22;
	v0 =	vmul.f32 s7, v0;
	v5 =	vadd.f32 v23, v5;
	s20 =	smul.f32 s12, s31  }
0x259: {  	v24 =	vmul.f32 s7, v10;
	v25 =	vmul.f32 s7, v14;
	s10 =	simm.s32 @!p1 $0x3F800000;
	v1 =	vadd.f32 v20, v1;
	s21 =	spop (v2sf);
	s1 =	smul.f32 s4, s1  }
0x25a: {  	p0 =	sgt.f32 s26, $2.500000000e+01;
	v0 =	vadd.f32 v0, v3;
	v38 =	vmul.f32 s10, v30;
	v5 =	vadd.f32 v27, v5;
	s25 =	sshra.s32 s21, $0x1;
	s26 =	smul.f32 $5.000000000e-01, s21  }
0x25b: {  	v45 =	vld [tilespmem:$0x1FF80];
	v2 =	vadd.f32 v25, v2;
	v28 =	vmul.f32 s10, v28;
	v1 =	vadd.f32 v24, v1;
	s4 =	smul.f32 s12, s20;
	s5 =	ssub.s32 $0x5F3759DF, s25  }
0x25c: {  	v46 =	vld [tilespmem:$0x1FF90];
	v31 =	vmul.f32 s10, v26;
	v33 =	vmul.f32 s10, v29;
	v5 =	vadd.f32 v38, v5;
	s6 =	simm.s32 @!p0 $0x3F800000;
	s28 =	smul.f32 s5, s26  }
0x25d: {  	v1 =	vadd.f32 v28, v1;
	p0 =	sgt.f32 s24, $2.500000000e+01;
	v36 =	vmul.f32 s6, v35;
	v39 =	vmul.f32 s6, v44;
	s4 =	ssub.f32 $1.500000000e+00, s4  }
0x25e: {  	v50 =	vld [tilespmem:$0x1FFB0];
	v0 =	vadd.f32 v31, v0;
	v2 =	vadd.f32 v33, v2;
	v41 =	vmul.f32 s6, v32;
	s29 =	smul.f32 s5, s28  }
0x25f: {  	v48 =	vld [tilespmem:$0x1FFA0];
	v42 =	vmul.f32 s6, v34;
	v1 =	vadd.f32 v36, v1;
	v5 =	vadd.f32 v39, v5;
	s2 =	simm.s32 @!p0 $0x3F800000;
	p0 =	sgt.f32 s0, $2.500000000e+01;
	s4 =	smul.f32 s12, s4  }
0x260: {  	v0 =	vadd.f32 v41, v0;
	v43 =	vmul.f32 s2, v40;
	v8 =	vmul.f32 s2, v45;
	s1 =	smul.f32 $5.000000000e+00, s1;
	s0 =	ssub.f32 $1.500000000e+00, s29  }
0x261: {  	v2 =	vadd.f32 v42, v2;
	v44 =	vmul.f32 s2, v37;
	v6 =	vmul.f32 s2, v46;
	s2 =	smul.f32 $5.000000000e+00, s4  }
0x262: {  	v1 =	vadd.f32 v43, v1;
	v5 =	vadd.f32 v8, v5;
	s1 =	simm.s32 @!p0 $0x3F800000;
	p0 =	sgt.f32 s9, $2.500000000e+01;
	s0 =	smul.f32 s5, s0  }
0x263: {  	v0 =	vadd.f32 v44, v0;
	v47 =	vmul.f32 s1, v52;
	v49 =	vmul.f32 s1, v54  }
0x264: {  	v2 =	vadd.f32 v6, v2;
	v10 =	vmul.f32 s1, v48;
	v8 =	vmul.f32 s1, v50;
	s2 =	simm.s32 @!p0 $0x3F800000;
	p0 =	sgt.f32 s21, $2.500000000e+01;
	s0 =	smul.f32 $5.000000000e+00, s0  }
0x265: {  	v1 =	vadd.f32 v47, v1;
	v51 =	vadd.f32 v49, v5;
	v52 =	vmul.f32 s2, v55  }
0x266: {  	v0 =	vadd.f32 v10, v0;
	v2 =	vadd.f32 v8, v2;
	v54 =	vmul.f32 s2, v53;
	s0 =	simm.s32 @!p0 $0x3F800000  }
0x267: {  	v55 =	vmul.f32 s2, v56;
	v1 =	vadd.f32 v52, v1;
	v56 =	vmul.f32 s0, v57  }
0x268: {  	s22 =	sadd.s32 $0x1, s22;
	v0 =	vadd.f32 v54, v0;
	v57 =	vmul.f32 s2, v59;
	v59 =	vmul.f32 s0, v58  }
0x269: {  	s30 =	sshll.u32 s23, $0x6;
	v2 =	vadd.f32 v55, v2;
	p0 =	sne.s32 s22, $0x40;
	v60 =	vmul.f32 s0, v60;
	v1 =	vadd.f32 v56, v1  }
.Ltmp3:
0x26a: {  	s31 =	sand.u32 $0x3FFFFFC0, s30;
	v62 =	vmul.f32 s0, v61;
	v3 =	vadd.f32 v57, v51;
	v0 =	vadd.f32 v59, v0;
	(pc) =	sbr.rel @p0 .LBB2_2-.Ltmp3, $4  }
0x26b: {  	v2 =	vadd.f32 v60, v2;
	[tilespmem:s31+$0xC990] =	vst v1  }
0x26c: {  	v63 =	vadd.f32 v62, v3;
	[tilespmem:s31+$0xC9A0] =	vst v0  }
0x26d: {  	[tilespmem:s31+$0xC9B0] =	vst v2  }
0x26e: {  	[tilespmem:s31+$0xC9C0] =	vst v63  }
0x26f: {  	s6 =	simm.s32 $0x0;
	s0 =	rddreg [dreg:$0x3];
	s1 =	simm.s32 $0xC990  }
0x270: {  	[hbm4b:s0+s6] =	stream.linear.scatter [tilespmem:s1], [sflag:$0x3], $0x2000, $0x38;
	[tilespmem:$0xE990] =	vst v63  }
0x271: {  	s1 =	simm.s32 $0x3  }
0x272: {  	_ =	swait.ge [sflag:s1], $0x2000  }
0x273: {  	s2 =	rddreg [dreg:$0x5]  }
0x274: {  	s31 =	rddreg [dreg:$0x4];
	s2 =	sadd.s32 $0x1, s2  }
0x275: {  	p0 =	sne.s32 s2, s31  }
.Ltmp4:
0x276: {  	_ = 	snop;
	(pc) =	sbr.rel @p0 .LBB2_1-.Ltmp4, $3  }
0x277: {  	_ =	sdelay $0x1  }
0x278: {  	[sflag:s1] =	ssyncset.done $0x0  }
0x279: {  	[sflag:s1] =	ssyncadd.s32 $0xFFFFE000  }
0x27a: {  	_ =	sfence.sel $0x180000  }
0x27b: {  	[bflag:$0x0] =	sbarrier.arrive $0xFFFF  }
0x27c: {  	_ =	strace $0x90000047  }
0x27d: {  	s0 =	stileid.u32;
	[bflag:$0x2] =	sbarrier.arrive $0xFFFF  }
0x27e: {  	p0 =	sne.s32 s0, $0x0;
	s0 =	rddreg [dreg:$0x1]  }
0x27f: {  	s0 =	sadd.s32 @!p0 $0x100000, s0  }
0x280: {  	[sflag:s0] =	ssyncadd.tile.s32 @!p0 $0x1;
	_ =	shalt  }
.Lfunc_end2:
_tile_overlayer_lowered:
.L_overlay_start_2:
0x281: {  	(tag) =	ssettag $0x2  }
0x282: {  	s0 =	rddreg [dreg:$0x0];
	s2 =	stileid.u32  }
0x283: {  	s1 =	rddreg [dreg:$0x1];
	p0 =	sne.s32 s2, $0x0  }
0x284: {  	s3 =	rddreg [dreg:$0x2];
	[bflag:$0x3] =	sbarrier.arrive $0xFFFF;
	s2 =	simm.s32 @!p0 $0x1C03  }
0x285: {  	[timem:s3], [sflag:s2] =	dma.local @!p0 [hbm:s0], s1  }
0x286: {  	s0 =	simm.s32 @!p0 $0x3  }
0x287: {  	_ =	swait.ge @!p0 [sflag:s0], s1  }
0x288: {  	s1 =	ssub.s32 @!p0 $0x0, s1;
	[sflag:s0] =	ssyncset.done @!p0 $0x0  }
0x289: {  	[sflag:s0] =	ssyncadd.s32 @!p0 s1  }
0x28a: {  	[bflag:$0x3] =	sbarrier.arrive $0xFFFF  }
0x28b: {  	_ =	shalt  }

</sc_bundles>
